<compile_context>
chip_gen: v7x
topology: tpu7x:2x2x1
jax: 0.10.2.dev20260603
libtpu: 0.0.44.dev20260713+nightly
codegen_flags: <defaults>
</compile_context>

<pallas_src>
import numpy as np
import jax
import jax.numpy as jnp
from jax import lax
from jax.experimental import pallas as pl
from jax.experimental.pallas import tpu as pltpu
from jax.experimental.pallas import tpu_sc as plsc

_D = 256
_BN = 1280
_N = 160000
_NB = _N // _BN
_S = 10000
_SPAD = 11392
_BM = 712
_BW = _BN + 8
_WF = 128
_NR = _BN // 128

_TRI = np.triu(np.ones((128, 128), np.float32))
_TRIS = np.tril(np.ones((16, 16), np.float32), -1)


def _ranks(ix, lane, tri_ref, tris_ref, carry_ref, k):
    first = jnp.sum(jnp.where(lane == 0, ix, 0))
    last = jnp.sum(jnp.where(lane == _BN - 1, ix, 0))

    @pl.when(k == 0)
    def _():
        carry_ref[0] = 0
        carry_ref[1] = first

    r_prev = carry_ref[0]
    prev_last = carry_ref[1]
    shifted = jnp.concatenate([jnp.full((1, 1), prev_last, ix.dtype), ix[:, :-1]], axis=1)
    ball = (ix != shifted).astype(jnp.int32)
    b0 = jnp.sum(jnp.where(lane == 0, ball, 0))
    total = jnp.sum(ball)
    ball2 = jnp.concatenate(
        [ball.astype(jnp.bfloat16).reshape(_NR, 128),
         jnp.zeros((16 - _NR, 128), jnp.bfloat16)], axis=0)
    csum2 = jnp.dot(ball2, tri_ref[...], preferred_element_type=jnp.float32)
    t = jnp.dot(tris_ref[...], ball2, preferred_element_type=jnp.float32)
    pre = jnp.sum(t, axis=1, keepdims=True)
    csum = (csum2 + pre)[:_NR].reshape(1, _BN)
    r_first = r_prev + b0
    base = pl.multiple_of((r_first // 8) * 8, 8)
    c_row = csum.astype(jnp.int32) + (r_first - base - b0)
    nwin = r_first - base + total + 1
    carry_ref[0] = r_prev + total
    carry_ref[1] = last
    return base, c_row, nwin


def _onehot_t(c_row, w):
    iota_w = jax.lax.broadcasted_iota(jnp.int32, (w, _BN), 0)
    return (iota_w == c_row).astype(jnp.bfloat16)


def _seg_accum_kernel(ix_ref, x_ref, wg_ref, tri_ref, tris_ref, accx_ref,
                      accd_ref, r_ref, carry_ref):
    k = pl.program_id(0)

    @pl.when(k == 0)
    def _():
        accx_ref[...] = jnp.zeros_like(accx_ref)
        accd_ref[...] = jnp.zeros_like(accd_ref)

    ix = ix_ref[0]
    lane = jax.lax.broadcasted_iota(jnp.int32, (1, _BN), 1)
    base, c_row, nwin = _ranks(ix, lane, tri_ref, tris_ref, carry_ref, k)
    r_ref[0] = c_row + base

    x_bf = x_ref[...].astype(jnp.bfloat16)
    logit = jnp.dot(x_bf, wg_ref[...],
                    preferred_element_type=jnp.float32)
    e128 = jnp.exp(logit)
    e128b = e128.astype(jnp.bfloat16)
    vals = x_bf * e128b[:, 0:1]

    @pl.when(nwin <= _WF)
    def _():
        oh = _onehot_t(c_row, _WF)
        accx_ref[pl.ds(base, _WF), :] += jnp.dot(oh, vals, preferred_element_type=jnp.float32)
        accd_ref[pl.ds(base, _WF), :] += jnp.dot(oh, e128b, preferred_element_type=jnp.float32)

    @pl.when(nwin > _WF)
    def _():
        oh = _onehot_t(c_row, _BW)
        accx_ref[pl.ds(base, _BW), :] += jnp.dot(oh, vals, preferred_element_type=jnp.float32)
        accd_ref[pl.ds(base, _BW), :] += jnp.dot(oh, e128b, preferred_element_type=jnp.float32)


def _mlp_kernel(accx_ref, accd_ref, wf_ref, bf_ref, wh_ref, bh_ref, hy_ref):
    d = accd_ref[:, 0:1]
    t = accx_ref[...] / jnp.where(d > 0, d, 1.0)
    y = jax.lax.dot_general(t, wf_ref[...], (((1,), (1,)), ((), ())),
                            preferred_element_type=jnp.float32) + bf_ref[...]
    hy_ref[...] = jax.lax.dot_general(y, wh_ref[...], (((1,), (1,)), ((), ())),
                                      preferred_element_type=jnp.float32) + bh_ref[...]


_NW = 32
_RPW = _N // _NW
_CH = 128
_TAIL = _RPW - 39 * _CH


def _sc_expand_body(hy_hbm, r_hbm, out_hbm, idx0, idx1, rows0, rows1,
                    idx8_v, rows8_v, sem0, sem1, sem8):
    wid = lax.axis_index("s") * 2 + lax.axis_index("c")
    base = pl.multiple_of(wid * _RPW, 8)
    idx = (idx0, idx1)
    rows = (rows0, rows1)
    sem = (sem0, sem1)

    def start(off, b):
        pltpu.sync_copy(r_hbm.at[pl.ds(off, _CH)], idx[b])
        return pltpu.async_copy(hy_hbm.at[idx[b]], rows[b], sem[b])

    def group(goff):
        cp = start(goff, 0)
        for b in range(8):
            nxt = start(goff + (b + 1) * _CH, (b + 1) % 2) if b + 1 < 8 else None
            cp.wait()
            pltpu.sync_copy(rows[b % 2], out_hbm.at[pl.ds(goff + b * _CH, _CH)])
            cp = nxt

    def outer(i, carry):
        group(base + i * 8 * _CH)
        return carry

    lax.fori_loop(0, 4, outer, 0)
    cp = start(base + 32 * _CH, 0)
    for b in range(7):
        nxt = start(base + (33 + b) * _CH, (b + 1) % 2) if b + 1 < 7 else None
        cp.wait()
        pltpu.sync_copy(rows[b % 2], out_hbm.at[pl.ds(base + (32 + b) * _CH, _CH)])
        cp = nxt
    off = base + 39 * _CH
    pltpu.sync_copy(r_hbm.at[pl.ds(off, _TAIL)], idx8_v)
    pltpu.async_copy(hy_hbm.at[idx8_v], rows8_v, sem8).wait()
    pltpu.sync_copy(rows8_v, out_hbm.at[pl.ds(off, _TAIL)])


def _sc_expand(hy, rflat):
    mesh = plsc.VectorSubcoreMesh(core_axis_name="c", subcore_axis_name="s")
    f = pl.kernel(
        _sc_expand_body,
        mesh=mesh,
        out_type=jax.ShapeDtypeStruct((_N, _D), jnp.float32),
        scratch_types=[
            pltpu.VMEM((_CH,), jnp.int32),
            pltpu.VMEM((_CH,), jnp.int32),
            pltpu.VMEM((_CH, _D), jnp.float32),
            pltpu.VMEM((_CH, _D), jnp.float32),
            pltpu.VMEM((_TAIL,), jnp.int32),
            pltpu.VMEM((_TAIL, _D), jnp.float32),
            pltpu.SemaphoreType.DMA,
            pltpu.SemaphoreType.DMA,
            pltpu.SemaphoreType.DMA,
        ],
    )
    return f(hy, rflat)


def _expand_kernel(r_ref, hy_ref, out_ref):
    r = r_ref[0]
    lane = jax.lax.broadcasted_iota(jnp.int32, (1, _BN), 1)
    r0 = jnp.sum(jnp.where(lane == 0, r, 0))
    rlast = jnp.sum(jnp.where(lane == _BN - 1, r, 0))
    base = pl.multiple_of((r0 // 8) * 8, 8)
    c_row = r - base
    nwin = rlast - base + 1

    @pl.when(nwin <= _WF)
    def _():
        win = hy_ref[pl.ds(base, _WF), :].astype(jnp.bfloat16)
        out_ref[...] = jax.lax.dot_general(
            _onehot_t(c_row, _WF), win, (((0,), (0,)), ((), ())),
            preferred_element_type=jnp.float32)

    @pl.when(nwin > _WF)
    def _():
        win = hy_ref[pl.ds(base, _BW), :].astype(jnp.bfloat16)
        out_ref[...] = jax.lax.dot_general(
            _onehot_t(c_row, _BW), win, (((0,), (0,)), ((), ())),
            preferred_element_type=jnp.float32)


def kernel(x, ix, Wf, bf, Wg, bg, Wh, bh):
    x2 = x.reshape(_N, _D)
    ix3 = ix.astype(jnp.int32).reshape(_NB, 1, _BN)
    wg128 = jnp.broadcast_to(Wg.reshape(_D, 1), (_D, 128)).astype(jnp.bfloat16)
    tri = jnp.asarray(_TRI).astype(jnp.bfloat16)
    tris = jnp.asarray(_TRIS).astype(jnp.bfloat16)

    accx, accd, rks = pl.pallas_call(
        _seg_accum_kernel,
        grid=(_NB,),
        in_specs=[
            pl.BlockSpec((1, 1, _BN), lambda k: (k, 0, 0)),
            pl.BlockSpec((_BN, _D), lambda k: (k, 0)),
            pl.BlockSpec((_D, 128), lambda k: (0, 0)),
            pl.BlockSpec((128, 128), lambda k: (0, 0)),
            pl.BlockSpec((16, 16), lambda k: (0, 0)),
        ],
        out_specs=[
            pl.BlockSpec((_SPAD, _D), lambda k: (0, 0)),
            pl.BlockSpec((_SPAD, 128), lambda k: (0, 0)),
            pl.BlockSpec((1, 1, _BN), lambda k: (k, 0, 0)),
        ],
        out_shape=[
            jax.ShapeDtypeStruct((_SPAD, _D), jnp.float32),
            jax.ShapeDtypeStruct((_SPAD, 128), jnp.float32),
            jax.ShapeDtypeStruct((_NB, 1, _BN), jnp.int32),
        ],
        scratch_shapes=[pltpu.SMEM((2,), jnp.int32)],
    )(ix3, x2, wg128, tri, tris)

    hy = pl.pallas_call(
        _mlp_kernel,
        grid=(_SPAD // _BM,),
        in_specs=[
            pl.BlockSpec((_BM, _D), lambda k: (k, 0)),
            pl.BlockSpec((_BM, 128), lambda k: (k, 0)),
            pl.BlockSpec((_D, _D), lambda k: (0, 0)),
            pl.BlockSpec((1, _D), lambda k: (0, 0)),
            pl.BlockSpec((_D, _D), lambda k: (0, 0)),
            pl.BlockSpec((1, _D), lambda k: (0, 0)),
        ],
        out_specs=pl.BlockSpec((_BM, _D), lambda k: (k, 0)),
        out_shape=jax.ShapeDtypeStruct((_SPAD, _D), jnp.float32),
    )(accx, accd, Wf, bf.reshape(1, _D), Wh, bh.reshape(1, _D))

    out = _sc_expand(hy, rks.reshape(_N))

    return out.reshape(1, _N, _D)

# --- scband reference (transcript-rebuilt; emitter-appended) ---
"""Pipeline reference for scband-soft-agg-basic-37692632990244 (READ-ONLY COPY).

The authoritative reference and input builder live on the scoring server;
editing this copy changes nothing except your own understanding.
"""

import jax, jax.numpy as jnp
import numpy as np

DIM = 256
B = 1
N = 160000
NSEG = 10000


def setup_inputs(seed: int = 0) -> dict:
    key = jax.random.key(seed)
    ks = jax.random.split(key, 8)
    x = jax.random.normal(ks[0], (B, N, DIM), dtype=jnp.float32)
    ix = jnp.sort(jax.random.randint(ks[1], (N,), 0, NSEG, dtype=jnp.int64))
    s = 1.0 / np.sqrt(DIM)
    Wf = jax.random.uniform(ks[2], (DIM, DIM), minval=-s, maxval=s, dtype=jnp.float32)
    bf = jax.random.uniform(ks[3], (DIM,), minval=-s, maxval=s, dtype=jnp.float32)
    Wg = jax.random.uniform(ks[4], (1, DIM), minval=-s, maxval=s, dtype=jnp.float32)
    bg = jax.random.uniform(ks[5], (1,), minval=-s, maxval=s, dtype=jnp.float32)
    Wh = jax.random.uniform(ks[6], (DIM, DIM), minval=-s, maxval=s, dtype=jnp.float32)
    bh = jax.random.uniform(ks[7], (DIM,), minval=-s, maxval=s, dtype=jnp.float32)
    return {"x": x, "ix": ix, "Wf": Wf, "bf": bf, "Wg": Wg, "bg": bg, "Wh": Wh, "bh": bh}


def reference(x, ix, Wf, bf, Wg, bg, Wh, bh):
    # _, jx = torch.unique(ix, return_inverse=True)
    jx = ix.reshape(-1)
    S = NSEG
    # g(x): [B, N, 1]
    logits = x @ Wg.T + bg
    # scatter_softmax along dim=1 with index jx
    lt = jnp.swapaxes(logits, 0, 1)  # [N, B, 1]
    m = jax.ops.segment_max(lt, jx, num_segments=S)  # [S, B, 1]
    m_g = jax.lax.stop_gradient(jnp.swapaxes(m[jx], 0, 1))  # [B, N, 1]
    e = jnp.exp(logits - m_g)
    ssum = jax.ops.segment_sum(jnp.swapaxes(e, 0, 1), jx, num_segments=S)
    w = e / jnp.swapaxes(ssum[jx], 0, 1)
    # f(x) * w, scatter_sum along dim=1
    fx = x @ Wf.T + bf
    y = jnp.swapaxes(
        jax.ops.segment_sum(jnp.swapaxes(fx * w, 0, 1), jx, num_segments=S), 0, 1
    )  # [B, S, DIM]
    hy = y @ Wh.T + bh
    # expand=True: gather back to per-element
    return hy[:, jx]

if __name__ == "__main__":
    import jax
    _d = setup_inputs()
    print(jax.jit(kernel)(*tuple(_d.values())))

</pallas_src>

<mosaic_0001>
#map = affine_map<(d0, d1) -> (0, 0)>
#map1 = affine_map<(d0, d1) -> (0)>
module attributes {stable_mosaic.version = 14 : i64} {
  func.func @_sc_expand_body(%arg0: i32, %arg1: i32, %arg2: memref<11392x256xf32, #tpu.memory_space<hbm>>, %arg3: memref<160000xi32, #tpu.memory_space<hbm>>, %arg4: memref<160000x256xf32, #tpu.memory_space<hbm>>, %arg5: memref<128xi32, #tpu.memory_space<vmem>>, %arg6: memref<128xi32, #tpu.memory_space<vmem>>, %arg7: memref<128x256xf32, #tpu.memory_space<vmem>>, %arg8: memref<128x256xf32, #tpu.memory_space<vmem>>, %arg9: memref<8xi32, #tpu.memory_space<vmem>>, %arg10: memref<8x256xf32, #tpu.memory_space<vmem>>, %arg11: memref<!tpu.dma_semaphore, #tpu.memory_space<semaphore_mem>>, %arg12: memref<!tpu.dma_semaphore, #tpu.memory_space<semaphore_mem>>, %arg13: memref<!tpu.dma_semaphore, #tpu.memory_space<semaphore_mem>>) attributes {dimension_semantics = [#tpu.dimension_semantics<core_parallel>, #tpu.dimension_semantics<subcore_parallel>], iteration_bounds = array<i64: 2, 16>, scalar_prefetch = 0 : i64, scratch_operands = 9 : i64, tpu.core_type = #tpu.core_type<sc_vector_subcore>, window_params = [{transform_indices = #map}, {transform_indices = #map1}, {transform_indices = #map}]} {
    %mul3A = arith.constant 2 : i32
    %mul3A_0 = arith.muli %arg1, %mul3A : i32
    %add3A = arith.addi %mul3A_0, %arg0 : i32
    %mul3A_1 = arith.constant 5000 : i32
    %mul3A_2 = arith.muli %add3A, %mul3A_1 : i32
    %multiple_of3A = tpu.assume_multiple %mul3A_2, 8 : i32
    %scan3A = arith.constant 0 : i32
    %scan3A_3 = arith.constant 0 : i32
    %scan3A_4 = arith.constant 4 : i32
    %scan3A_5 = arith.addi %scan3A_3, %scan3A_4 : i32
    %scan3A_6 = arith.constant 1 : i32
    scf.for %scan3A_84 = %scan3A_3 to %scan3A_5 step %scan3A_6  : i32 {
      %mul3A_85 = arith.constant 8 : i32
      %mul3A_86 = arith.muli %scan3A_84, %mul3A_85 : i32
      %mul3A_87 = arith.constant 128 : i32
      %mul3A_88 = arith.muli %mul3A_86, %mul3A_87 : i32
      %add3A_89 = arith.addi %multiple_of3A, %mul3A_88 : i32
      "tpu.region"() ({
        %run_scoped3A = tpu.sem_alloc : memref<!tpu.dma_semaphore, #tpu.memory_space<semaphore_mem>>
        %dma_start3A_168 = tpu.memref_slice %arg3[%add3A_89] : memref<160000xi32, #tpu.memory_space<hbm>> -> memref<128xi32, #tpu.memory_space<hbm>>
        %dma_start3A_169 = tpu.memref_slice %arg3[%add3A_89] : memref<160000xi32, #tpu.memory_space<hbm>> -> memref<128xi32, #tpu.memory_space<hbm>>
        tpu.enqueue_dma source(%dma_start3A_169 : memref<128xi32, #tpu.memory_space<hbm>>) target(%arg5 : memref<128xi32, #tpu.memory_space<vmem>>) target_semaphore(%run_scoped3A : memref<!tpu.dma_semaphore, #tpu.memory_space<semaphore_mem>>)
        %dma_wait3A_170 = tpu.memref_slice %arg3[%add3A_89] : memref<160000xi32, #tpu.memory_space<hbm>> -> memref<128xi32, #tpu.memory_space<hbm>>
        %dma_wait3A_171 = tpu.memref_slice %arg3[%add3A_89] : memref<160000xi32, #tpu.memory_space<hbm>> -> memref<128xi32, #tpu.memory_space<hbm>>
        tpu.wait_dma2 semaphore(%run_scoped3A : memref<!tpu.dma_semaphore, #tpu.memory_space<semaphore_mem>>) src(%dma_wait3A_171 : memref<128xi32, #tpu.memory_space<hbm>>) dst(%arg5 : memref<128xi32, #tpu.memory_space<vmem>>)
        tpu.yield
      }) : () -> ()
      %dma_start3A_90 = arith.constant 0 : i32
      %dma_start3A_91 = arith.constant 0 : i32
      %dma_start3A_92 = tpu.memref_slice %arg2[%dma_start3A_90, %dma_start3A_91] : memref<11392x256xf32, #tpu.memory_space<hbm>> -> memref<11392x256xf32, #tpu.memory_space<hbm>>
      tpu.enqueue_indirect_dma source(%dma_start3A_92 : memref<11392x256xf32, #tpu.memory_space<hbm>>) target(%arg7 : memref<128x256xf32, #tpu.memory_space<vmem>>) offsets(%arg5 : memref<128xi32, #tpu.memory_space<vmem>>) semaphore(%arg11 : memref<!tpu.dma_semaphore, #tpu.memory_space<semaphore_mem>>)
      %add3A_93 = arith.constant 128 : i32
      %add3A_94 = arith.addi %add3A_89, %add3A_93 : i32
      "tpu.region"() ({
        %run_scoped3A = tpu.sem_alloc : memref<!tpu.dma_semaphore, #tpu.memory_space<semaphore_mem>>
        %dma_start3A_168 = tpu.memref_slice %arg3[%add3A_94] : memref<160000xi32, #tpu.memory_space<hbm>> -> memref<128xi32, #tpu.memory_space<hbm>>
        %dma_start3A_169 = tpu.memref_slice %arg3[%add3A_94] : memref<160000xi32, #tpu.memory_space<hbm>> -> memref<128xi32, #tpu.memory_space<hbm>>
        tpu.enqueue_dma source(%dma_start3A_169 : memref<128xi32, #tpu.memory_space<hbm>>) target(%arg6 : memref<128xi32, #tpu.memory_space<vmem>>) target_semaphore(%run_scoped3A : memref<!tpu.dma_semaphore, #tpu.memory_space<semaphore_mem>>)
        %dma_wait3A_170 = tpu.memref_slice %arg3[%add3A_94] : memref<160000xi32, #tpu.memory_space<hbm>> -> memref<128xi32, #tpu.memory_space<hbm>>
        %dma_wait3A_171 = tpu.memref_slice %arg3[%add3A_94] : memref<160000xi32, #tpu.memory_space<hbm>> -> memref<128xi32, #tpu.memory_space<hbm>>
        tpu.wait_dma2 semaphore(%run_scoped3A : memref<!tpu.dma_semaphore, #tpu.memory_space<semaphore_mem>>) src(%dma_wait3A_171 : memref<128xi32, #tpu.memory_space<hbm>>) dst(%arg6 : memref<128xi32, #tpu.memory_space<vmem>>)
        tpu.yield
      }) : () -> ()
      %dma_start3A_95 = arith.constant 0 : i32
      %dma_start3A_96 = arith.constant 0 : i32
      %dma_start3A_97 = tpu.memref_slice %arg2[%dma_start3A_95, %dma_start3A_96] : memref<11392x256xf32, #tpu.memory_space<hbm>> -> memref<11392x256xf32, #tpu.memory_space<hbm>>
      tpu.enqueue_indirect_dma source(%dma_start3A_97 : memref<11392x256xf32, #tpu.memory_space<hbm>>) target(%arg8 : memref<128x256xf32, #tpu.memory_space<vmem>>) offsets(%arg6 : memref<128xi32, #tpu.memory_space<vmem>>) semaphore(%arg12 : memref<!tpu.dma_semaphore, #tpu.memory_space<semaphore_mem>>)
      %dma_wait3A_98 = arith.constant 0 : i32
      %dma_wait3A_99 = arith.constant 0 : i32
      %dma_wait3A_100 = tpu.memref_slice %arg2[%dma_wait3A_98, %dma_wait3A_99] : memref<11392x256xf32, #tpu.memory_space<hbm>> -> memref<11392x256xf32, #tpu.memory_space<hbm>>
      tpu.wait_indirect_dma semaphore(%arg11 : memref<!tpu.dma_semaphore, #tpu.memory_space<semaphore_mem>>) src(%dma_wait3A_100 : memref<11392x256xf32, #tpu.memory_space<hbm>>) dst(%arg7 : memref<128x256xf32, #tpu.memory_space<vmem>>)
      %add3A_101 = arith.constant 0 : i32
      %add3A_102 = arith.addi %add3A_89, %add3A_101 : i32
      "tpu.region"() ({
        %run_scoped3A = tpu.sem_alloc : memref<!tpu.dma_semaphore, #tpu.memory_space<semaphore_mem>>
        %dma_start3A_168 = arith.constant 0 : i32
        %dma_start3A_169 = tpu.memref_slice %arg4[%add3A_102, %dma_start3A_168] : memref<160000x256xf32, #tpu.memory_space<hbm>> -> memref<128x256xf32, #tpu.memory_space<hbm>>
        %dma_start3A_170 = arith.constant 0 : i32
        %dma_start3A_171 = tpu.memref_slice %arg4[%add3A_102, %dma_start3A_170] : memref<160000x256xf32, #tpu.memory_space<hbm>> -> memref<128x256xf32, #tpu.memory_space<hbm>>
        tpu.enqueue_dma source(%arg7 : memref<128x256xf32, #tpu.memory_space<vmem>>) target(%dma_start3A_171 : memref<128x256xf32, #tpu.memory_space<hbm>>) target_semaphore(%run_scoped3A : memref<!tpu.dma_semaphore, #tpu.memory_space<semaphore_mem>>)
        %dma_wait3A_172 = arith.constant 0 : i32
        %dma_wait3A_173 = tpu.memref_slice %arg4[%add3A_102, %dma_wait3A_172] : memref<160000x256xf32, #tpu.memory_space<hbm>> -> memref<128x256xf32, #tpu.memory_space<hbm>>
        %dma_wait3A_174 = arith.constant 0 : i32
        %dma_wait3A_175 = tpu.memref_slice %arg4[%add3A_102, %dma_wait3A_174] : memref<160000x256xf32, #tpu.memory_space<hbm>> -> memref<128x256xf32, #tpu.memory_space<hbm>>
        tpu.wait_dma2 semaphore(%run_scoped3A : memref<!tpu.dma_semaphore, #tpu.memory_space<semaphore_mem>>) src(%arg7 : memref<128x256xf32, #tpu.memory_space<vmem>>) dst(%dma_wait3A_175 : memref<128x256xf32, #tpu.memory_space<hbm>>)
        tpu.yield
      }) : () -> ()
      %add3A_103 = arith.constant 256 : i32
      %add3A_104 = arith.addi %add3A_89, %add3A_103 : i32
      "tpu.region"() ({
        %run_scoped3A = tpu.sem_alloc : memref<!tpu.dma_semaphore, #tpu.memory_space<semaphore_mem>>
        %dma_start3A_168 = tpu.memref_slice %arg3[%add3A_104] : memref<160000xi32, #tpu.memory_space<hbm>> -> memref<128xi32, #tpu.memory_space<hbm>>
        %dma_start3A_169 = tpu.memref_slice %arg3[%add3A_104] : memref<160000xi32, #tpu.memory_space<hbm>> -> memref<128xi32, #tpu.memory_space<hbm>>
        tpu.enqueue_dma source(%dma_start3A_169 : memref<128xi32, #tpu.memory_space<hbm>>) target(%arg5 : memref<128xi32, #tpu.memory_space<vmem>>) target_semaphore(%run_scoped3A : memref<!tpu.dma_semaphore, #tpu.memory_space<semaphore_mem>>)
        %dma_wait3A_170 = tpu.memref_slice %arg3[%add3A_104] : memref<160000xi32, #tpu.memory_space<hbm>> -> memref<128xi32, #tpu.memory_space<hbm>>
        %dma_wait3A_171 = tpu.memref_slice %arg3[%add3A_104] : memref<160000xi32, #tpu.memory_space<hbm>> -> memref<128xi32, #tpu.memory_space<hbm>>
        tpu.wait_dma2 semaphore(%run_scoped3A : memref<!tpu.dma_semaphore, #tpu.memory_space<semaphore_mem>>) src(%dma_wait3A_171 : memref<128xi32, #tpu.memory_space<hbm>>) dst(%arg5 : memref<128xi32, #tpu.memory_space<vmem>>)
        tpu.yield
      }) : () -> ()
      %dma_start3A_105 = arith.constant 0 : i32
      %dma_start3A_106 = arith.constant 0 : i32
      %dma_start3A_107 = tpu.memref_slice %arg2[%dma_start3A_105, %dma_start3A_106] : memref<11392x256xf32, #tpu.memory_space<hbm>> -> memref<11392x256xf32, #tpu.memory_space<hbm>>
      tpu.enqueue_indirect_dma source(%dma_start3A_107 : memref<11392x256xf32, #tpu.memory_space<hbm>>) target(%arg7 : memref<128x256xf32, #tpu.memory_space<vmem>>) offsets(%arg5 : memref<128xi32, #tpu.memory_space<vmem>>) semaphore(%arg11 : memref<!tpu.dma_semaphore, #tpu.memory_space<semaphore_mem>>)
      %dma_wait3A_108 = arith.constant 0 : i32
      %dma_wait3A_109 = arith.constant 0 : i32
      %dma_wait3A_110 = tpu.memref_slice %arg2[%dma_wait3A_108, %dma_wait3A_109] : memref<11392x256xf32, #tpu.memory_space<hbm>> -> memref<11392x256xf32, #tpu.memory_space<hbm>>
      tpu.wait_indirect_dma semaphore(%arg12 : memref<!tpu.dma_semaphore, #tpu.memory_space<semaphore_mem>>) src(%dma_wait3A_110 : memref<11392x256xf32, #tpu.memory_space<hbm>>) dst(%arg8 : memref<128x256xf32, #tpu.memory_space<vmem>>)
      %add3A_111 = arith.constant 128 : i32
      %add3A_112 = arith.addi %add3A_89, %add3A_111 : i32
      "tpu.region"() ({
        %run_scoped3A = tpu.sem_alloc : memref<!tpu.dma_semaphore, #tpu.memory_space<semaphore_mem>>
        %dma_start3A_168 = arith.constant 0 : i32
        %dma_start3A_169 = tpu.memref_slice %arg4[%add3A_112, %dma_start3A_168] : memref<160000x256xf32, #tpu.memory_space<hbm>> -> memref<128x256xf32, #tpu.memory_space<hbm>>
        %dma_start3A_170 = arith.constant 0 : i32
        %dma_start3A_171 = tpu.memref_slice %arg4[%add3A_112, %dma_start3A_170] : memref<160000x256xf32, #tpu.memory_space<hbm>> -> memref<128x256xf32, #tpu.memory_space<hbm>>
        tpu.enqueue_dma source(%arg8 : memref<128x256xf32, #tpu.memory_space<vmem>>) target(%dma_start3A_171 : memref<128x256xf32, #tpu.memory_space<hbm>>) target_semaphore(%run_scoped3A : memref<!tpu.dma_semaphore, #tpu.memory_space<semaphore_mem>>)
        %dma_wait3A_172 = arith.constant 0 : i32
        %dma_wait3A_173 = tpu.memref_slice %arg4[%add3A_112, %dma_wait3A_172] : memref<160000x256xf32, #tpu.memory_space<hbm>> -> memref<128x256xf32, #tpu.memory_space<hbm>>
        %dma_wait3A_174 = arith.constant 0 : i32
        %dma_wait3A_175 = tpu.memref_slice %arg4[%add3A_112, %dma_wait3A_174] : memref<160000x256xf32, #tpu.memory_space<hbm>> -> memref<128x256xf32, #tpu.memory_space<hbm>>
        tpu.wait_dma2 semaphore(%run_scoped3A : memref<!tpu.dma_semaphore, #tpu.memory_space<semaphore_mem>>) src(%arg8 : memref<128x256xf32, #tpu.memory_space<vmem>>) dst(%dma_wait3A_175 : memref<128x256xf32, #tpu.memory_space<hbm>>)
        tpu.yield
      }) : () -> ()
      %add3A_113 = arith.constant 384 : i32
      %add3A_114 = arith.addi %add3A_89, %add3A_113 : i32
      "tpu.region"() ({
        %run_scoped3A = tpu.sem_alloc : memref<!tpu.dma_semaphore, #tpu.memory_space<semaphore_mem>>
        %dma_start3A_168 = tpu.memref_slice %arg3[%add3A_114] : memref<160000xi32, #tpu.memory_space<hbm>> -> memref<128xi32, #tpu.memory_space<hbm>>
        %dma_start3A_169 = tpu.memref_slice %arg3[%add3A_114] : memref<160000xi32, #tpu.memory_space<hbm>> -> memref<128xi32, #tpu.memory_space<hbm>>
        tpu.enqueue_dma source(%dma_start3A_169 : memref<128xi32, #tpu.memory_space<hbm>>) target(%arg6 : memref<128xi32, #tpu.memory_space<vmem>>) target_semaphore(%run_scoped3A : memref<!tpu.dma_semaphore, #tpu.memory_space<semaphore_mem>>)
        %dma_wait3A_170 = tpu.memref_slice %arg3[%add3A_114] : memref<160000xi32, #tpu.memory_space<hbm>> -> memref<128xi32, #tpu.memory_space<hbm>>
        %dma_wait3A_171 = tpu.memref_slice %arg3[%add3A_114] : memref<160000xi32, #tpu.memory_space<hbm>> -> memref<128xi32, #tpu.memory_space<hbm>>
        tpu.wait_dma2 semaphore(%run_scoped3A : memref<!tpu.dma_semaphore, #tpu.memory_space<semaphore_mem>>) src(%dma_wait3A_171 : memref<128xi32, #tpu.memory_space<hbm>>) dst(%arg6 : memref<128xi32, #tpu.memory_space<vmem>>)
        tpu.yield
      }) : () -> ()
      %dma_start3A_115 = arith.constant 0 : i32
      %dma_start3A_116 = arith.constant 0 : i32
      %dma_start3A_117 = tpu.memref_slice %arg2[%dma_start3A_115, %dma_start3A_116] : memref<11392x256xf32, #tpu.memory_space<hbm>> -> memref<11392x256xf32, #tpu.memory_space<hbm>>
      tpu.enqueue_indirect_dma source(%dma_start3A_117 : memref<11392x256xf32, #tpu.memory_space<hbm>>) target(%arg8 : memref<128x256xf32, #tpu.memory_space<vmem>>) offsets(%arg6 : memref<128xi32, #tpu.memory_space<vmem>>) semaphore(%arg12 : memref<!tpu.dma_semaphore, #tpu.memory_space<semaphore_mem>>)
      %dma_wait3A_118 = arith.constant 0 : i32
      %dma_wait3A_119 = arith.constant 0 : i32
      %dma_wait3A_120 = tpu.memref_slice %arg2[%dma_wait3A_118, %dma_wait3A_119] : memref<11392x256xf32, #tpu.memory_space<hbm>> -> memref<11392x256xf32, #tpu.memory_space<hbm>>
      tpu.wait_indirect_dma semaphore(%arg11 : memref<!tpu.dma_semaphore, #tpu.memory_space<semaphore_mem>>) src(%dma_wait3A_120 : memref<11392x256xf32, #tpu.memory_space<hbm>>) dst(%arg7 : memref<128x256xf32, #tpu.memory_space<vmem>>)
      %add3A_121 = arith.constant 256 : i32
      %add3A_122 = arith.addi %add3A_89, %add3A_121 : i32
      "tpu.region"() ({
        %run_scoped3A = tpu.sem_alloc : memref<!tpu.dma_semaphore, #tpu.memory_space<semaphore_mem>>
        %dma_start3A_168 = arith.constant 0 : i32
        %dma_start3A_169 = tpu.memref_slice %arg4[%add3A_122, %dma_start3A_168] : memref<160000x256xf32, #tpu.memory_space<hbm>> -> memref<128x256xf32, #tpu.memory_space<hbm>>
        %dma_start3A_170 = arith.constant 0 : i32
        %dma_start3A_171 = tpu.memref_slice %arg4[%add3A_122, %dma_start3A_170] : memref<160000x256xf32, #tpu.memory_space<hbm>> -> memref<128x256xf32, #tpu.memory_space<hbm>>
        tpu.enqueue_dma source(%arg7 : memref<128x256xf32, #tpu.memory_space<vmem>>) target(%dma_start3A_171 : memref<128x256xf32, #tpu.memory_space<hbm>>) target_semaphore(%run_scoped3A : memref<!tpu.dma_semaphore, #tpu.memory_space<semaphore_mem>>)
        %dma_wait3A_172 = arith.constant 0 : i32
        %dma_wait3A_173 = tpu.memref_slice %arg4[%add3A_122, %dma_wait3A_172] : memref<160000x256xf32, #tpu.memory_space<hbm>> -> memref<128x256xf32, #tpu.memory_space<hbm>>
        %dma_wait3A_174 = arith.constant 0 : i32
        %dma_wait3A_175 = tpu.memref_slice %arg4[%add3A_122, %dma_wait3A_174] : memref<160000x256xf32, #tpu.memory_space<hbm>> -> memref<128x256xf32, #tpu.memory_space<hbm>>
        tpu.wait_dma2 semaphore(%run_scoped3A : memref<!tpu.dma_semaphore, #tpu.memory_space<semaphore_mem>>) src(%arg7 : memref<128x256xf32, #tpu.memory_space<vmem>>) dst(%dma_wait3A_175 : memref<128x256xf32, #tpu.memory_space<hbm>>)
        tpu.yield
      }) : () -> ()
      %add3A_123 = arith.constant 512 : i32
      %add3A_124 = arith.addi %add3A_89, %add3A_123 : i32
      "tpu.region"() ({
        %run_scoped3A = tpu.sem_alloc : memref<!tpu.dma_semaphore, #tpu.memory_space<semaphore_mem>>
        %dma_start3A_168 = tpu.memref_slice %arg3[%add3A_124] : memref<160000xi32, #tpu.memory_space<hbm>> -> memref<128xi32, #tpu.memory_space<hbm>>
        %dma_start3A_169 = tpu.memref_slice %arg3[%add3A_124] : memref<160000xi32, #tpu.memory_space<hbm>> -> memref<128xi32, #tpu.memory_space<hbm>>
        tpu.enqueue_dma source(%dma_start3A_169 : memref<128xi32, #tpu.memory_space<hbm>>) target(%arg5 : memref<128xi32, #tpu.memory_space<vmem>>) target_semaphore(%run_scoped3A : memref<!tpu.dma_semaphore, #tpu.memory_space<semaphore_mem>>)
        %dma_wait3A_170 = tpu.memref_slice %arg3[%add3A_124] : memref<160000xi32, #tpu.memory_space<hbm>> -> memref<128xi32, #tpu.memory_space<hbm>>
        %dma_wait3A_171 = tpu.memref_slice %arg3[%add3A_124] : memref<160000xi32, #tpu.memory_space<hbm>> -> memref<128xi32, #tpu.memory_space<hbm>>
        tpu.wait_dma2 semaphore(%run_scoped3A : memref<!tpu.dma_semaphore, #tpu.memory_space<semaphore_mem>>) src(%dma_wait3A_171 : memref<128xi32, #tpu.memory_space<hbm>>) dst(%arg5 : memref<128xi32, #tpu.memory_space<vmem>>)
        tpu.yield
      }) : () -> ()
      %dma_start3A_125 = arith.constant 0 : i32
      %dma_start3A_126 = arith.constant 0 : i32
      %dma_start3A_127 = tpu.memref_slice %arg2[%dma_start3A_125, %dma_start3A_126] : memref<11392x256xf32, #tpu.memory_space<hbm>> -> memref<11392x256xf32, #tpu.memory_space<hbm>>
      tpu.enqueue_indirect_dma source(%dma_start3A_127 : memref<11392x256xf32, #tpu.memory_space<hbm>>) target(%arg7 : memref<128x256xf32, #tpu.memory_space<vmem>>) offsets(%arg5 : memref<128xi32, #tpu.memory_space<vmem>>) semaphore(%arg11 : memref<!tpu.dma_semaphore, #tpu.memory_space<semaphore_mem>>)
      %dma_wait3A_128 = arith.constant 0 : i32
      %dma_wait3A_129 = arith.constant 0 : i32
      %dma_wait3A_130 = tpu.memref_slice %arg2[%dma_wait3A_128, %dma_wait3A_129] : memref<11392x256xf32, #tpu.memory_space<hbm>> -> memref<11392x256xf32, #tpu.memory_space<hbm>>
      tpu.wait_indirect_dma semaphore(%arg12 : memref<!tpu.dma_semaphore, #tpu.memory_space<semaphore_mem>>) src(%dma_wait3A_130 : memref<11392x256xf32, #tpu.memory_space<hbm>>) dst(%arg8 : memref<128x256xf32, #tpu.memory_space<vmem>>)
      %add3A_131 = arith.constant 384 : i32
      %add3A_132 = arith.addi %add3A_89, %add3A_131 : i32
      "tpu.region"() ({
        %run_scoped3A = tpu.sem_alloc : memref<!tpu.dma_semaphore, #tpu.memory_space<semaphore_mem>>
        %dma_start3A_168 = arith.constant 0 : i32
        %dma_start3A_169 = tpu.memref_slice %arg4[%add3A_132, %dma_start3A_168] : memref<160000x256xf32, #tpu.memory_space<hbm>> -> memref<128x256xf32, #tpu.memory_space<hbm>>
        %dma_start3A_170 = arith.constant 0 : i32
        %dma_start3A_171 = tpu.memref_slice %arg4[%add3A_132, %dma_start3A_170] : memref<160000x256xf32, #tpu.memory_space<hbm>> -> memref<128x256xf32, #tpu.memory_space<hbm>>
        tpu.enqueue_dma source(%arg8 : memref<128x256xf32, #tpu.memory_space<vmem>>) target(%dma_start3A_171 : memref<128x256xf32, #tpu.memory_space<hbm>>) target_semaphore(%run_scoped3A : memref<!tpu.dma_semaphore, #tpu.memory_space<semaphore_mem>>)
        %dma_wait3A_172 = arith.constant 0 : i32
        %dma_wait3A_173 = tpu.memref_slice %arg4[%add3A_132, %dma_wait3A_172] : memref<160000x256xf32, #tpu.memory_space<hbm>> -> memref<128x256xf32, #tpu.memory_space<hbm>>
        %dma_wait3A_174 = arith.constant 0 : i32
        %dma_wait3A_175 = tpu.memref_slice %arg4[%add3A_132, %dma_wait3A_174] : memref<160000x256xf32, #tpu.memory_space<hbm>> -> memref<128x256xf32, #tpu.memory_space<hbm>>
        tpu.wait_dma2 semaphore(%run_scoped3A : memref<!tpu.dma_semaphore, #tpu.memory_space<semaphore_mem>>) src(%arg8 : memref<128x256xf32, #tpu.memory_space<vmem>>) dst(%dma_wait3A_175 : memref<128x256xf32, #tpu.memory_space<hbm>>)
        tpu.yield
      }) : () -> ()
      %add3A_133 = arith.constant 640 : i32
      %add3A_134 = arith.addi %add3A_89, %add3A_133 : i32
      "tpu.region"() ({
        %run_scoped3A = tpu.sem_alloc : memref<!tpu.dma_semaphore, #tpu.memory_space<semaphore_mem>>
        %dma_start3A_168 = tpu.memref_slice %arg3[%add3A_134] : memref<160000xi32, #tpu.memory_space<hbm>> -> memref<128xi32, #tpu.memory_space<hbm>>
        %dma_start3A_169 = tpu.memref_slice %arg3[%add3A_134] : memref<160000xi32, #tpu.memory_space<hbm>> -> memref<128xi32, #tpu.memory_space<hbm>>
        tpu.enqueue_dma source(%dma_start3A_169 : memref<128xi32, #tpu.memory_space<hbm>>) target(%arg6 : memref<128xi32, #tpu.memory_space<vmem>>) target_semaphore(%run_scoped3A : memref<!tpu.dma_semaphore, #tpu.memory_space<semaphore_mem>>)
        %dma_wait3A_170 = tpu.memref_slice %arg3[%add3A_134] : memref<160000xi32, #tpu.memory_space<hbm>> -> memref<128xi32, #tpu.memory_space<hbm>>
        %dma_wait3A_171 = tpu.memref_slice %arg3[%add3A_134] : memref<160000xi32, #tpu.memory_space<hbm>> -> memref<128xi32, #tpu.memory_space<hbm>>
        tpu.wait_dma2 semaphore(%run_scoped3A : memref<!tpu.dma_semaphore, #tpu.memory_space<semaphore_mem>>) src(%dma_wait3A_171 : memref<128xi32, #tpu.memory_space<hbm>>) dst(%arg6 : memref<128xi32, #tpu.memory_space<vmem>>)
        tpu.yield
      }) : () -> ()
      %dma_start3A_135 = arith.constant 0 : i32
      %dma_start3A_136 = arith.constant 0 : i32
      %dma_start3A_137 = tpu.memref_slice %arg2[%dma_start3A_135, %dma_start3A_136] : memref<11392x256xf32, #tpu.memory_space<hbm>> -> memref<11392x256xf32, #tpu.memory_space<hbm>>
      tpu.enqueue_indirect_dma source(%dma_start3A_137 : memref<11392x256xf32, #tpu.memory_space<hbm>>) target(%arg8 : memref<128x256xf32, #tpu.memory_space<vmem>>) offsets(%arg6 : memref<128xi32, #tpu.memory_space<vmem>>) semaphore(%arg12 : memref<!tpu.dma_semaphore, #tpu.memory_space<semaphore_mem>>)
      %dma_wait3A_138 = arith.constant 0 : i32
      %dma_wait3A_139 = arith.constant 0 : i32
      %dma_wait3A_140 = tpu.memref_slice %arg2[%dma_wait3A_138, %dma_wait3A_139] : memref<11392x256xf32, #tpu.memory_space<hbm>> -> memref<11392x256xf32, #tpu.memory_space<hbm>>
      tpu.wait_indirect_dma semaphore(%arg11 : memref<!tpu.dma_semaphore, #tpu.memory_space<semaphore_mem>>) src(%dma_wait3A_140 : memref<11392x256xf32, #tpu.memory_space<hbm>>) dst(%arg7 : memref<128x256xf32, #tpu.memory_space<vmem>>)
      %add3A_141 = arith.constant 512 : i32
      %add3A_142 = arith.addi %add3A_89, %add3A_141 : i32
      "tpu.region"() ({
        %run_scoped3A = tpu.sem_alloc : memref<!tpu.dma_semaphore, #tpu.memory_space<semaphore_mem>>
        %dma_start3A_168 = arith.constant 0 : i32
        %dma_start3A_169 = tpu.memref_slice %arg4[%add3A_142, %dma_start3A_168] : memref<160000x256xf32, #tpu.memory_space<hbm>> -> memref<128x256xf32, #tpu.memory_space<hbm>>
        %dma_start3A_170 = arith.constant 0 : i32
        %dma_start3A_171 = tpu.memref_slice %arg4[%add3A_142, %dma_start3A_170] : memref<160000x256xf32, #tpu.memory_space<hbm>> -> memref<128x256xf32, #tpu.memory_space<hbm>>
        tpu.enqueue_dma source(%arg7 : memref<128x256xf32, #tpu.memory_space<vmem>>) target(%dma_start3A_171 : memref<128x256xf32, #tpu.memory_space<hbm>>) target_semaphore(%run_scoped3A : memref<!tpu.dma_semaphore, #tpu.memory_space<semaphore_mem>>)
        %dma_wait3A_172 = arith.constant 0 : i32
        %dma_wait3A_173 = tpu.memref_slice %arg4[%add3A_142, %dma_wait3A_172] : memref<160000x256xf32, #tpu.memory_space<hbm>> -> memref<128x256xf32, #tpu.memory_space<hbm>>
        %dma_wait3A_174 = arith.constant 0 : i32
        %dma_wait3A_175 = tpu.memref_slice %arg4[%add3A_142, %dma_wait3A_174] : memref<160000x256xf32, #tpu.memory_space<hbm>> -> memref<128x256xf32, #tpu.memory_space<hbm>>
        tpu.wait_dma2 semaphore(%run_scoped3A : memref<!tpu.dma_semaphore, #tpu.memory_space<semaphore_mem>>) src(%arg7 : memref<128x256xf32, #tpu.memory_space<vmem>>) dst(%dma_wait3A_175 : memref<128x256xf32, #tpu.memory_space<hbm>>)
        tpu.yield
      }) : () -> ()
      %add3A_143 = arith.constant 768 : i32
      %add3A_144 = arith.addi %add3A_89, %add3A_143 : i32
      "tpu.region"() ({
        %run_scoped3A = tpu.sem_alloc : memref<!tpu.dma_semaphore, #tpu.memory_space<semaphore_mem>>
        %dma_start3A_168 = tpu.memref_slice %arg3[%add3A_144] : memref<160000xi32, #tpu.memory_space<hbm>> -> memref<128xi32, #tpu.memory_space<hbm>>
        %dma_start3A_169 = tpu.memref_slice %arg3[%add3A_144] : memref<160000xi32, #tpu.memory_space<hbm>> -> memref<128xi32, #tpu.memory_space<hbm>>
        tpu.enqueue_dma source(%dma_start3A_169 : memref<128xi32, #tpu.memory_space<hbm>>) target(%arg5 : memref<128xi32, #tpu.memory_space<vmem>>) target_semaphore(%run_scoped3A : memref<!tpu.dma_semaphore, #tpu.memory_space<semaphore_mem>>)
        %dma_wait3A_170 = tpu.memref_slice %arg3[%add3A_144] : memref<160000xi32, #tpu.memory_space<hbm>> -> memref<128xi32, #tpu.memory_space<hbm>>
        %dma_wait3A_171 = tpu.memref_slice %arg3[%add3A_144] : memref<160000xi32, #tpu.memory_space<hbm>> -> memref<128xi32, #tpu.memory_space<hbm>>
        tpu.wait_dma2 semaphore(%run_scoped3A : memref<!tpu.dma_semaphore, #tpu.memory_space<semaphore_mem>>) src(%dma_wait3A_171 : memref<128xi32, #tpu.memory_space<hbm>>) dst(%arg5 : memref<128xi32, #tpu.memory_space<vmem>>)
        tpu.yield
      }) : () -> ()
      %dma_start3A_145 = arith.constant 0 : i32
      %dma_start3A_146 = arith.constant 0 : i32
      %dma_start3A_147 = tpu.memref_slice %arg2[%dma_start3A_145, %dma_start3A_146] : memref<11392x256xf32, #tpu.memory_space<hbm>> -> memref<11392x256xf32, #tpu.memory_space<hbm>>
      tpu.enqueue_indirect_dma source(%dma_start3A_147 : memref<11392x256xf32, #tpu.memory_space<hbm>>) target(%arg7 : memref<128x256xf32, #tpu.memory_space<vmem>>) offsets(%arg5 : memref<128xi32, #tpu.memory_space<vmem>>) semaphore(%arg11 : memref<!tpu.dma_semaphore, #tpu.memory_space<semaphore_mem>>)
      %dma_wait3A_148 = arith.constant 0 : i32
      %dma_wait3A_149 = arith.constant 0 : i32
      %dma_wait3A_150 = tpu.memref_slice %arg2[%dma_wait3A_148, %dma_wait3A_149] : memref<11392x256xf32, #tpu.memory_space<hbm>> -> memref<11392x256xf32, #tpu.memory_space<hbm>>
      tpu.wait_indirect_dma semaphore(%arg12 : memref<!tpu.dma_semaphore, #tpu.memory_space<semaphore_mem>>) src(%dma_wait3A_150 : memref<11392x256xf32, #tpu.memory_space<hbm>>) dst(%arg8 : memref<128x256xf32, #tpu.memory_space<vmem>>)
      %add3A_151 = arith.constant 640 : i32
      %add3A_152 = arith.addi %add3A_89, %add3A_151 : i32
      "tpu.region"() ({
        %run_scoped3A = tpu.sem_alloc : memref<!tpu.dma_semaphore, #tpu.memory_space<semaphore_mem>>
        %dma_start3A_168 = arith.constant 0 : i32
        %dma_start3A_169 = tpu.memref_slice %arg4[%add3A_152, %dma_start3A_168] : memref<160000x256xf32, #tpu.memory_space<hbm>> -> memref<128x256xf32, #tpu.memory_space<hbm>>
        %dma_start3A_170 = arith.constant 0 : i32
        %dma_start3A_171 = tpu.memref_slice %arg4[%add3A_152, %dma_start3A_170] : memref<160000x256xf32, #tpu.memory_space<hbm>> -> memref<128x256xf32, #tpu.memory_space<hbm>>
        tpu.enqueue_dma source(%arg8 : memref<128x256xf32, #tpu.memory_space<vmem>>) target(%dma_start3A_171 : memref<128x256xf32, #tpu.memory_space<hbm>>) target_semaphore(%run_scoped3A : memref<!tpu.dma_semaphore, #tpu.memory_space<semaphore_mem>>)
        %dma_wait3A_172 = arith.constant 0 : i32
        %dma_wait3A_173 = tpu.memref_slice %arg4[%add3A_152, %dma_wait3A_172] : memref<160000x256xf32, #tpu.memory_space<hbm>> -> memref<128x256xf32, #tpu.memory_space<hbm>>
        %dma_wait3A_174 = arith.constant 0 : i32
        %dma_wait3A_175 = tpu.memref_slice %arg4[%add3A_152, %dma_wait3A_174] : memref<160000x256xf32, #tpu.memory_space<hbm>> -> memref<128x256xf32, #tpu.memory_space<hbm>>
        tpu.wait_dma2 semaphore(%run_scoped3A : memref<!tpu.dma_semaphore, #tpu.memory_space<semaphore_mem>>) src(%arg8 : memref<128x256xf32, #tpu.memory_space<vmem>>) dst(%dma_wait3A_175 : memref<128x256xf32, #tpu.memory_space<hbm>>)
        tpu.yield
      }) : () -> ()
      %add3A_153 = arith.constant 896 : i32
      %add3A_154 = arith.addi %add3A_89, %add3A_153 : i32
      "tpu.region"() ({
        %run_scoped3A = tpu.sem_alloc : memref<!tpu.dma_semaphore, #tpu.memory_space<semaphore_mem>>
        %dma_start3A_168 = tpu.memref_slice %arg3[%add3A_154] : memref<160000xi32, #tpu.memory_space<hbm>> -> memref<128xi32, #tpu.memory_space<hbm>>
        %dma_start3A_169 = tpu.memref_slice %arg3[%add3A_154] : memref<160000xi32, #tpu.memory_space<hbm>> -> memref<128xi32, #tpu.memory_space<hbm>>
        tpu.enqueue_dma source(%dma_start3A_169 : memref<128xi32, #tpu.memory_space<hbm>>) target(%arg6 : memref<128xi32, #tpu.memory_space<vmem>>) target_semaphore(%run_scoped3A : memref<!tpu.dma_semaphore, #tpu.memory_space<semaphore_mem>>)
        %dma_wait3A_170 = tpu.memref_slice %arg3[%add3A_154] : memref<160000xi32, #tpu.memory_space<hbm>> -> memref<128xi32, #tpu.memory_space<hbm>>
        %dma_wait3A_171 = tpu.memref_slice %arg3[%add3A_154] : memref<160000xi32, #tpu.memory_space<hbm>> -> memref<128xi32, #tpu.memory_space<hbm>>
        tpu.wait_dma2 semaphore(%run_scoped3A : memref<!tpu.dma_semaphore, #tpu.memory_space<semaphore_mem>>) src(%dma_wait3A_171 : memref<128xi32, #tpu.memory_space<hbm>>) dst(%arg6 : memref<128xi32, #tpu.memory_space<vmem>>)
        tpu.yield
      }) : () -> ()
      %dma_start3A_155 = arith.constant 0 : i32
      %dma_start3A_156 = arith.constant 0 : i32
      %dma_start3A_157 = tpu.memref_slice %arg2[%dma_start3A_155, %dma_start3A_156] : memref<11392x256xf32, #tpu.memory_space<hbm>> -> memref<11392x256xf32, #tpu.memory_space<hbm>>
      tpu.enqueue_indirect_dma source(%dma_start3A_157 : memref<11392x256xf32, #tpu.memory_space<hbm>>) target(%arg8 : memref<128x256xf32, #tpu.memory_space<vmem>>) offsets(%arg6 : memref<128xi32, #tpu.memory_space<vmem>>) semaphore(%arg12 : memref<!tpu.dma_semaphore, #tpu.memory_space<semaphore_mem>>)
      %dma_wait3A_158 = arith.constant 0 : i32
      %dma_wait3A_159 = arith.constant 0 : i32
      %dma_wait3A_160 = tpu.memref_slice %arg2[%dma_wait3A_158, %dma_wait3A_159] : memref<11392x256xf32, #tpu.memory_space<hbm>> -> memref<11392x256xf32, #tpu.memory_space<hbm>>
      tpu.wait_indirect_dma semaphore(%arg11 : memref<!tpu.dma_semaphore, #tpu.memory_space<semaphore_mem>>) src(%dma_wait3A_160 : memref<11392x256xf32, #tpu.memory_space<hbm>>) dst(%arg7 : memref<128x256xf32, #tpu.memory_space<vmem>>)
      %add3A_161 = arith.constant 768 : i32
      %add3A_162 = arith.addi %add3A_89, %add3A_161 : i32
      "tpu.region"() ({
        %run_scoped3A = tpu.sem_alloc : memref<!tpu.dma_semaphore, #tpu.memory_space<semaphore_mem>>
        %dma_start3A_168 = arith.constant 0 : i32
        %dma_start3A_169 = tpu.memref_slice %arg4[%add3A_162, %dma_start3A_168] : memref<160000x256xf32, #tpu.memory_space<hbm>> -> memref<128x256xf32, #tpu.memory_space<hbm>>
        %dma_start3A_170 = arith.constant 0 : i32
        %dma_start3A_171 = tpu.memref_slice %arg4[%add3A_162, %dma_start3A_170] : memref<160000x256xf32, #tpu.memory_space<hbm>> -> memref<128x256xf32, #tpu.memory_space<hbm>>
        tpu.enqueue_dma source(%arg7 : memref<128x256xf32, #tpu.memory_space<vmem>>) target(%dma_start3A_171 : memref<128x256xf32, #tpu.memory_space<hbm>>) target_semaphore(%run_scoped3A : memref<!tpu.dma_semaphore, #tpu.memory_space<semaphore_mem>>)
        %dma_wait3A_172 = arith.constant 0 : i32
        %dma_wait3A_173 = tpu.memref_slice %arg4[%add3A_162, %dma_wait3A_172] : memref<160000x256xf32, #tpu.memory_space<hbm>> -> memref<128x256xf32, #tpu.memory_space<hbm>>
        %dma_wait3A_174 = arith.constant 0 : i32
        %dma_wait3A_175 = tpu.memref_slice %arg4[%add3A_162, %dma_wait3A_174] : memref<160000x256xf32, #tpu.memory_space<hbm>> -> memref<128x256xf32, #tpu.memory_space<hbm>>
        tpu.wait_dma2 semaphore(%run_scoped3A : memref<!tpu.dma_semaphore, #tpu.memory_space<semaphore_mem>>) src(%arg7 : memref<128x256xf32, #tpu.memory_space<vmem>>) dst(%dma_wait3A_175 : memref<128x256xf32, #tpu.memory_space<hbm>>)
        tpu.yield
      }) : () -> ()
      %dma_wait3A_163 = arith.constant 0 : i32
      %dma_wait3A_164 = arith.constant 0 : i32
      %dma_wait3A_165 = tpu.memref_slice %arg2[%dma_wait3A_163, %dma_wait3A_164] : memref<11392x256xf32, #tpu.memory_space<hbm>> -> memref<11392x256xf32, #tpu.memory_space<hbm>>
      tpu.wait_indirect_dma semaphore(%arg12 : memref<!tpu.dma_semaphore, #tpu.memory_space<semaphore_mem>>) src(%dma_wait3A_165 : memref<11392x256xf32, #tpu.memory_space<hbm>>) dst(%arg8 : memref<128x256xf32, #tpu.memory_space<vmem>>)
      %add3A_166 = arith.constant 896 : i32
      %add3A_167 = arith.addi %add3A_89, %add3A_166 : i32
      "tpu.region"() ({
        %run_scoped3A = tpu.sem_alloc : memref<!tpu.dma_semaphore, #tpu.memory_space<semaphore_mem>>
        %dma_start3A_168 = arith.constant 0 : i32
        %dma_start3A_169 = tpu.memref_slice %arg4[%add3A_167, %dma_start3A_168] : memref<160000x256xf32, #tpu.memory_space<hbm>> -> memref<128x256xf32, #tpu.memory_space<hbm>>
        %dma_start3A_170 = arith.constant 0 : i32
        %dma_start3A_171 = tpu.memref_slice %arg4[%add3A_167, %dma_start3A_170] : memref<160000x256xf32, #tpu.memory_space<hbm>> -> memref<128x256xf32, #tpu.memory_space<hbm>>
        tpu.enqueue_dma source(%arg8 : memref<128x256xf32, #tpu.memory_space<vmem>>) target(%dma_start3A_171 : memref<128x256xf32, #tpu.memory_space<hbm>>) target_semaphore(%run_scoped3A : memref<!tpu.dma_semaphore, #tpu.memory_space<semaphore_mem>>)
        %dma_wait3A_172 = arith.constant 0 : i32
        %dma_wait3A_173 = tpu.memref_slice %arg4[%add3A_167, %dma_wait3A_172] : memref<160000x256xf32, #tpu.memory_space<hbm>> -> memref<128x256xf32, #tpu.memory_space<hbm>>
        %dma_wait3A_174 = arith.constant 0 : i32
        %dma_wait3A_175 = tpu.memref_slice %arg4[%add3A_167, %dma_wait3A_174] : memref<160000x256xf32, #tpu.memory_space<hbm>> -> memref<128x256xf32, #tpu.memory_space<hbm>>
        tpu.wait_dma2 semaphore(%run_scoped3A : memref<!tpu.dma_semaphore, #tpu.memory_space<semaphore_mem>>) src(%arg8 : memref<128x256xf32, #tpu.memory_space<vmem>>) dst(%dma_wait3A_175 : memref<128x256xf32, #tpu.memory_space<hbm>>)
        tpu.yield
      }) : () -> ()
    }
    %scan3A_7 = arith.constant 4 : i32
    %add3A_8 = arith.constant 4096 : i32
    %add3A_9 = arith.addi %multiple_of3A, %add3A_8 : i32
    "tpu.region"() ({
      %run_scoped3A = tpu.sem_alloc : memref<!tpu.dma_semaphore, #tpu.memory_space<semaphore_mem>>
      %dma_start3A_84 = tpu.memref_slice %arg3[%add3A_9] : memref<160000xi32, #tpu.memory_space<hbm>> -> memref<128xi32, #tpu.memory_space<hbm>>
      %dma_start3A_85 = tpu.memref_slice %arg3[%add3A_9] : memref<160000xi32, #tpu.memory_space<hbm>> -> memref<128xi32, #tpu.memory_space<hbm>>
      tpu.enqueue_dma source(%dma_start3A_85 : memref<128xi32, #tpu.memory_space<hbm>>) target(%arg5 : memref<128xi32, #tpu.memory_space<vmem>>) target_semaphore(%run_scoped3A : memref<!tpu.dma_semaphore, #tpu.memory_space<semaphore_mem>>)
      %dma_wait3A_86 = tpu.memref_slice %arg3[%add3A_9] : memref<160000xi32, #tpu.memory_space<hbm>> -> memref<128xi32, #tpu.memory_space<hbm>>
      %dma_wait3A_87 = tpu.memref_slice %arg3[%add3A_9] : memref<160000xi32, #tpu.memory_space<hbm>> -> memref<128xi32, #tpu.memory_space<hbm>>
      tpu.wait_dma2 semaphore(%run_scoped3A : memref<!tpu.dma_semaphore, #tpu.memory_space<semaphore_mem>>) src(%dma_wait3A_87 : memref<128xi32, #tpu.memory_space<hbm>>) dst(%arg5 : memref<128xi32, #tpu.memory_space<vmem>>)
      tpu.yield
    }) : () -> ()
    %dma_start3A = arith.constant 0 : i32
    %dma_start3A_10 = arith.constant 0 : i32
    %dma_start3A_11 = tpu.memref_slice %arg2[%dma_start3A, %dma_start3A_10] : memref<11392x256xf32, #tpu.memory_space<hbm>> -> memref<11392x256xf32, #tpu.memory_space<hbm>>
    tpu.enqueue_indirect_dma source(%dma_start3A_11 : memref<11392x256xf32, #tpu.memory_space<hbm>>) target(%arg7 : memref<128x256xf32, #tpu.memory_space<vmem>>) offsets(%arg5 : memref<128xi32, #tpu.memory_space<vmem>>) semaphore(%arg11 : memref<!tpu.dma_semaphore, #tpu.memory_space<semaphore_mem>>)
    %add3A_12 = arith.constant 4224 : i32
    %add3A_13 = arith.addi %multiple_of3A, %add3A_12 : i32
    "tpu.region"() ({
      %run_scoped3A = tpu.sem_alloc : memref<!tpu.dma_semaphore, #tpu.memory_space<semaphore_mem>>
      %dma_start3A_84 = tpu.memref_slice %arg3[%add3A_13] : memref<160000xi32, #tpu.memory_space<hbm>> -> memref<128xi32, #tpu.memory_space<hbm>>
      %dma_start3A_85 = tpu.memref_slice %arg3[%add3A_13] : memref<160000xi32, #tpu.memory_space<hbm>> -> memref<128xi32, #tpu.memory_space<hbm>>
      tpu.enqueue_dma source(%dma_start3A_85 : memref<128xi32, #tpu.memory_space<hbm>>) target(%arg6 : memref<128xi32, #tpu.memory_space<vmem>>) target_semaphore(%run_scoped3A : memref<!tpu.dma_semaphore, #tpu.memory_space<semaphore_mem>>)
      %dma_wait3A_86 = tpu.memref_slice %arg3[%add3A_13] : memref<160000xi32, #tpu.memory_space<hbm>> -> memref<128xi32, #tpu.memory_space<hbm>>
      %dma_wait3A_87 = tpu.memref_slice %arg3[%add3A_13] : memref<160000xi32, #tpu.memory_space<hbm>> -> memref<128xi32, #tpu.memory_space<hbm>>
      tpu.wait_dma2 semaphore(%run_scoped3A : memref<!tpu.dma_semaphore, #tpu.memory_space<semaphore_mem>>) src(%dma_wait3A_87 : memref<128xi32, #tpu.memory_space<hbm>>) dst(%arg6 : memref<128xi32, #tpu.memory_space<vmem>>)
      tpu.yield
    }) : () -> ()
    %dma_start3A_14 = arith.constant 0 : i32
    %dma_start3A_15 = arith.constant 0 : i32
    %dma_start3A_16 = tpu.memref_slice %arg2[%dma_start3A_14, %dma_start3A_15] : memref<11392x256xf32, #tpu.memory_space<hbm>> -> memref<11392x256xf32, #tpu.memory_space<hbm>>
    tpu.enqueue_indirect_dma source(%dma_start3A_16 : memref<11392x256xf32, #tpu.memory_space<hbm>>) target(%arg8 : memref<128x256xf32, #tpu.memory_space<vmem>>) offsets(%arg6 : memref<128xi32, #tpu.memory_space<vmem>>) semaphore(%arg12 : memref<!tpu.dma_semaphore, #tpu.memory_space<semaphore_mem>>)
    %dma_wait3A = arith.constant 0 : i32
    %dma_wait3A_17 = arith.constant 0 : i32
    %dma_wait3A_18 = tpu.memref_slice %arg2[%dma_wait3A, %dma_wait3A_17] : memref<11392x256xf32, #tpu.memory_space<hbm>> -> memref<11392x256xf32, #tpu.memory_space<hbm>>
    tpu.wait_indirect_dma semaphore(%arg11 : memref<!tpu.dma_semaphore, #tpu.memory_space<semaphore_mem>>) src(%dma_wait3A_18 : memref<11392x256xf32, #tpu.memory_space<hbm>>) dst(%arg7 : memref<128x256xf32, #tpu.memory_space<vmem>>)
    %add3A_19 = arith.constant 4096 : i32
    %add3A_20 = arith.addi %multiple_of3A, %add3A_19 : i32
    "tpu.region"() ({
      %run_scoped3A = tpu.sem_alloc : memref<!tpu.dma_semaphore, #tpu.memory_space<semaphore_mem>>
      %dma_start3A_84 = arith.constant 0 : i32
      %dma_start3A_85 = tpu.memref_slice %arg4[%add3A_20, %dma_start3A_84] : memref<160000x256xf32, #tpu.memory_space<hbm>> -> memref<128x256xf32, #tpu.memory_space<hbm>>
      %dma_start3A_86 = arith.constant 0 : i32
      %dma_start3A_87 = tpu.memref_slice %arg4[%add3A_20, %dma_start3A_86] : memref<160000x256xf32, #tpu.memory_space<hbm>> -> memref<128x256xf32, #tpu.memory_space<hbm>>
      tpu.enqueue_dma source(%arg7 : memref<128x256xf32, #tpu.memory_space<vmem>>) target(%dma_start3A_87 : memref<128x256xf32, #tpu.memory_space<hbm>>) target_semaphore(%run_scoped3A : memref<!tpu.dma_semaphore, #tpu.memory_space<semaphore_mem>>)
      %dma_wait3A_88 = arith.constant 0 : i32
      %dma_wait3A_89 = tpu.memref_slice %arg4[%add3A_20, %dma_wait3A_88] : memref<160000x256xf32, #tpu.memory_space<hbm>> -> memref<128x256xf32, #tpu.memory_space<hbm>>
      %dma_wait3A_90 = arith.constant 0 : i32
      %dma_wait3A_91 = tpu.memref_slice %arg4[%add3A_20, %dma_wait3A_90] : memref<160000x256xf32, #tpu.memory_space<hbm>> -> memref<128x256xf32, #tpu.memory_space<hbm>>
      tpu.wait_dma2 semaphore(%run_scoped3A : memref<!tpu.dma_semaphore, #tpu.memory_space<semaphore_mem>>) src(%arg7 : memref<128x256xf32, #tpu.memory_space<vmem>>) dst(%dma_wait3A_91 : memref<128x256xf32, #tpu.memory_space<hbm>>)
      tpu.yield
    }) : () -> ()
    %add3A_21 = arith.constant 4352 : i32
    %add3A_22 = arith.addi %multiple_of3A, %add3A_21 : i32
    "tpu.region"() ({
      %run_scoped3A = tpu.sem_alloc : memref<!tpu.dma_semaphore, #tpu.memory_space<semaphore_mem>>
      %dma_start3A_84 = tpu.memref_slice %arg3[%add3A_22] : memref<160000xi32, #tpu.memory_space<hbm>> -> memref<128xi32, #tpu.memory_space<hbm>>
      %dma_start3A_85 = tpu.memref_slice %arg3[%add3A_22] : memref<160000xi32, #tpu.memory_space<hbm>> -> memref<128xi32, #tpu.memory_space<hbm>>
      tpu.enqueue_dma source(%dma_start3A_85 : memref<128xi32, #tpu.memory_space<hbm>>) target(%arg5 : memref<128xi32, #tpu.memory_space<vmem>>) target_semaphore(%run_scoped3A : memref<!tpu.dma_semaphore, #tpu.memory_space<semaphore_mem>>)
      %dma_wait3A_86 = tpu.memref_slice %arg3[%add3A_22] : memref<160000xi32, #tpu.memory_space<hbm>> -> memref<128xi32, #tpu.memory_space<hbm>>
      %dma_wait3A_87 = tpu.memref_slice %arg3[%add3A_22] : memref<160000xi32, #tpu.memory_space<hbm>> -> memref<128xi32, #tpu.memory_space<hbm>>
      tpu.wait_dma2 semaphore(%run_scoped3A : memref<!tpu.dma_semaphore, #tpu.memory_space<semaphore_mem>>) src(%dma_wait3A_87 : memref<128xi32, #tpu.memory_space<hbm>>) dst(%arg5 : memref<128xi32, #tpu.memory_space<vmem>>)
      tpu.yield
    }) : () -> ()
    %dma_start3A_23 = arith.constant 0 : i32
    %dma_start3A_24 = arith.constant 0 : i32
    %dma_start3A_25 = tpu.memref_slice %arg2[%dma_start3A_23, %dma_start3A_24] : memref<11392x256xf32, #tpu.memory_space<hbm>> -> memref<11392x256xf32, #tpu.memory_space<hbm>>
    tpu.enqueue_indirect_dma source(%dma_start3A_25 : memref<11392x256xf32, #tpu.memory_space<hbm>>) target(%arg7 : memref<128x256xf32, #tpu.memory_space<vmem>>) offsets(%arg5 : memref<128xi32, #tpu.memory_space<vmem>>) semaphore(%arg11 : memref<!tpu.dma_semaphore, #tpu.memory_space<semaphore_mem>>)
    %dma_wait3A_26 = arith.constant 0 : i32
    %dma_wait3A_27 = arith.constant 0 : i32
    %dma_wait3A_28 = tpu.memref_slice %arg2[%dma_wait3A_26, %dma_wait3A_27] : memref<11392x256xf32, #tpu.memory_space<hbm>> -> memref<11392x256xf32, #tpu.memory_space<hbm>>
    tpu.wait_indirect_dma semaphore(%arg12 : memref<!tpu.dma_semaphore, #tpu.memory_space<semaphore_mem>>) src(%dma_wait3A_28 : memref<11392x256xf32, #tpu.memory_space<hbm>>) dst(%arg8 : memref<128x256xf32, #tpu.memory_space<vmem>>)
    %add3A_29 = arith.constant 4224 : i32
    %add3A_30 = arith.addi %multiple_of3A, %add3A_29 : i32
    "tpu.region"() ({
      %run_scoped3A = tpu.sem_alloc : memref<!tpu.dma_semaphore, #tpu.memory_space<semaphore_mem>>
      %dma_start3A_84 = arith.constant 0 : i32
      %dma_start3A_85 = tpu.memref_slice %arg4[%add3A_30, %dma_start3A_84] : memref<160000x256xf32, #tpu.memory_space<hbm>> -> memref<128x256xf32, #tpu.memory_space<hbm>>
      %dma_start3A_86 = arith.constant 0 : i32
      %dma_start3A_87 = tpu.memref_slice %arg4[%add3A_30, %dma_start3A_86] : memref<160000x256xf32, #tpu.memory_space<hbm>> -> memref<128x256xf32, #tpu.memory_space<hbm>>
      tpu.enqueue_dma source(%arg8 : memref<128x256xf32, #tpu.memory_space<vmem>>) target(%dma_start3A_87 : memref<128x256xf32, #tpu.memory_space<hbm>>) target_semaphore(%run_scoped3A : memref<!tpu.dma_semaphore, #tpu.memory_space<semaphore_mem>>)
      %dma_wait3A_88 = arith.constant 0 : i32
      %dma_wait3A_89 = tpu.memref_slice %arg4[%add3A_30, %dma_wait3A_88] : memref<160000x256xf32, #tpu.memory_space<hbm>> -> memref<128x256xf32, #tpu.memory_space<hbm>>
      %dma_wait3A_90 = arith.constant 0 : i32
      %dma_wait3A_91 = tpu.memref_slice %arg4[%add3A_30, %dma_wait3A_90] : memref<160000x256xf32, #tpu.memory_space<hbm>> -> memref<128x256xf32, #tpu.memory_space<hbm>>
      tpu.wait_dma2 semaphore(%run_scoped3A : memref<!tpu.dma_semaphore, #tpu.memory_space<semaphore_mem>>) src(%arg8 : memref<128x256xf32, #tpu.memory_space<vmem>>) dst(%dma_wait3A_91 : memref<128x256xf32, #tpu.memory_space<hbm>>)
      tpu.yield
    }) : () -> ()
    %add3A_31 = arith.constant 4480 : i32
    %add3A_32 = arith.addi %multiple_of3A, %add3A_31 : i32
    "tpu.region"() ({
      %run_scoped3A = tpu.sem_alloc : memref<!tpu.dma_semaphore, #tpu.memory_space<semaphore_mem>>
      %dma_start3A_84 = tpu.memref_slice %arg3[%add3A_32] : memref<160000xi32, #tpu.memory_space<hbm>> -> memref<128xi32, #tpu.memory_space<hbm>>
      %dma_start3A_85 = tpu.memref_slice %arg3[%add3A_32] : memref<160000xi32, #tpu.memory_space<hbm>> -> memref<128xi32, #tpu.memory_space<hbm>>
      tpu.enqueue_dma source(%dma_start3A_85 : memref<128xi32, #tpu.memory_space<hbm>>) target(%arg6 : memref<128xi32, #tpu.memory_space<vmem>>) target_semaphore(%run_scoped3A : memref<!tpu.dma_semaphore, #tpu.memory_space<semaphore_mem>>)
      %dma_wait3A_86 = tpu.memref_slice %arg3[%add3A_32] : memref<160000xi32, #tpu.memory_space<hbm>> -> memref<128xi32, #tpu.memory_space<hbm>>
      %dma_wait3A_87 = tpu.memref_slice %arg3[%add3A_32] : memref<160000xi32, #tpu.memory_space<hbm>> -> memref<128xi32, #tpu.memory_space<hbm>>
      tpu.wait_dma2 semaphore(%run_scoped3A : memref<!tpu.dma_semaphore, #tpu.memory_space<semaphore_mem>>) src(%dma_wait3A_87 : memref<128xi32, #tpu.memory_space<hbm>>) dst(%arg6 : memref<128xi32, #tpu.memory_space<vmem>>)
      tpu.yield
    }) : () -> ()
    %dma_start3A_33 = arith.constant 0 : i32
    %dma_start3A_34 = arith.constant 0 : i32
    %dma_start3A_35 = tpu.memref_slice %arg2[%dma_start3A_33, %dma_start3A_34] : memref<11392x256xf32, #tpu.memory_space<hbm>> -> memref<11392x256xf32, #tpu.memory_space<hbm>>
    tpu.enqueue_indirect_dma source(%dma_start3A_35 : memref<11392x256xf32, #tpu.memory_space<hbm>>) target(%arg8 : memref<128x256xf32, #tpu.memory_space<vmem>>) offsets(%arg6 : memref<128xi32, #tpu.memory_space<vmem>>) semaphore(%arg12 : memref<!tpu.dma_semaphore, #tpu.memory_space<semaphore_mem>>)
    %dma_wait3A_36 = arith.constant 0 : i32
    %dma_wait3A_37 = arith.constant 0 : i32
    %dma_wait3A_38 = tpu.memref_slice %arg2[%dma_wait3A_36, %dma_wait3A_37] : memref<11392x256xf32, #tpu.memory_space<hbm>> -> memref<11392x256xf32, #tpu.memory_space<hbm>>
    tpu.wait_indirect_dma semaphore(%arg11 : memref<!tpu.dma_semaphore, #tpu.memory_space<semaphore_mem>>) src(%dma_wait3A_38 : memref<11392x256xf32, #tpu.memory_space<hbm>>) dst(%arg7 : memref<128x256xf32, #tpu.memory_space<vmem>>)
    %add3A_39 = arith.constant 4352 : i32
    %add3A_40 = arith.addi %multiple_of3A, %add3A_39 : i32
    "tpu.region"() ({
      %run_scoped3A = tpu.sem_alloc : memref<!tpu.dma_semaphore, #tpu.memory_space<semaphore_mem>>
      %dma_start3A_84 = arith.constant 0 : i32
      %dma_start3A_85 = tpu.memref_slice %arg4[%add3A_40, %dma_start3A_84] : memref<160000x256xf32, #tpu.memory_space<hbm>> -> memref<128x256xf32, #tpu.memory_space<hbm>>
      %dma_start3A_86 = arith.constant 0 : i32
      %dma_start3A_87 = tpu.memref_slice %arg4[%add3A_40, %dma_start3A_86] : memref<160000x256xf32, #tpu.memory_space<hbm>> -> memref<128x256xf32, #tpu.memory_space<hbm>>
      tpu.enqueue_dma source(%arg7 : memref<128x256xf32, #tpu.memory_space<vmem>>) target(%dma_start3A_87 : memref<128x256xf32, #tpu.memory_space<hbm>>) target_semaphore(%run_scoped3A : memref<!tpu.dma_semaphore, #tpu.memory_space<semaphore_mem>>)
      %dma_wait3A_88 = arith.constant 0 : i32
      %dma_wait3A_89 = tpu.memref_slice %arg4[%add3A_40, %dma_wait3A_88] : memref<160000x256xf32, #tpu.memory_space<hbm>> -> memref<128x256xf32, #tpu.memory_space<hbm>>
      %dma_wait3A_90 = arith.constant 0 : i32
      %dma_wait3A_91 = tpu.memref_slice %arg4[%add3A_40, %dma_wait3A_90] : memref<160000x256xf32, #tpu.memory_space<hbm>> -> memref<128x256xf32, #tpu.memory_space<hbm>>
      tpu.wait_dma2 semaphore(%run_scoped3A : memref<!tpu.dma_semaphore, #tpu.memory_space<semaphore_mem>>) src(%arg7 : memref<128x256xf32, #tpu.memory_space<vmem>>) dst(%dma_wait3A_91 : memref<128x256xf32, #tpu.memory_space<hbm>>)
      tpu.yield
    }) : () -> ()
    %add3A_41 = arith.constant 4608 : i32
    %add3A_42 = arith.addi %multiple_of3A, %add3A_41 : i32
    "tpu.region"() ({
      %run_scoped3A = tpu.sem_alloc : memref<!tpu.dma_semaphore, #tpu.memory_space<semaphore_mem>>
      %dma_start3A_84 = tpu.memref_slice %arg3[%add3A_42] : memref<160000xi32, #tpu.memory_space<hbm>> -> memref<128xi32, #tpu.memory_space<hbm>>
      %dma_start3A_85 = tpu.memref_slice %arg3[%add3A_42] : memref<160000xi32, #tpu.memory_space<hbm>> -> memref<128xi32, #tpu.memory_space<hbm>>
      tpu.enqueue_dma source(%dma_start3A_85 : memref<128xi32, #tpu.memory_space<hbm>>) target(%arg5 : memref<128xi32, #tpu.memory_space<vmem>>) target_semaphore(%run_scoped3A : memref<!tpu.dma_semaphore, #tpu.memory_space<semaphore_mem>>)
      %dma_wait3A_86 = tpu.memref_slice %arg3[%add3A_42] : memref<160000xi32, #tpu.memory_space<hbm>> -> memref<128xi32, #tpu.memory_space<hbm>>
      %dma_wait3A_87 = tpu.memref_slice %arg3[%add3A_42] : memref<160000xi32, #tpu.memory_space<hbm>> -> memref<128xi32, #tpu.memory_space<hbm>>
      tpu.wait_dma2 semaphore(%run_scoped3A : memref<!tpu.dma_semaphore, #tpu.memory_space<semaphore_mem>>) src(%dma_wait3A_87 : memref<128xi32, #tpu.memory_space<hbm>>) dst(%arg5 : memref<128xi32, #tpu.memory_space<vmem>>)
      tpu.yield
    }) : () -> ()
    %dma_start3A_43 = arith.constant 0 : i32
    %dma_start3A_44 = arith.constant 0 : i32
    %dma_start3A_45 = tpu.memref_slice %arg2[%dma_start3A_43, %dma_start3A_44] : memref<11392x256xf32, #tpu.memory_space<hbm>> -> memref<11392x256xf32, #tpu.memory_space<hbm>>
    tpu.enqueue_indirect_dma source(%dma_start3A_45 : memref<11392x256xf32, #tpu.memory_space<hbm>>) target(%arg7 : memref<128x256xf32, #tpu.memory_space<vmem>>) offsets(%arg5 : memref<128xi32, #tpu.memory_space<vmem>>) semaphore(%arg11 : memref<!tpu.dma_semaphore, #tpu.memory_space<semaphore_mem>>)
    %dma_wait3A_46 = arith.constant 0 : i32
    %dma_wait3A_47 = arith.constant 0 : i32
    %dma_wait3A_48 = tpu.memref_slice %arg2[%dma_wait3A_46, %dma_wait3A_47] : memref<11392x256xf32, #tpu.memory_space<hbm>> -> memref<11392x256xf32, #tpu.memory_space<hbm>>
    tpu.wait_indirect_dma semaphore(%arg12 : memref<!tpu.dma_semaphore, #tpu.memory_space<semaphore_mem>>) src(%dma_wait3A_48 : memref<11392x256xf32, #tpu.memory_space<hbm>>) dst(%arg8 : memref<128x256xf32, #tpu.memory_space<vmem>>)
    %add3A_49 = arith.constant 4480 : i32
    %add3A_50 = arith.addi %multiple_of3A, %add3A_49 : i32
    "tpu.region"() ({
      %run_scoped3A = tpu.sem_alloc : memref<!tpu.dma_semaphore, #tpu.memory_space<semaphore_mem>>
      %dma_start3A_84 = arith.constant 0 : i32
      %dma_start3A_85 = tpu.memref_slice %arg4[%add3A_50, %dma_start3A_84] : memref<160000x256xf32, #tpu.memory_space<hbm>> -> memref<128x256xf32, #tpu.memory_space<hbm>>
      %dma_start3A_86 = arith.constant 0 : i32
      %dma_start3A_87 = tpu.memref_slice %arg4[%add3A_50, %dma_start3A_86] : memref<160000x256xf32, #tpu.memory_space<hbm>> -> memref<128x256xf32, #tpu.memory_space<hbm>>
      tpu.enqueue_dma source(%arg8 : memref<128x256xf32, #tpu.memory_space<vmem>>) target(%dma_start3A_87 : memref<128x256xf32, #tpu.memory_space<hbm>>) target_semaphore(%run_scoped3A : memref<!tpu.dma_semaphore, #tpu.memory_space<semaphore_mem>>)
      %dma_wait3A_88 = arith.constant 0 : i32
      %dma_wait3A_89 = tpu.memref_slice %arg4[%add3A_50, %dma_wait3A_88] : memref<160000x256xf32, #tpu.memory_space<hbm>> -> memref<128x256xf32, #tpu.memory_space<hbm>>
      %dma_wait3A_90 = arith.constant 0 : i32
      %dma_wait3A_91 = tpu.memref_slice %arg4[%add3A_50, %dma_wait3A_90] : memref<160000x256xf32, #tpu.memory_space<hbm>> -> memref<128x256xf32, #tpu.memory_space<hbm>>
      tpu.wait_dma2 semaphore(%run_scoped3A : memref<!tpu.dma_semaphore, #tpu.memory_space<semaphore_mem>>) src(%arg8 : memref<128x256xf32, #tpu.memory_space<vmem>>) dst(%dma_wait3A_91 : memref<128x256xf32, #tpu.memory_space<hbm>>)
      tpu.yield
    }) : () -> ()
    %add3A_51 = arith.constant 4736 : i32
    %add3A_52 = arith.addi %multiple_of3A, %add3A_51 : i32
    "tpu.region"() ({
      %run_scoped3A = tpu.sem_alloc : memref<!tpu.dma_semaphore, #tpu.memory_space<semaphore_mem>>
      %dma_start3A_84 = tpu.memref_slice %arg3[%add3A_52] : memref<160000xi32, #tpu.memory_space<hbm>> -> memref<128xi32, #tpu.memory_space<hbm>>
      %dma_start3A_85 = tpu.memref_slice %arg3[%add3A_52] : memref<160000xi32, #tpu.memory_space<hbm>> -> memref<128xi32, #tpu.memory_space<hbm>>
      tpu.enqueue_dma source(%dma_start3A_85 : memref<128xi32, #tpu.memory_space<hbm>>) target(%arg6 : memref<128xi32, #tpu.memory_space<vmem>>) target_semaphore(%run_scoped3A : memref<!tpu.dma_semaphore, #tpu.memory_space<semaphore_mem>>)
      %dma_wait3A_86 = tpu.memref_slice %arg3[%add3A_52] : memref<160000xi32, #tpu.memory_space<hbm>> -> memref<128xi32, #tpu.memory_space<hbm>>
      %dma_wait3A_87 = tpu.memref_slice %arg3[%add3A_52] : memref<160000xi32, #tpu.memory_space<hbm>> -> memref<128xi32, #tpu.memory_space<hbm>>
      tpu.wait_dma2 semaphore(%run_scoped3A : memref<!tpu.dma_semaphore, #tpu.memory_space<semaphore_mem>>) src(%dma_wait3A_87 : memref<128xi32, #tpu.memory_space<hbm>>) dst(%arg6 : memref<128xi32, #tpu.memory_space<vmem>>)
      tpu.yield
    }) : () -> ()
    %dma_start3A_53 = arith.constant 0 : i32
    %dma_start3A_54 = arith.constant 0 : i32
    %dma_start3A_55 = tpu.memref_slice %arg2[%dma_start3A_53, %dma_start3A_54] : memref<11392x256xf32, #tpu.memory_space<hbm>> -> memref<11392x256xf32, #tpu.memory_space<hbm>>
    tpu.enqueue_indirect_dma source(%dma_start3A_55 : memref<11392x256xf32, #tpu.memory_space<hbm>>) target(%arg8 : memref<128x256xf32, #tpu.memory_space<vmem>>) offsets(%arg6 : memref<128xi32, #tpu.memory_space<vmem>>) semaphore(%arg12 : memref<!tpu.dma_semaphore, #tpu.memory_space<semaphore_mem>>)
    %dma_wait3A_56 = arith.constant 0 : i32
    %dma_wait3A_57 = arith.constant 0 : i32
    %dma_wait3A_58 = tpu.memref_slice %arg2[%dma_wait3A_56, %dma_wait3A_57] : memref<11392x256xf32, #tpu.memory_space<hbm>> -> memref<11392x256xf32, #tpu.memory_space<hbm>>
    tpu.wait_indirect_dma semaphore(%arg11 : memref<!tpu.dma_semaphore, #tpu.memory_space<semaphore_mem>>) src(%dma_wait3A_58 : memref<11392x256xf32, #tpu.memory_space<hbm>>) dst(%arg7 : memref<128x256xf32, #tpu.memory_space<vmem>>)
    %add3A_59 = arith.constant 4608 : i32
    %add3A_60 = arith.addi %multiple_of3A, %add3A_59 : i32
    "tpu.region"() ({
      %run_scoped3A = tpu.sem_alloc : memref<!tpu.dma_semaphore, #tpu.memory_space<semaphore_mem>>
      %dma_start3A_84 = arith.constant 0 : i32
      %dma_start3A_85 = tpu.memref_slice %arg4[%add3A_60, %dma_start3A_84] : memref<160000x256xf32, #tpu.memory_space<hbm>> -> memref<128x256xf32, #tpu.memory_space<hbm>>
      %dma_start3A_86 = arith.constant 0 : i32
      %dma_start3A_87 = tpu.memref_slice %arg4[%add3A_60, %dma_start3A_86] : memref<160000x256xf32, #tpu.memory_space<hbm>> -> memref<128x256xf32, #tpu.memory_space<hbm>>
      tpu.enqueue_dma source(%arg7 : memref<128x256xf32, #tpu.memory_space<vmem>>) target(%dma_start3A_87 : memref<128x256xf32, #tpu.memory_space<hbm>>) target_semaphore(%run_scoped3A : memref<!tpu.dma_semaphore, #tpu.memory_space<semaphore_mem>>)
      %dma_wait3A_88 = arith.constant 0 : i32
      %dma_wait3A_89 = tpu.memref_slice %arg4[%add3A_60, %dma_wait3A_88] : memref<160000x256xf32, #tpu.memory_space<hbm>> -> memref<128x256xf32, #tpu.memory_space<hbm>>
      %dma_wait3A_90 = arith.constant 0 : i32
      %dma_wait3A_91 = tpu.memref_slice %arg4[%add3A_60, %dma_wait3A_90] : memref<160000x256xf32, #tpu.memory_space<hbm>> -> memref<128x256xf32, #tpu.memory_space<hbm>>
      tpu.wait_dma2 semaphore(%run_scoped3A : memref<!tpu.dma_semaphore, #tpu.memory_space<semaphore_mem>>) src(%arg7 : memref<128x256xf32, #tpu.memory_space<vmem>>) dst(%dma_wait3A_91 : memref<128x256xf32, #tpu.memory_space<hbm>>)
      tpu.yield
    }) : () -> ()
    %add3A_61 = arith.constant 4864 : i32
    %add3A_62 = arith.addi %multiple_of3A, %add3A_61 : i32
    "tpu.region"() ({
      %run_scoped3A = tpu.sem_alloc : memref<!tpu.dma_semaphore, #tpu.memory_space<semaphore_mem>>
      %dma_start3A_84 = tpu.memref_slice %arg3[%add3A_62] : memref<160000xi32, #tpu.memory_space<hbm>> -> memref<128xi32, #tpu.memory_space<hbm>>
      %dma_start3A_85 = tpu.memref_slice %arg3[%add3A_62] : memref<160000xi32, #tpu.memory_space<hbm>> -> memref<128xi32, #tpu.memory_space<hbm>>
      tpu.enqueue_dma source(%dma_start3A_85 : memref<128xi32, #tpu.memory_space<hbm>>) target(%arg5 : memref<128xi32, #tpu.memory_space<vmem>>) target_semaphore(%run_scoped3A : memref<!tpu.dma_semaphore, #tpu.memory_space<semaphore_mem>>)
      %dma_wait3A_86 = tpu.memref_slice %arg3[%add3A_62] : memref<160000xi32, #tpu.memory_space<hbm>> -> memref<128xi32, #tpu.memory_space<hbm>>
      %dma_wait3A_87 = tpu.memref_slice %arg3[%add3A_62] : memref<160000xi32, #tpu.memory_space<hbm>> -> memref<128xi32, #tpu.memory_space<hbm>>
      tpu.wait_dma2 semaphore(%run_scoped3A : memref<!tpu.dma_semaphore, #tpu.memory_space<semaphore_mem>>) src(%dma_wait3A_87 : memref<128xi32, #tpu.memory_space<hbm>>) dst(%arg5 : memref<128xi32, #tpu.memory_space<vmem>>)
      tpu.yield
    }) : () -> ()
    %dma_start3A_63 = arith.constant 0 : i32
    %dma_start3A_64 = arith.constant 0 : i32
    %dma_start3A_65 = tpu.memref_slice %arg2[%dma_start3A_63, %dma_start3A_64] : memref<11392x256xf32, #tpu.memory_space<hbm>> -> memref<11392x256xf32, #tpu.memory_space<hbm>>
    tpu.enqueue_indirect_dma source(%dma_start3A_65 : memref<11392x256xf32, #tpu.memory_space<hbm>>) target(%arg7 : memref<128x256xf32, #tpu.memory_space<vmem>>) offsets(%arg5 : memref<128xi32, #tpu.memory_space<vmem>>) semaphore(%arg11 : memref<!tpu.dma_semaphore, #tpu.memory_space<semaphore_mem>>)
    %dma_wait3A_66 = arith.constant 0 : i32
    %dma_wait3A_67 = arith.constant 0 : i32
    %dma_wait3A_68 = tpu.memref_slice %arg2[%dma_wait3A_66, %dma_wait3A_67] : memref<11392x256xf32, #tpu.memory_space<hbm>> -> memref<11392x256xf32, #tpu.memory_space<hbm>>
    tpu.wait_indirect_dma semaphore(%arg12 : memref<!tpu.dma_semaphore, #tpu.memory_space<semaphore_mem>>) src(%dma_wait3A_68 : memref<11392x256xf32, #tpu.memory_space<hbm>>) dst(%arg8 : memref<128x256xf32, #tpu.memory_space<vmem>>)
    %add3A_69 = arith.constant 4736 : i32
    %add3A_70 = arith.addi %multiple_of3A, %add3A_69 : i32
    "tpu.region"() ({
      %run_scoped3A = tpu.sem_alloc : memref<!tpu.dma_semaphore, #tpu.memory_space<semaphore_mem>>
      %dma_start3A_84 = arith.constant 0 : i32
      %dma_start3A_85 = tpu.memref_slice %arg4[%add3A_70, %dma_start3A_84] : memref<160000x256xf32, #tpu.memory_space<hbm>> -> memref<128x256xf32, #tpu.memory_space<hbm>>
      %dma_start3A_86 = arith.constant 0 : i32
      %dma_start3A_87 = tpu.memref_slice %arg4[%add3A_70, %dma_start3A_86] : memref<160000x256xf32, #tpu.memory_space<hbm>> -> memref<128x256xf32, #tpu.memory_space<hbm>>
      tpu.enqueue_dma source(%arg8 : memref<128x256xf32, #tpu.memory_space<vmem>>) target(%dma_start3A_87 : memref<128x256xf32, #tpu.memory_space<hbm>>) target_semaphore(%run_scoped3A : memref<!tpu.dma_semaphore, #tpu.memory_space<semaphore_mem>>)
      %dma_wait3A_88 = arith.constant 0 : i32
      %dma_wait3A_89 = tpu.memref_slice %arg4[%add3A_70, %dma_wait3A_88] : memref<160000x256xf32, #tpu.memory_space<hbm>> -> memref<128x256xf32, #tpu.memory_space<hbm>>
      %dma_wait3A_90 = arith.constant 0 : i32
      %dma_wait3A_91 = tpu.memref_slice %arg4[%add3A_70, %dma_wait3A_90] : memref<160000x256xf32, #tpu.memory_space<hbm>> -> memref<128x256xf32, #tpu.memory_space<hbm>>
      tpu.wait_dma2 semaphore(%run_scoped3A : memref<!tpu.dma_semaphore, #tpu.memory_space<semaphore_mem>>) src(%arg8 : memref<128x256xf32, #tpu.memory_space<vmem>>) dst(%dma_wait3A_91 : memref<128x256xf32, #tpu.memory_space<hbm>>)
      tpu.yield
    }) : () -> ()
    %dma_wait3A_71 = arith.constant 0 : i32
    %dma_wait3A_72 = arith.constant 0 : i32
    %dma_wait3A_73 = tpu.memref_slice %arg2[%dma_wait3A_71, %dma_wait3A_72] : memref<11392x256xf32, #tpu.memory_space<hbm>> -> memref<11392x256xf32, #tpu.memory_space<hbm>>
    tpu.wait_indirect_dma semaphore(%arg11 : memref<!tpu.dma_semaphore, #tpu.memory_space<semaphore_mem>>) src(%dma_wait3A_73 : memref<11392x256xf32, #tpu.memory_space<hbm>>) dst(%arg7 : memref<128x256xf32, #tpu.memory_space<vmem>>)
    %add3A_74 = arith.constant 4864 : i32
    %add3A_75 = arith.addi %multiple_of3A, %add3A_74 : i32
    "tpu.region"() ({
      %run_scoped3A = tpu.sem_alloc : memref<!tpu.dma_semaphore, #tpu.memory_space<semaphore_mem>>
      %dma_start3A_84 = arith.constant 0 : i32
      %dma_start3A_85 = tpu.memref_slice %arg4[%add3A_75, %dma_start3A_84] : memref<160000x256xf32, #tpu.memory_space<hbm>> -> memref<128x256xf32, #tpu.memory_space<hbm>>
      %dma_start3A_86 = arith.constant 0 : i32
      %dma_start3A_87 = tpu.memref_slice %arg4[%add3A_75, %dma_start3A_86] : memref<160000x256xf32, #tpu.memory_space<hbm>> -> memref<128x256xf32, #tpu.memory_space<hbm>>
      tpu.enqueue_dma source(%arg7 : memref<128x256xf32, #tpu.memory_space<vmem>>) target(%dma_start3A_87 : memref<128x256xf32, #tpu.memory_space<hbm>>) target_semaphore(%run_scoped3A : memref<!tpu.dma_semaphore, #tpu.memory_space<semaphore_mem>>)
      %dma_wait3A_88 = arith.constant 0 : i32
      %dma_wait3A_89 = tpu.memref_slice %arg4[%add3A_75, %dma_wait3A_88] : memref<160000x256xf32, #tpu.memory_space<hbm>> -> memref<128x256xf32, #tpu.memory_space<hbm>>
      %dma_wait3A_90 = arith.constant 0 : i32
      %dma_wait3A_91 = tpu.memref_slice %arg4[%add3A_75, %dma_wait3A_90] : memref<160000x256xf32, #tpu.memory_space<hbm>> -> memref<128x256xf32, #tpu.memory_space<hbm>>
      tpu.wait_dma2 semaphore(%run_scoped3A : memref<!tpu.dma_semaphore, #tpu.memory_space<semaphore_mem>>) src(%arg7 : memref<128x256xf32, #tpu.memory_space<vmem>>) dst(%dma_wait3A_91 : memref<128x256xf32, #tpu.memory_space<hbm>>)
      tpu.yield
    }) : () -> ()
    %add3A_76 = arith.constant 4992 : i32
    %add3A_77 = arith.addi %multiple_of3A, %add3A_76 : i32
    "tpu.region"() ({
      %run_scoped3A = tpu.sem_alloc : memref<!tpu.dma_semaphore, #tpu.memory_space<semaphore_mem>>
      %dma_start3A_84 = tpu.memref_slice %arg3[%add3A_77] : memref<160000xi32, #tpu.memory_space<hbm>> -> memref<8xi32, #tpu.memory_space<hbm>>
      %dma_start3A_85 = tpu.memref_slice %arg3[%add3A_77] : memref<160000xi32, #tpu.memory_space<hbm>> -> memref<8xi32, #tpu.memory_space<hbm>>
      tpu.enqueue_dma source(%dma_start3A_85 : memref<8xi32, #tpu.memory_space<hbm>>) target(%arg9 : memref<8xi32, #tpu.memory_space<vmem>>) target_semaphore(%run_scoped3A : memref<!tpu.dma_semaphore, #tpu.memory_space<semaphore_mem>>)
      %dma_wait3A_86 = tpu.memref_slice %arg3[%add3A_77] : memref<160000xi32, #tpu.memory_space<hbm>> -> memref<8xi32, #tpu.memory_space<hbm>>
      %dma_wait3A_87 = tpu.memref_slice %arg3[%add3A_77] : memref<160000xi32, #tpu.memory_space<hbm>> -> memref<8xi32, #tpu.memory_space<hbm>>
      tpu.wait_dma2 semaphore(%run_scoped3A : memref<!tpu.dma_semaphore, #tpu.memory_space<semaphore_mem>>) src(%dma_wait3A_87 : memref<8xi32, #tpu.memory_space<hbm>>) dst(%arg9 : memref<8xi32, #tpu.memory_space<vmem>>)
      tpu.yield
    }) : () -> ()
    %dma_start3A_78 = arith.constant 0 : i32
    %dma_start3A_79 = arith.constant 0 : i32
    %dma_start3A_80 = tpu.memref_slice %arg2[%dma_start3A_78, %dma_start3A_79] : memref<11392x256xf32, #tpu.memory_space<hbm>> -> memref<11392x256xf32, #tpu.memory_space<hbm>>
    tpu.enqueue_indirect_dma source(%dma_start3A_80 : memref<11392x256xf32, #tpu.memory_space<hbm>>) target(%arg10 : memref<8x256xf32, #tpu.memory_space<vmem>>) offsets(%arg9 : memref<8xi32, #tpu.memory_space<vmem>>) semaphore(%arg13 : memref<!tpu.dma_semaphore, #tpu.memory_space<semaphore_mem>>)
    %dma_wait3A_81 = arith.constant 0 : i32
    %dma_wait3A_82 = arith.constant 0 : i32
    %dma_wait3A_83 = tpu.memref_slice %arg2[%dma_wait3A_81, %dma_wait3A_82] : memref<11392x256xf32, #tpu.memory_space<hbm>> -> memref<11392x256xf32, #tpu.memory_space<hbm>>
    tpu.wait_indirect_dma semaphore(%arg13 : memref<!tpu.dma_semaphore, #tpu.memory_space<semaphore_mem>>) src(%dma_wait3A_83 : memref<11392x256xf32, #tpu.memory_space<hbm>>) dst(%arg10 : memref<8x256xf32, #tpu.memory_space<vmem>>)
    "tpu.region"() ({
      %run_scoped3A = tpu.sem_alloc : memref<!tpu.dma_semaphore, #tpu.memory_space<semaphore_mem>>
      %dma_start3A_84 = arith.constant 0 : i32
      %dma_start3A_85 = tpu.memref_slice %arg4[%add3A_77, %dma_start3A_84] : memref<160000x256xf32, #tpu.memory_space<hbm>> -> memref<8x256xf32, #tpu.memory_space<hbm>>
      %dma_start3A_86 = arith.constant 0 : i32
      %dma_start3A_87 = tpu.memref_slice %arg4[%add3A_77, %dma_start3A_86] : memref<160000x256xf32, #tpu.memory_space<hbm>> -> memref<8x256xf32, #tpu.memory_space<hbm>>
      tpu.enqueue_dma source(%arg10 : memref<8x256xf32, #tpu.memory_space<vmem>>) target(%dma_start3A_87 : memref<8x256xf32, #tpu.memory_space<hbm>>) target_semaphore(%run_scoped3A : memref<!tpu.dma_semaphore, #tpu.memory_space<semaphore_mem>>)
      %dma_wait3A_88 = arith.constant 0 : i32
      %dma_wait3A_89 = tpu.memref_slice %arg4[%add3A_77, %dma_wait3A_88] : memref<160000x256xf32, #tpu.memory_space<hbm>> -> memref<8x256xf32, #tpu.memory_space<hbm>>
      %dma_wait3A_90 = arith.constant 0 : i32
      %dma_wait3A_91 = tpu.memref_slice %arg4[%add3A_77, %dma_wait3A_90] : memref<160000x256xf32, #tpu.memory_space<hbm>> -> memref<8x256xf32, #tpu.memory_space<hbm>>
      tpu.wait_dma2 semaphore(%run_scoped3A : memref<!tpu.dma_semaphore, #tpu.memory_space<semaphore_mem>>) src(%arg10 : memref<8x256xf32, #tpu.memory_space<vmem>>) dst(%dma_wait3A_91 : memref<8x256xf32, #tpu.memory_space<hbm>>)
      tpu.yield
    }) : () -> ()
    return
  }
}

module attributes {stable_mosaic.version = 14 : i64} {
  func.func @_seg_accum_kernel(%arg0: i32, %arg1: memref<1x1x1280xi32, #tpu.memory_space<vmem>>, %arg2: memref<1280x256xf32, #tpu.memory_space<vmem>>, %arg3: memref<256x128xbf16, #tpu.memory_space<vmem>>, %arg4: memref<128x128xbf16, #tpu.memory_space<vmem>>, %arg5: memref<16x16xbf16, #tpu.memory_space<vmem>>, %arg6: memref<11392x256xf32, #tpu.memory_space<vmem>>, %arg7: memref<11392x128xf32, #tpu.memory_space<vmem>>, %arg8: memref<1x1x1280xi32, #tpu.memory_space<vmem>>, %arg9: memref<2xi32, #tpu.memory_space<smem>>) attributes {dimension_semantics = [#tpu.dimension_semantics<arbitrary>], iteration_bounds = array<i64: 125>, scalar_prefetch = 0 : i64, scratch_operands = 1 : i64, tpu.core_type = #tpu.core_type<tc>, window_params = [{transform_indices = @transform_0, window_bounds = array<i64: 1, 1, 1280>}, {transform_indices = @transform_1, window_bounds = array<i64: 1280, 256>}, {pipeline_mode = #tpu.pipeline_mode<synchronous>, transform_indices = @transform_2, window_bounds = array<i64: 256, 128>}, {pipeline_mode = #tpu.pipeline_mode<synchronous>, transform_indices = @transform_3, window_bounds = array<i64: 128, 128>}, {pipeline_mode = #tpu.pipeline_mode<synchronous>, transform_indices = @transform_4, window_bounds = array<i64: 16, 16>}, {pipeline_mode = #tpu.pipeline_mode<synchronous>, transform_indices = @transform_5, window_bounds = array<i64: 11392, 256>}, {pipeline_mode = #tpu.pipeline_mode<synchronous>, transform_indices = @transform_6, window_bounds = array<i64: 11392, 128>}, {transform_indices = @transform_7, window_bounds = array<i64: 1, 1, 1280>}]} {
    %eq3A = arith.constant 0 : i32
    %eq3A_0 = arith.cmpi eq, %arg0, %eq3A : i32
    %convert_element_type3A = arith.extui %eq3A_0 : i1 to i32
    %cond3A = arith.constant 0 : i32
    %cond3A_1 = arith.cmpi ne, %convert_element_type3A, %cond3A : i32
    scf.if %cond3A_1 {
      %broadcast_in_dim3A_133 = arith.constant 0.000000e+00 : f32
      %broadcast_in_dim3A_134 = vector.broadcast %broadcast_in_dim3A_133 : f32 to vector<11392x256xf32>
      %swap3A_135 = arith.constant 0 : index
      %swap3A_136 = arith.constant 0 : index
      %swap3A_137 = vector.load %arg6[%swap3A_135, %swap3A_136] : memref<11392x256xf32, #tpu.memory_space<vmem>>, vector<11392x256xf32>
      tpu.vector_store %arg6[%swap3A_135, %swap3A_136], %broadcast_in_dim3A_134 {strides = array<i32>} : memref<11392x256xf32, #tpu.memory_space<vmem>>, vector<11392x256xf32>,
      %broadcast_in_dim3A_138 = arith.constant 0.000000e+00 : f32
      %broadcast_in_dim3A_139 = vector.broadcast %broadcast_in_dim3A_138 : f32 to vector<11392x128xf32>
      %swap3A_140 = arith.constant 0 : index
      %swap3A_141 = arith.constant 0 : index
      %swap3A_142 = vector.load %arg7[%swap3A_140, %swap3A_141] : memref<11392x128xf32, #tpu.memory_space<vmem>>, vector<11392x128xf32>
      tpu.vector_store %arg7[%swap3A_140, %swap3A_141], %broadcast_in_dim3A_139 {strides = array<i32>} : memref<11392x128xf32, #tpu.memory_space<vmem>>, vector<11392x128xf32>,
    } else {
    }
    %get3A = arith.constant 0 : index
    %get3A_2 = arith.constant 0 : index
    %get3A_3 = arith.constant 0 : index
    %get3A_4 = vector.load %arg1[%get3A, %get3A_2, %get3A_3] : memref<1x1x1280xi32, #tpu.memory_space<vmem>>, vector<1x1x1280xi32>
    %get3A_5 = vector.shape_cast %get3A_4 : vector<1x1x1280xi32> to vector<1x1280xi32>
    %iota3A = tpu.iota {dimensions = array<i32: 1>} : vector<1x1280xi32>
    %eq3A_6 = arith.constant 0 : i32
    %eq3A_7 = vector.broadcast %eq3A_6 : i32 to vector<1x1280xi32>
    %eq3A_8 = arith.cmpi eq, %iota3A, %eq3A_7 : vector<1x1280xi32>
    %jit3A = arith.constant 0 : i32
    %broadcast_in_dim3A = vector.broadcast %jit3A : i32 to vector<1x1280xi32>
    %select_n3A = arith.select %eq3A_8, %get3A_5, %broadcast_in_dim3A : vector<1x1280xi1>, vector<1x1280xi32>
    %reduce_sum3A = vector.shape_cast %select_n3A : vector<1x1280xi32> to vector<1x1x1280xi32>
    %reduce_sum3A_9 = arith.constant dense<0> : vector<1xi32>
    %reduce_sum3A_10 = vector.multi_reduction <add>, %reduce_sum3A, %reduce_sum3A_9 [1, 2] : vector<1x1x1280xi32> to vector<1xi32>
    %reduce_sum3A_11 = vector.shape_cast %reduce_sum3A_10 : vector<1xi32> to vector<1x1x1xi32>
    %reduce_sum3A_12 = vector.extract %reduce_sum3A_11[0, 0, 0] : i32 from vector<1x1x1xi32>
    %eq3A_13 = arith.constant 1279 : i32
    %eq3A_14 = vector.broadcast %eq3A_13 : i32 to vector<1x1280xi32>
    %eq3A_15 = arith.cmpi eq, %iota3A, %eq3A_14 : vector<1x1280xi32>
    %jit3A_16 = arith.constant 0 : i32
    %broadcast_in_dim3A_17 = vector.broadcast %jit3A_16 : i32 to vector<1x1280xi32>
    %select_n3A_18 = arith.select %eq3A_15, %get3A_5, %broadcast_in_dim3A_17 : vector<1x1280xi1>, vector<1x1280xi32>
    %reduce_sum3A_19 = vector.shape_cast %select_n3A_18 : vector<1x1280xi32> to vector<1x1x1280xi32>
    %reduce_sum3A_20 = arith.constant dense<0> : vector<1xi32>
    %reduce_sum3A_21 = vector.multi_reduction <add>, %reduce_sum3A_19, %reduce_sum3A_20 [1, 2] : vector<1x1x1280xi32> to vector<1xi32>
    %reduce_sum3A_22 = vector.shape_cast %reduce_sum3A_21 : vector<1xi32> to vector<1x1x1xi32>
    %reduce_sum3A_23 = vector.extract %reduce_sum3A_22[0, 0, 0] : i32 from vector<1x1x1xi32>
    %eq3A_24 = arith.constant 0 : i32
    %eq3A_25 = arith.cmpi eq, %arg0, %eq3A_24 : i32
    %convert_element_type3A_26 = arith.extui %eq3A_25 : i1 to i32
    %cond3A_27 = arith.constant 0 : i32
    %cond3A_28 = arith.cmpi ne, %convert_element_type3A_26, %cond3A_27 : i32
    scf.if %cond3A_28 {
      %swap3A_133 = arith.constant 0 : i32
      %swap3A_134 = arith.constant 0 : index
      %swap3A_135 = memref.load %arg9[%swap3A_134] : memref<2xi32, #tpu.memory_space<smem>>
      memref.store %swap3A_133, %arg9[%swap3A_134] : memref<2xi32, #tpu.memory_space<smem>>
      %swap3A_136 = arith.constant 1 : index
      %swap3A_137 = memref.load %arg9[%swap3A_136] : memref<2xi32, #tpu.memory_space<smem>>
      memref.store %reduce_sum3A_12, %arg9[%swap3A_136] : memref<2xi32, #tpu.memory_space<smem>>
    } else {
    }
    %get3A_29 = arith.constant 0 : index
    %get3A_30 = memref.load %arg9[%get3A_29] : memref<2xi32, #tpu.memory_space<smem>>
    %get3A_31 = arith.constant 1 : index
    %get3A_32 = memref.load %arg9[%get3A_31] : memref<2xi32, #tpu.memory_space<smem>>
    %broadcast_in_dim3A_33 = vector.broadcast %get3A_32 : i32 to vector<1x1xi32>
    %slice3A = vector.extract_strided_slice %get3A_5 {offsets = [0, 0], sizes = [1, 1279], strides = [1, 1]} : vector<1x1280xi32> to vector<1x1279xi32>
    %concatenate3A = tpu.concatenate %broadcast_in_dim3A_33, %slice3A in 1 : vector<1x1xi32>, vector<1x1279xi32> -> vector<1x1280xi32>
    %ne3A = arith.cmpi ne, %get3A_5, %concatenate3A : vector<1x1280xi32>
    %convert_element_type3A_34 = arith.extui %ne3A : vector<1x1280xi1> to vector<1x1280xi32>
    %eq3A_35 = arith.constant 0 : i32
    %eq3A_36 = vector.broadcast %eq3A_35 : i32 to vector<1x1280xi32>
    %eq3A_37 = arith.cmpi eq, %iota3A, %eq3A_36 : vector<1x1280xi32>
    %jit3A_38 = arith.constant 0 : i32
    %broadcast_in_dim3A_39 = vector.broadcast %jit3A_38 : i32 to vector<1x1280xi32>
    %select_n3A_40 = arith.select %eq3A_37, %convert_element_type3A_34, %broadcast_in_dim3A_39 : vector<1x1280xi1>, vector<1x1280xi32>
    %reduce_sum3A_41 = vector.shape_cast %select_n3A_40 : vector<1x1280xi32> to vector<1x1x1280xi32>
    %reduce_sum3A_42 = arith.constant dense<0> : vector<1xi32>
    %reduce_sum3A_43 = vector.multi_reduction <add>, %reduce_sum3A_41, %reduce_sum3A_42 [1, 2] : vector<1x1x1280xi32> to vector<1xi32>
    %reduce_sum3A_44 = vector.shape_cast %reduce_sum3A_43 : vector<1xi32> to vector<1x1x1xi32>
    %reduce_sum3A_45 = vector.extract %reduce_sum3A_44[0, 0, 0] : i32 from vector<1x1x1xi32>
    %reduce_sum3A_46 = vector.shape_cast %convert_element_type3A_34 : vector<1x1280xi32> to vector<1x1x1280xi32>
    %reduce_sum3A_47 = arith.constant dense<0> : vector<1xi32>
    %reduce_sum3A_48 = vector.multi_reduction <add>, %reduce_sum3A_46, %reduce_sum3A_47 [1, 2] : vector<1x1x1280xi32> to vector<1xi32>
    %reduce_sum3A_49 = vector.shape_cast %reduce_sum3A_48 : vector<1xi32> to vector<1x1x1xi32>
    %reduce_sum3A_50 = vector.extract %reduce_sum3A_49[0, 0, 0] : i32 from vector<1x1x1xi32>
    %convert_element_type3A_51 = arith.sitofp %convert_element_type3A_34 : vector<1x1280xi32> to vector<1x1280xbf16>
    %reshape3A = vector.shape_cast %convert_element_type3A_51 : vector<1x1280xbf16> to vector<10x128xbf16>
    %broadcast_in_dim3A_52 = arith.constant 0.000000e+00 : bf16
    %broadcast_in_dim3A_53 = vector.broadcast %broadcast_in_dim3A_52 : bf16 to vector<6x128xbf16>
    %concatenate3A_54 = tpu.concatenate %reshape3A, %broadcast_in_dim3A_53 in 0 : vector<10x128xbf16>, vector<6x128xbf16> -> vector<16x128xbf16>
    %get3A_55 = arith.constant 0 : index
    %get3A_56 = arith.constant 0 : index
    %get3A_57 = vector.load %arg4[%get3A_55, %get3A_56] : memref<128x128xbf16, #tpu.memory_space<vmem>>, vector<128x128xbf16>
    %dot_general3A = arith.constant dense<0.000000e+00> : vector<16x128xf32>
    %dot_general3A_58 = tpu.matmul %concatenate3A_54, %get3A_57, %dot_general3A {dimension_numbers = #tpu.dot_dimension_numbers<[1], [0], [0], [1], [0, 0, 1, 1], [], []>, transpose_lhs_hint = false} : vector<16x128xbf16>, vector<128x128xbf16>, vector<16x128xf32> -> vector<16x128xf32>
    %get3A_59 = arith.constant 0 : index
    %get3A_60 = arith.constant 0 : index
    %get3A_61 = vector.load %arg5[%get3A_59, %get3A_60] : memref<16x16xbf16, #tpu.memory_space<vmem>>, vector<16x16xbf16>
    %dot_general3A_62 = arith.constant dense<0.000000e+00> : vector<16x128xf32>
    %dot_general3A_63 = tpu.matmul %get3A_61, %concatenate3A_54, %dot_general3A_62 {dimension_numbers = #tpu.dot_dimension_numbers<[1], [0], [0], [1], [0, 0, 1, 1], [], []>, transpose_lhs_hint = false} : vector<16x16xbf16>, vector<16x128xbf16>, vector<16x128xf32> -> vector<16x128xf32>
    %reduce_sum3A_64 = arith.constant dense<0.000000e+00> : vector<16xf32>
    %reduce_sum3A_65 = vector.multi_reduction <add>, %dot_general3A_63, %reduce_sum3A_64 [1] : vector<16x128xf32> to vector<16xf32>
    %broadcast_in_dim3A_66 = vector.shape_cast %reduce_sum3A_65 : vector<16xf32> to vector<16x1xf32>
    %add3A = vector.broadcast %broadcast_in_dim3A_66 : vector<16x1xf32> to vector<16x128xf32>
    %add3A_67 = arith.addf %dot_general3A_58, %add3A : vector<16x128xf32>
    %slice3A_68 = vector.extract_strided_slice %add3A_67 {offsets = [0, 0], sizes = [10, 128], strides = [1, 1]} : vector<16x128xf32> to vector<10x128xf32>
    %reshape3A_69 = vector.shape_cast %slice3A_68 : vector<10x128xf32> to vector<1x1280xf32>
    %add3A_70 = arith.addi %get3A_30, %reduce_sum3A_45 : i32
    %jit3A_71 = arith.constant 8 : i32
    %div3A = arith.divsi %add3A_70, %jit3A_71 : i32
    %sign3A = arith.constant 0 : i32
    %sign3A_72 = arith.cmpi sgt, %add3A_70, %sign3A : i32
    %sign3A_73 = arith.extui %sign3A_72 : i1 to i32
    %sign3A_74 = arith.constant 0 : i32
    %sign3A_75 = arith.cmpi slt, %add3A_70, %sign3A_74 : i32
    %sign3A_76 = arith.extui %sign3A_75 : i1 to i32
    %sign3A_77 = arith.subi %sign3A_73, %sign3A_76 : i32
    %sign3A_78 = arith.constant 0 : i32
    %sign3A_79 = arith.cmpi sgt, %jit3A_71, %sign3A_78 : i32
    %sign3A_80 = arith.extui %sign3A_79 : i1 to i32
    %sign3A_81 = arith.constant 0 : i32
    %sign3A_82 = arith.cmpi slt, %jit3A_71, %sign3A_81 : i32
    %sign3A_83 = arith.extui %sign3A_82 : i1 to i32
    %sign3A_84 = arith.subi %sign3A_80, %sign3A_83 : i32
    %ne3A_85 = arith.cmpi ne, %sign3A_77, %sign3A_84 : i32
    %rem3A = arith.remsi %add3A_70, %jit3A_71 : i32
    %ne3A_86 = arith.constant 0 : i32
    %ne3A_87 = arith.cmpi ne, %rem3A, %ne3A_86 : i32
    %and3A = arith.andi %ne3A_85, %ne3A_87 : i1
    %sub3A = arith.constant 1 : i32
    %sub3A_88 = arith.subi %div3A, %sub3A : i32
    %select_n3A_89 = arith.select %and3A, %sub3A_88, %div3A : i32
    %mul3A = arith.constant 8 : i32
    %mul3A_90 = arith.muli %select_n3A_89, %mul3A : i32
    %multiple_of3A = tpu.assume_multiple %mul3A_90, 8 : i32
    %convert_element_type3A_91 = arith.fptosi %reshape3A_69 : vector<1x1280xf32> to vector<1x1280xi32>
    %sub3A_92 = arith.subi %add3A_70, %multiple_of3A : i32
    %sub3A_93 = arith.subi %sub3A_92, %reduce_sum3A_45 : i32
    %add3A_94 = vector.broadcast %sub3A_93 : i32 to vector<1x1280xi32>
    %add3A_95 = arith.addi %convert_element_type3A_91, %add3A_94 : vector<1x1280xi32>
    %sub3A_96 = arith.subi %add3A_70, %multiple_of3A : i32
    %add3A_97 = arith.addi %sub3A_96, %reduce_sum3A_50 : i32
    %add3A_98 = arith.constant 1 : i32
    %add3A_99 = arith.addi %add3A_97, %add3A_98 : i32
    %add3A_100 = arith.addi %get3A_30, %reduce_sum3A_50 : i32
    %swap3A = arith.constant 0 : index
    %swap3A_101 = memref.load %arg9[%swap3A] : memref<2xi32, #tpu.memory_space<smem>>
    memref.store %add3A_100, %arg9[%swap3A] : memref<2xi32, #tpu.memory_space<smem>>
    %swap3A_102 = arith.constant 1 : index
    %swap3A_103 = memref.load %arg9[%swap3A_102] : memref<2xi32, #tpu.memory_space<smem>>
    memref.store %reduce_sum3A_23, %arg9[%swap3A_102] : memref<2xi32, #tpu.memory_space<smem>>
    %add3A_104 = vector.broadcast %multiple_of3A : i32 to vector<1x1280xi32>
    %add3A_105 = arith.addi %add3A_95, %add3A_104 : vector<1x1280xi32>
    %swap3A_106 = arith.constant 0 : index
    %swap3A_107 = arith.constant 0 : index
    %swap3A_108 = arith.constant 0 : index
    %swap3A_109 = vector.load %arg8[%swap3A_106, %swap3A_107, %swap3A_108] : memref<1x1x1280xi32, #tpu.memory_space<vmem>>, vector<1x1x1280xi32>
    %swap3A_110 = vector.shape_cast %swap3A_109 : vector<1x1x1280xi32> to vector<1x1280xi32>
    %swap3A_111 = vector.shape_cast %add3A_105 : vector<1x1280xi32> to vector<1x1x1280xi32>
    tpu.vector_store %arg8[%swap3A_106, %swap3A_107, %swap3A_108], %swap3A_111 {strides = array<i32>} : memref<1x1x1280xi32, #tpu.memory_space<vmem>>, vector<1x1x1280xi32>,
    %get3A_112 = arith.constant 0 : index
    %get3A_113 = arith.constant 0 : index
    %get3A_114 = vector.load %arg2[%get3A_112, %get3A_113] : memref<1280x256xf32, #tpu.memory_space<vmem>>, vector<1280x256xf32>
    %convert_element_type3A_115 = arith.truncf %get3A_114 : vector<1280x256xf32> to vector<1280x256xbf16>
    %get3A_116 = arith.constant 0 : index
    %get3A_117 = arith.constant 0 : index
    %get3A_118 = vector.load %arg3[%get3A_116, %get3A_117] : memref<256x128xbf16, #tpu.memory_space<vmem>>, vector<256x128xbf16>
    %dot_general3A_119 = arith.constant dense<0.000000e+00> : vector<1280x128xf32>
    %dot_general3A_120 = tpu.matmul %convert_element_type3A_115, %get3A_118, %dot_general3A_119 {dimension_numbers = #tpu.dot_dimension_numbers<[1], [0], [0], [1], [0, 0, 1, 1], [], []>, transpose_lhs_hint = false} : vector<1280x256xbf16>, vector<256x128xbf16>, vector<1280x128xf32> -> vector<1280x128xf32>
    %exp3A = math.exp %dot_general3A_120 : vector<1280x128xf32>
    %convert_element_type3A_121 = arith.truncf %exp3A : vector<1280x128xf32> to vector<1280x128xbf16>
    %slice3A_122 = vector.extract_strided_slice %convert_element_type3A_121 {offsets = [0, 0], sizes = [1280, 1], strides = [1, 1]} : vector<1280x128xbf16> to vector<1280x1xbf16>
    %mul3A_123 = vector.broadcast %slice3A_122 : vector<1280x1xbf16> to vector<1280x256xbf16>
    %mul3A_124 = arith.mulf %convert_element_type3A_115, %mul3A_123 : vector<1280x256xbf16>
    %le3A = arith.constant 128 : i32
    %le3A_125 = arith.cmpi sle, %add3A_99, %le3A : i32
    %convert_element_type3A_126 = arith.extui %le3A_125 : i1 to i32
    %cond3A_127 = arith.constant 0 : i32
    %cond3A_128 = arith.cmpi ne, %convert_element_type3A_126, %cond3A_127 : i32
    scf.if %cond3A_128 {
      %iota3A_133 = tpu.iota {dimensions = array<i32: 0>} : vector<128x1280xi32>
      %eq3A_134 = vector.broadcast %add3A_95 : vector<1x1280xi32> to vector<128x1280xi32>
      %eq3A_135 = arith.cmpi eq, %iota3A_133, %eq3A_134 : vector<128x1280xi32>
      %convert_element_type3A_136 = arith.extui %eq3A_135 : vector<128x1280xi1> to vector<128x1280xi32>
      %convert_element_type3A_137 = arith.sitofp %convert_element_type3A_136 : vector<128x1280xi32> to vector<128x1280xf32>
      %convert_element_type3A_138 = arith.truncf %convert_element_type3A_137 : vector<128x1280xf32> to vector<128x1280xbf16>
      %get3A_139 = arith.index_cast %multiple_of3A : i32 to index
      %get3A_140 = arith.constant 0 : index
      %get3A_141 = vector.load %arg6[%get3A_139, %get3A_140] : memref<11392x256xf32, #tpu.memory_space<vmem>>, vector<128x256xf32>
      %dot_general3A_142 = arith.constant dense<0.000000e+00> : vector<128x256xf32>
      %dot_general3A_143 = tpu.matmul %convert_element_type3A_138, %mul3A_124, %dot_general3A_142 {dimension_numbers = #tpu.dot_dimension_numbers<[1], [0], [0], [1], [0, 0, 1, 1], [], []>, transpose_lhs_hint = false} : vector<128x1280xbf16>, vector<1280x256xbf16>, vector<128x256xf32> -> vector<128x256xf32>
      %add3A_144 = arith.addf %get3A_141, %dot_general3A_143 : vector<128x256xf32>
      %swap3A_145 = arith.index_cast %multiple_of3A : i32 to index
      %swap3A_146 = arith.constant 0 : index
      %swap3A_147 = vector.load %arg6[%swap3A_145, %swap3A_146] : memref<11392x256xf32, #tpu.memory_space<vmem>>, vector<128x256xf32>
      tpu.vector_store %arg6[%swap3A_145, %swap3A_146], %add3A_144 {strides = array<i32>} : memref<11392x256xf32, #tpu.memory_space<vmem>>, vector<128x256xf32>,
      %get3A_148 = arith.index_cast %multiple_of3A : i32 to index
      %get3A_149 = arith.constant 0 : index
      %get3A_150 = vector.load %arg7[%get3A_148, %get3A_149] : memref<11392x128xf32, #tpu.memory_space<vmem>>, vector<128x128xf32>
      %dot_general3A_151 = arith.constant dense<0.000000e+00> : vector<128x128xf32>
      %dot_general3A_152 = tpu.matmul %convert_element_type3A_138, %convert_element_type3A_121, %dot_general3A_151 {dimension_numbers = #tpu.dot_dimension_numbers<[1], [0], [0], [1], [0, 0, 1, 1], [], []>, transpose_lhs_hint = false} : vector<128x1280xbf16>, vector<1280x128xbf16>, vector<128x128xf32> -> vector<128x128xf32>
      %add3A_153 = arith.addf %get3A_150, %dot_general3A_152 : vector<128x128xf32>
      %swap3A_154 = arith.index_cast %multiple_of3A : i32 to index
      %swap3A_155 = arith.constant 0 : index
      %swap3A_156 = vector.load %arg7[%swap3A_154, %swap3A_155] : memref<11392x128xf32, #tpu.memory_space<vmem>>, vector<128x128xf32>
      tpu.vector_store %arg7[%swap3A_154, %swap3A_155], %add3A_153 {strides = array<i32>} : memref<11392x128xf32, #tpu.memory_space<vmem>>, vector<128x128xf32>,
    } else {
    }
    %gt3A = arith.constant 128 : i32
    %gt3A_129 = arith.cmpi sgt, %add3A_99, %gt3A : i32
    %convert_element_type3A_130 = arith.extui %gt3A_129 : i1 to i32
    %cond3A_131 = arith.constant 0 : i32
    %cond3A_132 = arith.cmpi ne, %convert_element_type3A_130, %cond3A_131 : i32
    scf.if %cond3A_132 {
      %iota3A_133 = tpu.iota {dimensions = array<i32: 0>} : vector<1288x1280xi32>
      %eq3A_134 = vector.broadcast %add3A_95 : vector<1x1280xi32> to vector<1288x1280xi32>
      %eq3A_135 = arith.cmpi eq, %iota3A_133, %eq3A_134 : vector<1288x1280xi32>
      %convert_element_type3A_136 = arith.extui %eq3A_135 : vector<1288x1280xi1> to vector<1288x1280xi32>
      %convert_element_type3A_137 = arith.sitofp %convert_element_type3A_136 : vector<1288x1280xi32> to vector<1288x1280xf32>
      %convert_element_type3A_138 = arith.truncf %convert_element_type3A_137 : vector<1288x1280xf32> to vector<1288x1280xbf16>
      %get3A_139 = arith.index_cast %multiple_of3A : i32 to index
      %get3A_140 = arith.constant 0 : index
      %get3A_141 = vector.load %arg6[%get3A_139, %get3A_140] : memref<11392x256xf32, #tpu.memory_space<vmem>>, vector<1288x256xf32>
      %dot_general3A_142 = arith.constant dense<0.000000e+00> : vector<1288x256xf32>
      %dot_general3A_143 = tpu.matmul %convert_element_type3A_138, %mul3A_124, %dot_general3A_142 {dimension_numbers = #tpu.dot_dimension_numbers<[1], [0], [0], [1], [0, 0, 1, 1], [], []>, transpose_lhs_hint = false} : vector<1288x1280xbf16>, vector<1280x256xbf16>, vector<1288x256xf32> -> vector<1288x256xf32>
      %add3A_144 = arith.addf %get3A_141, %dot_general3A_143 : vector<1288x256xf32>
      %swap3A_145 = arith.index_cast %multiple_of3A : i32 to index
      %swap3A_146 = arith.constant 0 : index
      %swap3A_147 = vector.load %arg6[%swap3A_145, %swap3A_146] : memref<11392x256xf32, #tpu.memory_space<vmem>>, vector<1288x256xf32>
      tpu.vector_store %arg6[%swap3A_145, %swap3A_146], %add3A_144 {strides = array<i32>} : memref<11392x256xf32, #tpu.memory_space<vmem>>, vector<1288x256xf32>,
      %get3A_148 = arith.index_cast %multiple_of3A : i32 to index
      %get3A_149 = arith.constant 0 : index
      %get3A_150 = vector.load %arg7[%get3A_148, %get3A_149] : memref<11392x128xf32, #tpu.memory_space<vmem>>, vector<1288x128xf32>
      %dot_general3A_151 = arith.constant dense<0.000000e+00> : vector<1288x128xf32>
      %dot_general3A_152 = tpu.matmul %convert_element_type3A_138, %convert_element_type3A_121, %dot_general3A_151 {dimension_numbers = #tpu.dot_dimension_numbers<[1], [0], [0], [1], [0, 0, 1, 1], [], []>, transpose_lhs_hint = false} : vector<1288x1280xbf16>, vector<1280x128xbf16>, vector<1288x128xf32> -> vector<1288x128xf32>
      %add3A_153 = arith.addf %get3A_150, %dot_general3A_152 : vector<1288x128xf32>
      %swap3A_154 = arith.index_cast %multiple_of3A : i32 to index
      %swap3A_155 = arith.constant 0 : index
      %swap3A_156 = vector.load %arg7[%swap3A_154, %swap3A_155] : memref<11392x128xf32, #tpu.memory_space<vmem>>, vector<1288x128xf32>
      tpu.vector_store %arg7[%swap3A_154, %swap3A_155], %add3A_153 {strides = array<i32>} : memref<11392x128xf32, #tpu.memory_space<vmem>>, vector<1288x128xf32>,
    } else {
    }
    return
  }
  func.func @transform_0(%arg0: i32) -> (i32, i32, i32) {
    %c0_i32 = arith.constant 0 : i32
    %c0_i32_0 = arith.constant 0 : i32
    %c0_i32_1 = arith.constant 0 : i32
    return %arg0, %c0_i32, %c0_i32_0 : i32, i32, i32
  }
  func.func @transform_1(%arg0: i32) -> (i32, i32) {
    %c0_i32 = arith.constant 0 : i32
    %c0_i32_0 = arith.constant 0 : i32
    return %arg0, %c0_i32 : i32, i32
  }
  func.func @transform_2(%arg0: i32) -> (i32, i32) {
    %c0_i32 = arith.constant 0 : i32
    %c0_i32_0 = arith.constant 0 : i32
    %c0_i32_1 = arith.constant 0 : i32
    return %c0_i32, %c0_i32_0 : i32, i32
  }
  func.func @transform_3(%arg0: i32) -> (i32, i32) {
    %c0_i32 = arith.constant 0 : i32
    %c0_i32_0 = arith.constant 0 : i32
    %c0_i32_1 = arith.constant 0 : i32
    return %c0_i32, %c0_i32_0 : i32, i32
  }
  func.func @transform_4(%arg0: i32) -> (i32, i32) {
    %c0_i32 = arith.constant 0 : i32
    %c0_i32_0 = arith.constant 0 : i32
    %c0_i32_1 = arith.constant 0 : i32
    return %c0_i32, %c0_i32_0 : i32, i32
  }
  func.func @transform_5(%arg0: i32) -> (i32, i32) {
    %c0_i32 = arith.constant 0 : i32
    %c0_i32_0 = arith.constant 0 : i32
    %c0_i32_1 = arith.constant 0 : i32
    return %c0_i32, %c0_i32_0 : i32, i32
  }
  func.func @transform_6(%arg0: i32) -> (i32, i32) {
    %c0_i32 = arith.constant 0 : i32
    %c0_i32_0 = arith.constant 0 : i32
    %c0_i32_1 = arith.constant 0 : i32
    return %c0_i32, %c0_i32_0 : i32, i32
  }
  func.func @transform_7(%arg0: i32) -> (i32, i32, i32) {
    %c0_i32 = arith.constant 0 : i32
    %c0_i32_0 = arith.constant 0 : i32
    %c0_i32_1 = arith.constant 0 : i32
    return %arg0, %c0_i32, %c0_i32_0 : i32, i32, i32
  }
}

module attributes {stable_mosaic.version = 14 : i64} {
  func.func @_mlp_kernel(%arg0: i32, %arg1: memref<712x256xf32, #tpu.memory_space<vmem>>, %arg2: memref<712x128xf32, #tpu.memory_space<vmem>>, %arg3: memref<256x256xf32, #tpu.memory_space<vmem>>, %arg4: memref<1x256xf32, #tpu.memory_space<vmem>>, %arg5: memref<256x256xf32, #tpu.memory_space<vmem>>, %arg6: memref<1x256xf32, #tpu.memory_space<vmem>>, %arg7: memref<712x256xf32, #tpu.memory_space<vmem>>) attributes {dimension_semantics = [#tpu.dimension_semantics<arbitrary>], iteration_bounds = array<i64: 16>, scalar_prefetch = 0 : i64, scratch_operands = 0 : i64, tpu.core_type = #tpu.core_type<tc>, window_params = [{transform_indices = @transform_0, window_bounds = array<i64: 712, 256>}, {transform_indices = @transform_1, window_bounds = array<i64: 712, 128>}, {pipeline_mode = #tpu.pipeline_mode<synchronous>, transform_indices = @transform_2, window_bounds = array<i64: 256, 256>}, {pipeline_mode = #tpu.pipeline_mode<synchronous>, transform_indices = @transform_3, window_bounds = array<i64: 1, 256>}, {pipeline_mode = #tpu.pipeline_mode<synchronous>, transform_indices = @transform_4, window_bounds = array<i64: 256, 256>}, {pipeline_mode = #tpu.pipeline_mode<synchronous>, transform_indices = @transform_5, window_bounds = array<i64: 1, 256>}, {transform_indices = @transform_6, window_bounds = array<i64: 712, 256>}]} {
    %get3A = arith.constant 0 : index
    %get3A_0 = arith.constant 0 : index
    %get3A_1 = vector.load %arg2[%get3A, %get3A_0] : memref<712x128xf32, #tpu.memory_space<vmem>>, vector<712x1xf32>
    %get3A_2 = arith.constant 0 : index
    %get3A_3 = arith.constant 0 : index
    %get3A_4 = vector.load %arg1[%get3A_2, %get3A_3] : memref<712x256xf32, #tpu.memory_space<vmem>>, vector<712x256xf32>
    %gt3A = arith.constant 0.000000e+00 : f32
    %gt3A_5 = vector.broadcast %gt3A : f32 to vector<712x1xf32>
    %gt3A_6 = arith.cmpf ogt, %get3A_1, %gt3A_5 : vector<712x1xf32>
    %jit3A = arith.constant 1.000000e+00 : f32
    %broadcast_in_dim3A = vector.broadcast %jit3A : f32 to vector<712x1xf32>
    %select_n3A = arith.select %gt3A_6, %get3A_1, %broadcast_in_dim3A : vector<712x1xi1>, vector<712x1xf32>
    %div3A = vector.broadcast %select_n3A : vector<712x1xf32> to vector<712x256xf32>
    %div3A_7 = arith.divf %get3A_4, %div3A : vector<712x256xf32>
    %get3A_8 = arith.constant 0 : index
    %get3A_9 = arith.constant 0 : index
    %get3A_10 = vector.load %arg3[%get3A_8, %get3A_9] : memref<256x256xf32, #tpu.memory_space<vmem>>, vector<256x256xf32>
    %dot_general3A = arith.constant dense<0.000000e+00> : vector<712x256xf32>
    %dot_general3A_11 = tpu.matmul %div3A_7, %get3A_10, %dot_general3A {dimension_numbers = #tpu.dot_dimension_numbers<[1], [1], [0], [0], [0, 0, 1, 0], [], []>, transpose_lhs_hint = false} : vector<712x256xf32>, vector<256x256xf32>, vector<712x256xf32> -> vector<712x256xf32>
    %get3A_12 = arith.constant 0 : index
    %get3A_13 = arith.constant 0 : index
    %get3A_14 = vector.load %arg4[%get3A_12, %get3A_13] : memref<1x256xf32, #tpu.memory_space<vmem>>, vector<1x256xf32>
    %add3A = vector.broadcast %get3A_14 : vector<1x256xf32> to vector<712x256xf32>
    %add3A_15 = arith.addf %dot_general3A_11, %add3A : vector<712x256xf32>
    %get3A_16 = arith.constant 0 : index
    %get3A_17 = arith.constant 0 : index
    %get3A_18 = vector.load %arg5[%get3A_16, %get3A_17] : memref<256x256xf32, #tpu.memory_space<vmem>>, vector<256x256xf32>
    %dot_general3A_19 = arith.constant dense<0.000000e+00> : vector<712x256xf32>
    %dot_general3A_20 = tpu.matmul %add3A_15, %get3A_18, %dot_general3A_19 {dimension_numbers = #tpu.dot_dimension_numbers<[1], [1], [0], [0], [0, 0, 1, 0], [], []>, transpose_lhs_hint = false} : vector<712x256xf32>, vector<256x256xf32>, vector<712x256xf32> -> vector<712x256xf32>
    %get3A_21 = arith.constant 0 : index
    %get3A_22 = arith.constant 0 : index
    %get3A_23 = vector.load %arg6[%get3A_21, %get3A_22] : memref<1x256xf32, #tpu.memory_space<vmem>>, vector<1x256xf32>
    %add3A_24 = vector.broadcast %get3A_23 : vector<1x256xf32> to vector<712x256xf32>
    %add3A_25 = arith.addf %dot_general3A_20, %add3A_24 : vector<712x256xf32>
    %swap3A = arith.constant 0 : index
    %swap3A_26 = arith.constant 0 : index
    %swap3A_27 = vector.load %arg7[%swap3A, %swap3A_26] : memref<712x256xf32, #tpu.memory_space<vmem>>, vector<712x256xf32>
    tpu.vector_store %arg7[%swap3A, %swap3A_26], %add3A_25 {strides = array<i32>} : memref<712x256xf32, #tpu.memory_space<vmem>>, vector<712x256xf32>,
    return
  }
  func.func @transform_0(%arg0: i32) -> (i32, i32) {
    %c0_i32 = arith.constant 0 : i32
    %c0_i32_0 = arith.constant 0 : i32
    return %arg0, %c0_i32 : i32, i32
  }
  func.func @transform_1(%arg0: i32) -> (i32, i32) {
    %c0_i32 = arith.constant 0 : i32
    %c0_i32_0 = arith.constant 0 : i32
    return %arg0, %c0_i32 : i32, i32
  }
  func.func @transform_2(%arg0: i32) -> (i32, i32) {
    %c0_i32 = arith.constant 0 : i32
    %c0_i32_0 = arith.constant 0 : i32
    %c0_i32_1 = arith.constant 0 : i32
    return %c0_i32, %c0_i32_0 : i32, i32
  }
  func.func @transform_3(%arg0: i32) -> (i32, i32) {
    %c0_i32 = arith.constant 0 : i32
    %c0_i32_0 = arith.constant 0 : i32
    %c0_i32_1 = arith.constant 0 : i32
    return %c0_i32, %c0_i32_0 : i32, i32
  }
  func.func @transform_4(%arg0: i32) -> (i32, i32) {
    %c0_i32 = arith.constant 0 : i32
    %c0_i32_0 = arith.constant 0 : i32
    %c0_i32_1 = arith.constant 0 : i32
    return %c0_i32, %c0_i32_0 : i32, i32
  }
  func.func @transform_5(%arg0: i32) -> (i32, i32) {
    %c0_i32 = arith.constant 0 : i32
    %c0_i32_0 = arith.constant 0 : i32
    %c0_i32_1 = arith.constant 0 : i32
    return %c0_i32, %c0_i32_0 : i32, i32
  }
  func.func @transform_6(%arg0: i32) -> (i32, i32) {
    %c0_i32 = arith.constant 0 : i32
    %c0_i32_0 = arith.constant 0 : i32
    return %arg0, %c0_i32 : i32, i32
  }
}

</mosaic_0001>

<sc_bundles>
// kernel: kernel.5.cloned.1.call-start
scs
__scs_entry_jumppad:
0x0: {  	(pc) =	sbr.rel $0x88, $3  }
0x1: {  	(tag) =	ssettag $0x0;
	lr =	simm.s32 $0x1  }
0x2: {  	[smem:$0x3F9A] =	sst lr;
	_ =	strace $0xD0000000  }
0x3: {  	_ = 	snop  }
0x4: {  	_ = 	snop  }
0x5: {  	_ = 	snop  }
0x6: {  	_ = 	snop  }
0x7: {  	_ = 	snop  }
__scs_overlays_trampoline_lowered:
0x8: {  	[smem:$0x3FA9] =	sst s0  }
0x9: {  	[smem:$0x3FAA] =	sst s1  }
0xa: {  	[smem:$0x3FAB] =	sst s2  }
0xb: {  	[smem:$0x3FAC] =	sst s3  }
0xc: {  	[smem:$0x3FAD] =	sst s4  }
0xd: {  	[smem:$0x3FAE] =	sst s5  }
0xe: {  	[smem:$0x3FAF] =	sst s6  }
0xf: {  	[smem:$0x3FB0] =	sst s7  }
0x10: {  	[smem:$0x3FB1] =	sst s8  }
0x11: {  	[smem:$0x3FB2] =	sst s9;
	s0 =	simm.s32 @!p0 $0x0  }
0x12: {  	s1 =	sld [smem:$0x3F98];
	s0 =	simm.s32 @p0 $0x1  }
0x13: {  	[smem:$0x3FB3] =	sst s0;
	s0 =	simm.s32 @!p1 $0x0  }
0x14: {  	s2 =	sld [smem:$0x3F97];
	s0 =	simm.s32 @p1 $0x1  }
0x15: {  	[smem:$0x3FB4] =	sst s0;
	s0 =	simm.s32 @!p2 $0x0  }
0x16: {  	s3 =	sld [smem:$0x3FDB];
	s0 =	simm.s32 @p2 $0x1  }
0x17: {  	s4 =	simm.s32 $0x1BF5;
	[smem:$0x3FB6] =	sst s0  }
0x18: {  	s0 =	sld [smem:$0x3F99];
	_ =	swait.ge [sflag:s4], $0x0  }
0x19: {  	s7 =	sld [smem:$0x3F9A]  }
0x1a: {  	s8 =	sadd.s32 $0xFFFFE003, lr  }
0x1b: {  	s9 =	sadd.s32 $0xFFFFFEF7, lr;
	s5 =	simm.s32 $0xFFFFFFFF;
	p2 =	slt.u32 s8, $0xFFFFF086  }
0x1c: {  	p1 =	slt.u32 s9, $0xF7A;
	s5 =	simm.s32 @!p2 $0x0  }
0x1d: {  	s5 =	simm.s32 @p1 $0x1;
	p0 =	seq.s32 s7, s2  }
0x1e: {  	s7 =	smul.u32 @!p0 $0xF7A, s2;
	p2 =	seq.s32 @!p0 s5, $0x0  }
0x1f: {  	s9 =	smul.u32 $0xF7A, s1;
	s8 =	simm.s32 @!p0 $0x1BF5;
	p2 =	por !p2, p0  }
0x20: {  	[sflag:s8] =	ssyncset.s32 @!p0 $0xFFFFF086;
	s6 =	sadd.s32 @!p0 s3, s7;
	s7 =	simm.s32 @!p0 $0x108  }
0x21: {  	s3 =	sadd.s32 s3, s9;
	s6 =	sadd.s32 @!p0 $0x88, s6;
	s7 =	simm.s32 @p2 $0x1082  }
0x22: {  	[simem:s7], [sflag:s8] =	dma.local @!p0 [hbm:s6], $0xF7A  }
0x23: {  	s9 =	sor.u32 $0xD0000000, s2;
	s6 =	simm.s32 $0x108;
	_ =	swait.ge @!p0 [sflag:s8], $0x0  }
0x24: {  	s3 =	sadd.s32 $0x88, s3;
	s6 =	simm.s32 @!p1 $0x1082;
	[sflag:s4] =	ssyncset.s32 $0xFFFFF086  }
0x25: {  	[simem:s6], [sflag:s4] =	dma.local [hbm:s3], $0xF7A  }
0x26: {  	[smem:$0x3F9A] =	sst s1;
	(tag) =	ssettag s2;
	_ =	strace s9  }
0x27: {  	s1 =	sld [smem:$0x3FAA]  }
0x28: {  	s2 =	sld [smem:$0x3FAB]  }
0x29: {  	s4 =	sld [smem:$0x3FAD]  }
0x2a: {  	p0 =	seq.s32 s5, $0x0;
	s5 =	sld [smem:$0x3FAE]  }
0x2b: {  	s6 =	sld [smem:$0x3FAF]  }
0x2c: {  	s7 =	sld [smem:$0x3FB0]  }
0x2d: {  	s3 =	simm.s32 $0x108;
	s8 =	sld [smem:$0x3FB1]  }
0x2e: {  	s3 =	simm.s32 @!p0 $0x1082;
	s9 =	sld [smem:$0x3FB2]  }
0x2f: {  	lr =	sadd.s32 s0, s3;
	s0 =	sld [smem:$0x3FA9]  }
0x30: {  	s3 =	sld [smem:$0x3FAC]  }
0x31: {  	[smem:$0x3FB5] =	sst s10  }
0x32: {  	s10 =	sld [smem:$0x3FB3];
	_ =	sdelay $0x3  }
0x33: {  	p0 =	seq.s32 s10, $0x1;
	s10 =	sld [smem:$0x3FB5];
	_ =	sdelay $0x3  }
0x34: {  	[smem:$0x3FB5] =	sst s10  }
0x35: {  	s10 =	sld [smem:$0x3FB4];
	_ =	sdelay $0x3  }
0x36: {  	p1 =	seq.s32 s10, $0x1;
	s10 =	sld [smem:$0x3FB5];
	_ =	sdelay $0x3  }
0x37: {  	[smem:$0x3FB5] =	sst s10  }
0x38: {  	s10 =	sld [smem:$0x3FB6]  }
0x39: {  	_ = 	snop;
	(pc) =	sbr.ind lr, $3  }
0x3a: {  	_ = 	snop  }
0x3b: {  	_ = 	snop  }
0x3c: {  	p2 =	seq.s32 s10, $0x1;
	s10 =	sld [smem:$0x3FB5]  }
0x3d: {  	_ =	shalt  }
0x3e: {  	_ =	shalt  }
0x3f: {  	_ =	shalt  }
0x40: {  	_ =	shalt  }
0x41: {  	_ =	shalt  }
0x42: {  	_ =	shalt  }
0x43: {  	_ =	shalt  }
0x44: {  	_ =	shalt  }
0x45: {  	_ =	shalt  }
0x46: {  	_ =	shalt  }
0x47: {  	_ =	shalt  }
0x48: {  	_ =	shalt  }
0x49: {  	_ =	shalt  }
0x4a: {  	_ =	shalt  }
0x4b: {  	_ =	shalt  }
0x4c: {  	_ =	shalt  }
0x4d: {  	_ =	shalt  }
0x4e: {  	_ =	shalt  }
0x4f: {  	_ =	shalt  }
0x50: {  	_ =	shalt  }
0x51: {  	_ =	shalt  }
0x52: {  	_ =	shalt  }
0x53: {  	_ =	shalt  }
0x54: {  	_ =	shalt  }
0x55: {  	_ =	shalt  }
0x56: {  	_ =	shalt  }
0x57: {  	_ =	shalt  }
0x58: {  	_ =	shalt  }
0x59: {  	_ =	shalt  }
0x5a: {  	_ =	shalt  }
0x5b: {  	_ =	shalt  }
0x5c: {  	_ =	shalt  }
0x5d: {  	_ =	shalt  }
0x5e: {  	_ =	shalt  }
0x5f: {  	_ =	shalt  }
0x60: {  	_ =	shalt  }
0x61: {  	_ =	shalt  }
0x62: {  	_ =	shalt  }
0x63: {  	_ =	shalt  }
0x64: {  	_ =	shalt  }
0x65: {  	_ =	shalt  }
0x66: {  	_ =	shalt  }
0x67: {  	_ =	shalt  }
0x68: {  	_ =	shalt  }
0x69: {  	_ =	shalt  }
0x6a: {  	_ =	shalt  }
0x6b: {  	_ =	shalt  }
0x6c: {  	_ =	shalt  }
0x6d: {  	_ =	shalt  }
0x6e: {  	_ =	shalt  }
0x6f: {  	_ =	shalt  }
0x70: {  	_ =	shalt  }
0x71: {  	_ =	shalt  }
0x72: {  	_ =	shalt  }
0x73: {  	_ =	shalt  }
0x74: {  	_ =	shalt  }
0x75: {  	_ =	shalt  }
0x76: {  	_ =	shalt  }
0x77: {  	_ =	shalt  }
0x78: {  	_ =	shalt  }
0x79: {  	_ =	shalt  }
0x7a: {  	_ =	shalt  }
0x7b: {  	_ =	shalt  }
0x7c: {  	_ =	shalt  }
0x7d: {  	_ =	shalt  }
0x7e: {  	_ =	shalt  }
0x7f: {  	_ =	shalt  }
0x80: {  	_ =	shalt  }
0x81: {  	_ =	shalt  }
0x82: {  	_ =	shalt  }
0x83: {  	_ =	shalt  }
0x84: {  	_ =	shalt  }
0x85: {  	_ =	shalt  }
0x86: {  	_ =	shalt  }
0x87: {  	_ =	shalt  }
.Lfunc_end0:
.L_simem_size_0:
called_computation_lowered:
.L_overlay_start_0:
0x88: {  	s2 =	sld [smem:$0x3FD9]  }
0x89: {  	s3 =	sld [smem:$0x3FFE];
	_ =	sdelay $0x1  }
0x8a: {  	s1 =	srdreg.scid  }
0x8b: {  	s0 =	sand.u32 $0x1, s1  }
0x8c: {  	s17 =	sshll.u32 s0, $0xA;
	s2 =	sadd.s32 s3, s2  }
0x8d: {  	s2 =	sadd.s32 s2, s17  }
0x8e: {  	[smem:$0x3FC1] =	sst s2  }
0x8f: {  	_ = 	snop  }
0x90: {  	s2 =	sld [smem:$0x3FD0];
	(tm) =	ssettm $0x1  }
0x91: {  	s18 =	sld [smem:$0x3FFB];
	_ =	sdelay $0x3  }
0x92: {  	_ =	strace s18  }
0x93: {  	s3 =	sld [smem:$0x3FFC];
	_ =	sdelay $0x3  }
0x94: {  	_ =	strace s3  }
0x95: {  	s3 =	sld [smem:$0x3FFD];
	_ =	sdelay $0x3  }
0x96: {  	_ =	strace s3  }
0x97: {  	_ =	strace $0x8FFFFFFF  }
0x98: {  	s19 =	sld [smem:$0x3FDB];
	_ =	sdelay $0x1  }
0x99: {  	s4 =	simm.s32 $_scs_section_size  }
0x9a: {  	s5 =	simm.s32 $_size__tile_overlayer_lowered;
	s6 =	simm.s32 $_tile_overlayer_lowered  }
0x9b: {  	s22 =	simm.s32 $0x1BFF;
	s21 =	sshll.u32 s6, $0x1;
	s3 =	sadd.s32 s4, s19  }
0x9c: {  	s7 =	simm.s32 $0x0;
	s20 =	sshll.u32 s5, $0x1;
	s5 =	sadd.s32 s21, s3  }
0x9d: {  	[timem:s7], [sflag:s22] =	dma.local [hbm:s5], s20  }
0x9e: {  	_ =	swait.ge [sflag:s22], s20  }
0x9f: {  	s4 =	ssub.s32 $0x0, s20;
	[sflag:s22] =	ssyncset.done $0x0  }
0xa0: {  	[sflag:s22] =	ssyncadd.s32 s4;
	_ =	sdelay $0x1  }
0xa1: {  	s23 =	simm.s32 $0x1B8B  }
0xa2: {  	_ =	swait.ge [sflag:s23], $0x1  }
0xa3: {  	[sflag:s23] =	ssyncset.done $0x0  }
0xa4: {  	s25 =	simm.s32 $0x1B8E;
	s24 =	sld [smem:$0x3FFE];
	[sflag:s23] =	ssyncadd.s32 $0xFFFFFFFF  }
0xa5: {  	s26 =	simm.s32 $execute0_lowered;
	[smem:$0x3FD2] =	sst s25  }
0xa6: {  	s5 =	sshll.u32 s26, $0x1;
	_ =	strace $0x80000046;
	[dreg:$0x1] =	wrdreg $0xFFFFFFFF  }
0xa7: {  	s28 =	simm.s32 $_size_execute0_lowered;
	s3 =	sadd.s32 s3, s5;
	[dreg:$0x0] =	wrdreg $0x0  }
0xa8: {  	s5 =	sshll.u32 s28, $0x1;
	[dreg:$0x2] =	wrdreg s3  }
0xa9: {  	[dreg:$0x3] =	wrdreg s5  }
0xaa: {  	[dreg:$0x4] =	wrdreg $0xC0  }
0xab: {  	_ =	task [dreg:s7], $0x5FFFF  }
0xac: {  	[dreg:$0x1] =	wrdreg $0xFFFFFFFF  }
0xad: {  	[dreg:$0x0] =	wrdreg $0x60  }
0xae: {  	[dreg:$0x2] =	wrdreg s24  }
0xaf: {  	[dreg:$0x3] =	wrdreg s2  }
0xb0: {  	[dreg:$0x4] =	wrdreg $0x9  }
0xb1: {  	_ =	task.clear_ibuf [dreg:s7], $0x5FFFF;
	_ =	strace $0x90000046  }
0xb2: {  	s29 =	simm.s32 $0x9;
	_ =	strace $0x80000048  }
0xb3: {  	_ =	swait.ge [sflag:s29], $0x1  }
0xb4: {  	[sflag:s29] =	ssyncadd.s32 $0xFFFFFFFF  }
0xb5: {  	_ =	strace $0x90000048  }
0xb6: {  	_ =	sfence  }
0xb7: {  	s30 =	sld [smem:$0x0];
	_ =	sdelay $0x2  }
0xb8: {  	s31 =	sshll.u32 s1, $0xD;
	s1 =	sshrl.u32 s1, $0x2  }
0xb9: {  	s3 =	sand.u32 $0x4000, s31;
	s1 =	sadd.s32 s1, s30  }
0xba: {  	s0 =	sor.u32 s3, s0;
	s1 =	sshll.u32 s1, $0x11  }
0xbb: {  	s0 =	sor.u32 s1, s0  }
0xbc: {  	s0 =	sadd.s32 $0x8F2B, s0  }
0xbd: {  	[sflag:s0] =	ssyncadd.remote.s32 $0x1  }
0xbe: {  	_ =	sfence.sel $0xFFFF  }
0xbf: {  	[dreg:$0x0] =	wrdreg $0xFFFFFFFF;
	(pc) =	sbr.abs _section_cstart, $3  }
0xc0: {  	[dreg:$0x1] =	wrdreg $0xFFFFFFFF  }
0xc1: {  	_ =	task.clear_ibuf [dreg:s7], $0x2FFFF;
	_ =	strace $0x9FFFFFFF  }
0xc2: {  	(tm) =	ssettm $0x7FFFFFFF  }
0xc3: {  	_ =	shalt  }
tec
execute0_lowered:
.L_overlay_start_1:
0x0: {  	(tag) =	ssettag $0x1  }
0x1: {  	s1 =	rddreg [dreg:$0x0]  }
0x2: {  	s2 =	srdreg.scid;
	s10 =	stileid.u32  }
0x3: {  	s0 =	rddreg [dreg:$0x1];
	s4 =	sand.u32 $0x1, s2;
	s31 =	smul.u32 $0x4E200, s10  }
0x4: {  	s3 =	sshll.u32 s10, $0x1;
	s2 =	simm.s32 $0x0;
	s12 =	smul.u32 $0x27100, s4  }
0x5: {  	s3 =	sor.u32 s4, s3;
	s6 =	ssub.s32 $0x2, s4;
	s4 =	smul.u32 $0x1388, s4  }
0x6: {  	s11 =	sadd.s32 $0xC00, s1;
	[smem:$0x7FF] =	sst s2;
	s5 =	smul.u32 $0x1388, s3  }
0x7: {  	_ =	strace $0x80000047;
	s3 =	sadd.s32 $0x5C00, s1;
	s14 =	sshrl.u32 s6, $0x1  }
0x8: {  	[dreg:$0xc] =	wrdreg s11;
	s1 =	ssub.s32 s6, s14;
	s14 =	smul.u32 $0x2710, s10  }
0x9: {  	s7 =	sadd.s32 $0x1000, s5;
	s16 =	sadd.s32 $0x1080, s5;
	s9 =	sadd.s32 $0x1100, s5  }
0xa: {  	s19 =	sadd.s32 $0x1180, s5;
	s23 =	sadd.s32 $0x1200, s5;
	s25 =	sadd.s32 $0x1280, s5  }
0xb: {  	s29 =	sadd.s32 $0x1300, s5;
	s5 =	sadd.s32 $0x1380, s5;
	s1 =	smax.u32 s1, $0x1  }
0xc: {  	s8 =	sshrl.u32 s7, $0x3;
	s17 =	sshrl.u32 s16, $0x3;
	s7 =	sshll.u32 s7, $0x5  }
0xd: {  	s18 =	sshrl.u32 s9, $0x3;
	[dreg:$0x1d] =	wrdreg s1;
	s15 =	sadd.s32 s11, s8  }
0xe: {  	s6 =	sshll.u32 s16, $0x5;
	s8 =	sadd.s32 s11, s17;
	[dreg:$0xd] =	wrdreg s15  }
0xf: {  	s20 =	sshrl.u32 s19, $0x3;
	s7 =	sadd.s32 s0, s7;
	[dreg:$0xe] =	wrdreg s8  }
0x10: {  	s21 =	sshll.u32 s9, $0x5;
	s6 =	sadd.s32 s0, s6;
	[dreg:$0xf] =	wrdreg s7  }
0x11: {  	s4 =	sadd.s32 s4, s14;
	s22 =	sadd.s32 s0, s21;
	[dreg:$0x11] =	wrdreg s6  }
0x12: {  	s24 =	sshrl.u32 s23, $0x3;
	s17 =	sshrl.u32 s4, $0x3;
	[dreg:$0x13] =	wrdreg s22  }
0x13: {  	s26 =	sshrl.u32 s25, $0x3;
	s7 =	sadd.s32 s11, s18;
	[dreg:$0x4] =	wrdreg s17  }
0x14: {  	s16 =	sshrl.u32 s5, $0x3;
	s6 =	sadd.s32 s11, s20;
	[dreg:$0x10] =	wrdreg s7  }
0x15: {  	s21 =	sadd.s32 $0x280, s4;
	s8 =	sadd.s32 s11, s24;
	[dreg:$0x12] =	wrdreg s6  }
0x16: {  	s22 =	sshrl.u32 s21, $0x3;
	s7 =	sshll.u32 s19, $0x5;
	[dreg:$0x14] =	wrdreg s8  }
0x17: {  	s6 =	sshll.u32 s23, $0x5;
	[dreg:$0x7] =	wrdreg s22;
	s7 =	sadd.s32 s0, s7  }
0x18: {  	s8 =	sadd.s32 s31, s0;
	s6 =	sadd.s32 s0, s6;
	[dreg:$0x15] =	wrdreg s7  }
0x19: {  	s15 =	sadd.s32 s12, s8;
	s8 =	sadd.s32 s11, s16;
	[dreg:$0x17] =	wrdreg s6  }
0x1a: {  	s30 =	sshrl.u32 s29, $0x3;
	s19 =	sadd.s32 $0x300, s4;
	[dreg:$0x1b] =	wrdreg s8  }
0x1b: {  	s23 =	sadd.s32 $0x200, s4;
	s20 =	sshrl.u32 s19, $0x3;
	[dreg:$0x3] =	wrdreg s15  }
0x1c: {  	s9 =	sshll.u32 s25, $0x5;
	s24 =	sshrl.u32 s23, $0x3;
	[dreg:$0x6] =	wrdreg s20  }
0x1d: {  	s13 =	sshll.u32 s29, $0x5;
	s7 =	sadd.s32 s11, s26;
	[dreg:$0x8] =	wrdreg s24  }
0x1e: {  	s25 =	sadd.s32 $0x180, s4;
	s6 =	sadd.s32 s11, s30;
	[dreg:$0x16] =	wrdreg s7  }
0x1f: {  	s29 =	sadd.s32 $0x100, s4;
	s26 =	sshrl.u32 s25, $0x3;
	[dreg:$0x18] =	wrdreg s6  }
0x20: {  	s28 =	simm.s32 $0x100;
	s30 =	sshrl.u32 s29, $0x3;
	[dreg:$0x9] =	wrdreg s26  }
0x21: {  	s5 =	sshll.u32 s5, $0x5;
	s6 =	sadd.s32 s0, s9;
	[dreg:$0xa] =	wrdreg s30  }
0x22: {  	s7 =	sadd.s32 $0x380, s4;
	[dreg:$0x19] =	wrdreg s6;
	s6 =	sadd.s32 s0, s13  }
0x23: {  	s22 =	simm.s32 $0x4;
	s18 =	sshrl.u32 s7, $0x3;
	[dreg:$0x1a] =	wrdreg s6  }
0x24: {  	v2 =	vlaneseq.u32;
	s4 =	sadd.s32 $0x80, s4;
	s0 =	sadd.s32 s0, s5;
	[dreg:$0x5] =	wrdreg s18  }
0x25: {  	vm0 =	vmmov $0xffff;
	v1 =	vshrl.u32 v2, $0x3;
	s12 =	simm.s32 $0x8100;
	s31 =	sshrl.u32 s4, $0x3;
	[dreg:$0x1c] =	wrdreg s0  }
0x26: {  	v0 =	vand.u32 $0x7, v2;
	v2 =	vor.u32 $0x8, v2;
	v1 =	vmul.u32 $0x8, v1;
	s26 =	simm.s32 $0x1;
	[dreg:$0xb] =	wrdreg s31;
	s0 =	simm.s32 $0x0  }
.LBB2_1:
0x27: {  	[dreg:$0x1e] =	wrdreg s0  }
0x28: {  	s30 =	rddreg [dreg:$0xc];
	s16 =	simm.s32 $0x0  }
.LBB2_2:
0x29: {  	s31 =	rddreg [dreg:$0x4]  }
0x2a: {  	s31 =	sadd.s32 s30, s31  }
0x2b: {  	[tilespmem:s2], [sflag:$0x4] =	stream.linear.gather [hbm4b:s31+s2], $0x80, $0x38;
	[tilespmem:$0x10980] =	vst v63  }
0x2c: {  	_ =	swait.ge [sflag:s22], $0x80  }
0x2d: {  	[sflag:s22] =	ssyncset.done $0x0  }
0x2e: {  	[sflag:s22] =	ssyncadd.s32 $0xFFFFFF80  }
0x2f: {  	v3 =	vld [tilespmem:$0x0];
	_ =	sdelay $0x4  }
0x30: {  	v4 =	vshll.u32 v3, $0x1  }
0x31: {  	v3 =	vand.u32 $0x7, v3;
	v4 =	vand.u32 $0xFFFFFFF0, v4  }
0x32: {  	v3 =	vor.u32 v3, v4  }
0x33: {  	v4 =	vperm.xlane v3, v0;
	_ =	sdelay $0x1  }
0x34: {  	v3 =	vperm.xlane v3, v2;
	v4 =	vadd.s32 v1, v4;
	_ =	sdelay $0x1  }
0x35: {  	v3 =	vadd.s32 v1, v3;
	_ =	sdelay $0x2  }
0x36: {  	[tilespmem:s28], [sflag:$0x1] =	stream.indirect_vreg.gather [hbm4b:s3+s2], $0x80, v4, vm0, $0xb8;
	[tilespmem:$0x10980] =	vst v63  }
0x37: {  	s0 =	simm.s32 $0x900  }
0x38: {  	[tilespmem:s0], [sflag:$0x1] =	stream.indirect_vreg.gather [hbm4b:s3+s2], $0x80, v3, vm0, $0xb8;
	[tilespmem:$0x10980] =	vst v63  }
0x39: {  	v3 =	vld [tilespmem:$0x10];
	_ =	sdelay $0x4  }
0x3a: {  	v57 =	vshll.u32 v3, $0x1  }
0x3b: {  	v3 =	vand.u32 $0x7, v3;
	v4 =	vand.u32 $0xFFFFFFF0, v57  }
0x3c: {  	v3 =	vor.u32 v3, v4  }
0x3d: {  	v4 =	vperm.xlane v3, v0;
	_ =	sdelay $0x1  }
0x3e: {  	v3 =	vperm.xlane v3, v2;
	v4 =	vadd.s32 v1, v4;
	_ =	sdelay $0x1  }
0x3f: {  	v3 =	vadd.s32 v1, v3;
	_ =	sdelay $0x1  }
0x40: {  	s1 =	simm.s32 $0x1100  }
0x41: {  	[tilespmem:s1], [sflag:$0x1] =	stream.indirect_vreg.gather [hbm4b:s3+s2], $0x80, v4, vm0, $0xb8;
	[tilespmem:$0x10980] =	vst v63  }
0x42: {  	s4 =	simm.s32 $0x1900  }
0x43: {  	[tilespmem:s4], [sflag:$0x1] =	stream.indirect_vreg.gather [hbm4b:s3+s2], $0x80, v3, vm0, $0xb8;
	[tilespmem:$0x10980] =	vst v63  }
0x44: {  	v3 =	vld [tilespmem:$0x20];
	_ =	sdelay $0x4  }
0x45: {  	v58 =	vshll.u32 v3, $0x1  }
0x46: {  	v3 =	vand.u32 $0x7, v3;
	v4 =	vand.u32 $0xFFFFFFF0, v58  }
0x47: {  	v3 =	vor.u32 v3, v4  }
0x48: {  	v4 =	vperm.xlane v3, v0;
	_ =	sdelay $0x1  }
0x49: {  	v3 =	vperm.xlane v3, v2;
	v4 =	vadd.s32 v1, v4;
	_ =	sdelay $0x1  }
0x4a: {  	v3 =	vadd.s32 v1, v3;
	_ =	sdelay $0x1  }
0x4b: {  	s5 =	simm.s32 $0x2100  }
0x4c: {  	[tilespmem:s5], [sflag:$0x1] =	stream.indirect_vreg.gather [hbm4b:s3+s2], $0x80, v4, vm0, $0xb8;
	[tilespmem:$0x10980] =	vst v63  }
0x4d: {  	s6 =	simm.s32 $0x2900  }
0x4e: {  	[tilespmem:s6], [sflag:$0x1] =	stream.indirect_vreg.gather [hbm4b:s3+s2], $0x80, v3, vm0, $0xb8;
	[tilespmem:$0x10980] =	vst v63  }
0x4f: {  	v3 =	vld [tilespmem:$0x30];
	_ =	sdelay $0x4  }
0x50: {  	v59 =	vshll.u32 v3, $0x1  }
0x51: {  	v3 =	vand.u32 $0x7, v3;
	v4 =	vand.u32 $0xFFFFFFF0, v59  }
0x52: {  	v3 =	vor.u32 v3, v4  }
0x53: {  	v4 =	vperm.xlane v3, v0;
	_ =	sdelay $0x1  }
0x54: {  	v3 =	vperm.xlane v3, v2;
	v4 =	vadd.s32 v1, v4;
	_ =	sdelay $0x1  }
0x55: {  	v3 =	vadd.s32 v1, v3;
	_ =	sdelay $0x1  }
0x56: {  	s8 =	simm.s32 $0x3100  }
0x57: {  	[tilespmem:s8], [sflag:$0x1] =	stream.indirect_vreg.gather [hbm4b:s3+s2], $0x80, v4, vm0, $0xb8;
	[tilespmem:$0x10980] =	vst v63  }
0x58: {  	s9 =	simm.s32 $0x3900  }
0x59: {  	[tilespmem:s9], [sflag:$0x1] =	stream.indirect_vreg.gather [hbm4b:s3+s2], $0x80, v3, vm0, $0xb8;
	[tilespmem:$0x10980] =	vst v63  }
0x5a: {  	v3 =	vld [tilespmem:$0x40];
	_ =	sdelay $0x4  }
0x5b: {  	v60 =	vshll.u32 v3, $0x1  }
0x5c: {  	v3 =	vand.u32 $0x7, v3;
	v4 =	vand.u32 $0xFFFFFFF0, v60  }
0x5d: {  	v3 =	vor.u32 v3, v4  }
0x5e: {  	v4 =	vperm.xlane v3, v0;
	_ =	sdelay $0x1  }
0x5f: {  	v3 =	vperm.xlane v3, v2;
	v4 =	vadd.s32 v1, v4;
	_ =	sdelay $0x1  }
0x60: {  	v3 =	vadd.s32 v1, v3;
	_ =	sdelay $0x1  }
0x61: {  	s10 =	simm.s32 $0x4100  }
0x62: {  	[tilespmem:s10], [sflag:$0x1] =	stream.indirect_vreg.gather [hbm4b:s3+s2], $0x80, v4, vm0, $0xb8;
	[tilespmem:$0x10980] =	vst v63  }
0x63: {  	s11 =	simm.s32 $0x4900  }
0x64: {  	[tilespmem:s11], [sflag:$0x1] =	stream.indirect_vreg.gather [hbm4b:s3+s2], $0x80, v3, vm0, $0xb8;
	[tilespmem:$0x10980] =	vst v63  }
0x65: {  	v3 =	vld [tilespmem:$0x50];
	_ =	sdelay $0x4  }
0x66: {  	v61 =	vshll.u32 v3, $0x1  }
0x67: {  	v3 =	vand.u32 $0x7, v3;
	v4 =	vand.u32 $0xFFFFFFF0, v61  }
0x68: {  	v3 =	vor.u32 v3, v4  }
0x69: {  	v4 =	vperm.xlane v3, v0;
	_ =	sdelay $0x1  }
0x6a: {  	v3 =	vperm.xlane v3, v2;
	v4 =	vadd.s32 v1, v4;
	_ =	sdelay $0x1  }
0x6b: {  	v3 =	vadd.s32 v1, v3;
	_ =	sdelay $0x1  }
0x6c: {  	s13 =	simm.s32 $0x5100  }
0x6d: {  	[tilespmem:s13], [sflag:$0x1] =	stream.indirect_vreg.gather [hbm4b:s3+s2], $0x80, v4, vm0, $0xb8;
	[tilespmem:$0x10980] =	vst v63  }
0x6e: {  	s15 =	simm.s32 $0x5900  }
0x6f: {  	[tilespmem:s15], [sflag:$0x1] =	stream.indirect_vreg.gather [hbm4b:s3+s2], $0x80, v3, vm0, $0xb8;
	[tilespmem:$0x10980] =	vst v63  }
0x70: {  	v3 =	vld [tilespmem:$0x60];
	_ =	sdelay $0x4  }
0x71: {  	v62 =	vshll.u32 v3, $0x1  }
0x72: {  	v3 =	vand.u32 $0x7, v3;
	v4 =	vand.u32 $0xFFFFFFF0, v62  }
0x73: {  	v3 =	vor.u32 v3, v4  }
0x74: {  	v4 =	vperm.xlane v3, v0;
	_ =	sdelay $0x1  }
0x75: {  	v3 =	vperm.xlane v3, v2;
	v4 =	vadd.s32 v1, v4;
	_ =	sdelay $0x1  }
0x76: {  	v3 =	vadd.s32 v1, v3;
	_ =	sdelay $0x1  }
0x77: {  	s19 =	simm.s32 $0x6100  }
0x78: {  	[tilespmem:s19], [sflag:$0x1] =	stream.indirect_vreg.gather [hbm4b:s3+s2], $0x80, v4, vm0, $0xb8;
	[tilespmem:$0x10980] =	vst v63  }
0x79: {  	s20 =	simm.s32 $0x6900  }
0x7a: {  	[tilespmem:s20], [sflag:$0x1] =	stream.indirect_vreg.gather [hbm4b:s3+s2], $0x80, v3, vm0, $0xb8;
	[tilespmem:$0x10980] =	vst v63  }
0x7b: {  	v3 =	vld [tilespmem:$0x70];
	_ =	sdelay $0x4  }
0x7c: {  	v63 =	vshll.u32 v3, $0x1  }
0x7d: {  	v3 =	vand.u32 $0x7, v3;
	v4 =	vand.u32 $0xFFFFFFF0, v63  }
0x7e: {  	v3 =	vor.u32 v3, v4  }
0x7f: {  	v4 =	vperm.xlane v3, v0;
	_ =	sdelay $0x1  }
0x80: {  	v3 =	vperm.xlane v3, v2;
	v4 =	vadd.s32 v1, v4;
	_ =	sdelay $0x1  }
0x81: {  	v3 =	vadd.s32 v1, v3;
	_ =	sdelay $0x1  }
0x82: {  	s21 =	simm.s32 $0x7100  }
0x83: {  	[tilespmem:s21], [sflag:$0x1] =	stream.indirect_vreg.gather [hbm4b:s3+s2], $0x80, v4, vm0, $0xb8;
	[tilespmem:$0x10980] =	vst v63  }
0x84: {  	s24 =	rddreg [dreg:$0xb];
	s11 =	simm.s32 $0x7900  }
0x85: {  	[tilespmem:s11], [sflag:$0x1] =	stream.indirect_vreg.gather [hbm4b:s3+s2], $0x80, v3, vm0, $0xb8;
	[tilespmem:$0x10980] =	vst v63  }
0x86: {  	s31 =	sadd.s32 s30, s24;
	s11 =	simm.s32 $0x80  }
0x87: {  	[tilespmem:s11], [sflag:$0x4] =	stream.linear.gather [hbm4b:s31+s2], $0x80, $0x38;
	[tilespmem:$0x10980] =	vst v63  }
0x88: {  	_ =	swait.ge [sflag:s22], $0x80  }
0x89: {  	[sflag:s22] =	ssyncset.done $0x0  }
0x8a: {  	[sflag:s22] =	ssyncadd.s32 $0xFFFFFF80  }
0x8b: {  	v3 =	vld [tilespmem:$0x80];
	_ =	sdelay $0x4  }
0x8c: {  	v8 =	vshll.u32 v3, $0x1  }
0x8d: {  	v3 =	vand.u32 $0x7, v3;
	v4 =	vand.u32 $0xFFFFFFF0, v8  }
0x8e: {  	v3 =	vor.u32 v3, v4  }
0x8f: {  	v4 =	vperm.xlane v3, v0;
	_ =	sdelay $0x1  }
0x90: {  	v3 =	vperm.xlane v3, v2;
	v4 =	vadd.s32 v1, v4;
	_ =	sdelay $0x1  }
0x91: {  	v3 =	vadd.s32 v1, v3;
	_ =	sdelay $0x2  }
0x92: {  	[tilespmem:s12], [sflag:$0x2] =	stream.indirect_vreg.gather [hbm4b:s3+s2], $0x80, v4, vm0, $0xb8;
	[tilespmem:$0x10980] =	vst v63  }
0x93: {  	s12 =	simm.s32 $0x8900  }
0x94: {  	[tilespmem:s12], [sflag:$0x2] =	stream.indirect_vreg.gather [hbm4b:s3+s2], $0x80, v3, vm0, $0xb8;
	[tilespmem:$0x10980] =	vst v63  }
0x95: {  	v3 =	vld [tilespmem:$0x90];
	_ =	sdelay $0x4  }
0x96: {  	v9 =	vshll.u32 v3, $0x1  }
0x97: {  	v3 =	vand.u32 $0x7, v3;
	v4 =	vand.u32 $0xFFFFFFF0, v9  }
0x98: {  	v3 =	vor.u32 v3, v4  }
0x99: {  	v4 =	vperm.xlane v3, v0;
	_ =	sdelay $0x1  }
0x9a: {  	v3 =	vperm.xlane v3, v2;
	v4 =	vadd.s32 v1, v4;
	_ =	sdelay $0x1  }
0x9b: {  	v3 =	vadd.s32 v1, v3;
	_ =	sdelay $0x1  }
0x9c: {  	s13 =	simm.s32 $0x9100  }
0x9d: {  	[tilespmem:s13], [sflag:$0x2] =	stream.indirect_vreg.gather [hbm4b:s3+s2], $0x80, v4, vm0, $0xb8;
	[tilespmem:$0x10980] =	vst v63  }
0x9e: {  	s15 =	simm.s32 $0x9900  }
0x9f: {  	[tilespmem:s15], [sflag:$0x2] =	stream.indirect_vreg.gather [hbm4b:s3+s2], $0x80, v3, vm0, $0xb8;
	[tilespmem:$0x10980] =	vst v63  }
0xa0: {  	v3 =	vld [tilespmem:$0xA0];
	_ =	sdelay $0x4  }
0xa1: {  	v10 =	vshll.u32 v3, $0x1  }
0xa2: {  	v3 =	vand.u32 $0x7, v3;
	v4 =	vand.u32 $0xFFFFFFF0, v10  }
0xa3: {  	v3 =	vor.u32 v3, v4  }
0xa4: {  	v4 =	vperm.xlane v3, v0;
	_ =	sdelay $0x1  }
0xa5: {  	v3 =	vperm.xlane v3, v2;
	v4 =	vadd.s32 v1, v4;
	_ =	sdelay $0x1  }
0xa6: {  	v3 =	vadd.s32 v1, v3;
	_ =	sdelay $0x1  }
0xa7: {  	s19 =	simm.s32 $0xA100  }
0xa8: {  	[tilespmem:s19], [sflag:$0x2] =	stream.indirect_vreg.gather [hbm4b:s3+s2], $0x80, v4, vm0, $0xb8;
	[tilespmem:$0x10980] =	vst v63  }
0xa9: {  	s21 =	simm.s32 $0xA900  }
0xaa: {  	[tilespmem:s21], [sflag:$0x2] =	stream.indirect_vreg.gather [hbm4b:s3+s2], $0x80, v3, vm0, $0xb8;
	[tilespmem:$0x10980] =	vst v63  }
0xab: {  	v3 =	vld [tilespmem:$0xB0];
	_ =	sdelay $0x4  }
0xac: {  	v11 =	vshll.u32 v3, $0x1  }
0xad: {  	v3 =	vand.u32 $0x7, v3;
	v4 =	vand.u32 $0xFFFFFFF0, v11  }
0xae: {  	v3 =	vor.u32 v3, v4  }
0xaf: {  	v4 =	vperm.xlane v3, v0;
	_ =	sdelay $0x1  }
0xb0: {  	v3 =	vperm.xlane v3, v2;
	v4 =	vadd.s32 v1, v4;
	_ =	sdelay $0x1  }
0xb1: {  	v3 =	vadd.s32 v1, v3;
	_ =	sdelay $0x1  }
0xb2: {  	s24 =	simm.s32 $0xB100  }
0xb3: {  	[tilespmem:s24], [sflag:$0x2] =	stream.indirect_vreg.gather [hbm4b:s3+s2], $0x80, v4, vm0, $0xb8;
	[tilespmem:$0x10980] =	vst v63  }
0xb4: {  	s31 =	simm.s32 $0xB900  }
0xb5: {  	[tilespmem:s31], [sflag:$0x2] =	stream.indirect_vreg.gather [hbm4b:s3+s2], $0x80, v3, vm0, $0xb8;
	[tilespmem:$0x10980] =	vst v63  }
0xb6: {  	v3 =	vld [tilespmem:$0xC0];
	_ =	sdelay $0x4  }
0xb7: {  	v12 =	vshll.u32 v3, $0x1  }
0xb8: {  	v3 =	vand.u32 $0x7, v3;
	v4 =	vand.u32 $0xFFFFFFF0, v12  }
0xb9: {  	v3 =	vor.u32 v3, v4  }
0xba: {  	v4 =	vperm.xlane v3, v0;
	_ =	sdelay $0x1  }
0xbb: {  	v3 =	vperm.xlane v3, v2;
	v4 =	vadd.s32 v1, v4;
	_ =	sdelay $0x1  }
0xbc: {  	v3 =	vadd.s32 v1, v3;
	_ =	sdelay $0x1  }
0xbd: {  	s0 =	simm.s32 $0xC100  }
0xbe: {  	[tilespmem:s0], [sflag:$0x2] =	stream.indirect_vreg.gather [hbm4b:s3+s2], $0x80, v4, vm0, $0xb8;
	[tilespmem:$0x10980] =	vst v63  }
0xbf: {  	s12 =	simm.s32 $0xC900  }
0xc0: {  	[tilespmem:s12], [sflag:$0x2] =	stream.indirect_vreg.gather [hbm4b:s3+s2], $0x80, v3, vm0, $0xb8;
	[tilespmem:$0x10980] =	vst v63  }
0xc1: {  	v3 =	vld [tilespmem:$0xD0];
	_ =	sdelay $0x4  }
0xc2: {  	v13 =	vshll.u32 v3, $0x1  }
0xc3: {  	v3 =	vand.u32 $0x7, v3;
	v4 =	vand.u32 $0xFFFFFFF0, v13  }
0xc4: {  	v3 =	vor.u32 v3, v4  }
0xc5: {  	v4 =	vperm.xlane v3, v0;
	_ =	sdelay $0x1  }
0xc6: {  	v3 =	vperm.xlane v3, v2;
	v4 =	vadd.s32 v1, v4;
	_ =	sdelay $0x1  }
0xc7: {  	v3 =	vadd.s32 v1, v3;
	_ =	sdelay $0x1  }
0xc8: {  	s13 =	simm.s32 $0xD100  }
0xc9: {  	[tilespmem:s13], [sflag:$0x2] =	stream.indirect_vreg.gather [hbm4b:s3+s2], $0x80, v4, vm0, $0xb8;
	[tilespmem:$0x10980] =	vst v63  }
0xca: {  	s15 =	simm.s32 $0xD900  }
0xcb: {  	[tilespmem:s15], [sflag:$0x2] =	stream.indirect_vreg.gather [hbm4b:s3+s2], $0x80, v3, vm0, $0xb8;
	[tilespmem:$0x10980] =	vst v63  }
0xcc: {  	v3 =	vld [tilespmem:$0xE0];
	_ =	sdelay $0x4  }
0xcd: {  	v14 =	vshll.u32 v3, $0x1  }
0xce: {  	v3 =	vand.u32 $0x7, v3;
	v4 =	vand.u32 $0xFFFFFFF0, v14  }
0xcf: {  	v3 =	vor.u32 v3, v4  }
0xd0: {  	v4 =	vperm.xlane v3, v0;
	_ =	sdelay $0x1  }
0xd1: {  	v3 =	vperm.xlane v3, v2;
	v4 =	vadd.s32 v1, v4;
	_ =	sdelay $0x1  }
0xd2: {  	v3 =	vadd.s32 v1, v3;
	_ =	sdelay $0x1  }
0xd3: {  	s19 =	simm.s32 $0xE100  }
0xd4: {  	[tilespmem:s19], [sflag:$0x2] =	stream.indirect_vreg.gather [hbm4b:s3+s2], $0x80, v4, vm0, $0xb8;
	[tilespmem:$0x10980] =	vst v63  }
0xd5: {  	s21 =	simm.s32 $0xE900  }
0xd6: {  	[tilespmem:s21], [sflag:$0x2] =	stream.indirect_vreg.gather [hbm4b:s3+s2], $0x80, v3, vm0, $0xb8;
	[tilespmem:$0x10980] =	vst v63  }
0xd7: {  	v3 =	vld [tilespmem:$0xF0];
	_ =	sdelay $0x4  }
0xd8: {  	v15 =	vshll.u32 v3, $0x1  }
0xd9: {  	v3 =	vand.u32 $0x7, v3;
	v4 =	vand.u32 $0xFFFFFFF0, v15  }
0xda: {  	v3 =	vor.u32 v3, v4  }
0xdb: {  	v4 =	vperm.xlane v3, v0;
	_ =	sdelay $0x1  }
0xdc: {  	v3 =	vperm.xlane v3, v2;
	v4 =	vadd.s32 v1, v4;
	_ =	sdelay $0x1  }
0xdd: {  	v3 =	vadd.s32 v1, v3;
	_ =	sdelay $0x1  }
0xde: {  	s24 =	simm.s32 $0xF100  }
0xdf: {  	[tilespmem:s24], [sflag:$0x2] =	stream.indirect_vreg.gather [hbm4b:s3+s2], $0x80, v4, vm0, $0xb8;
	[tilespmem:$0x10980] =	vst v63  }
0xe0: {  	s31 =	simm.s32 $0xF900  }
0xe1: {  	[tilespmem:s31], [sflag:$0x2] =	stream.indirect_vreg.gather [hbm4b:s3+s2], $0x80, v3, vm0, $0xb8;
	[tilespmem:$0x10980] =	vst v63  }
0xe2: {  	_ =	swait.ge [sflag:s26], $0x8000  }
0xe3: {  	s0 =	rddreg [dreg:$0x3];
	[sflag:s26] =	ssyncset.done $0x0  }
0xe4: {  	s12 =	simm.s32 $0x100;
	[sflag:s26] =	ssyncadd.s32 $0xFFFF8000;
	s31 =	sadd.s32 s16, s0  }
0xe5: {  	[hbm4b:s31+s2] =	stream.linear.scatter [tilespmem:s12], [sflag:$0x4], $0x8000, $0x38;
	[tilespmem:$0x10980] =	vst v63  }
0xe6: {  	_ =	swait.ge [sflag:s22], $0x8000  }
0xe7: {  	s15 =	rddreg [dreg:$0xa];
	[sflag:s22] =	ssyncset.done $0x0  }
0xe8: {  	[sflag:s22] =	ssyncadd.s32 $0xFFFF8000;
	s15 =	sadd.s32 s30, s15  }
0xe9: {  	[tilespmem:s2], [sflag:$0x4] =	stream.linear.gather [hbm4b:s15+s2], $0x80, $0x38;
	[tilespmem:$0x10980] =	vst v63  }
0xea: {  	_ =	swait.ge [sflag:s22], $0x80  }
0xeb: {  	[sflag:s22] =	ssyncset.done $0x0  }
0xec: {  	[sflag:s22] =	ssyncadd.s32 $0xFFFFFF80  }
0xed: {  	v3 =	vld [tilespmem:$0x0];
	_ =	sdelay $0x4  }
0xee: {  	v16 =	vshll.u32 v3, $0x1  }
0xef: {  	v3 =	vand.u32 $0x7, v3;
	v4 =	vand.u32 $0xFFFFFFF0, v16  }
0xf0: {  	v3 =	vor.u32 v3, v4  }
0xf1: {  	v4 =	vperm.xlane v3, v0;
	_ =	sdelay $0x1  }
0xf2: {  	v3 =	vperm.xlane v3, v2;
	v4 =	vadd.s32 v1, v4;
	_ =	sdelay $0x1  }
0xf3: {  	v3 =	vadd.s32 v1, v3;
	_ =	sdelay $0x2  }
0xf4: {  	[tilespmem:s12], [sflag:$0x1] =	stream.indirect_vreg.gather [hbm4b:s3+s2], $0x80, v4, vm0, $0xb8;
	[tilespmem:$0x10980] =	vst v63  }
0xf5: {  	s14 =	simm.s32 $0x900  }
0xf6: {  	[tilespmem:s14], [sflag:$0x1] =	stream.indirect_vreg.gather [hbm4b:s3+s2], $0x80, v3, vm0, $0xb8;
	[tilespmem:$0x10980] =	vst v63  }
0xf7: {  	v3 =	vld [tilespmem:$0x10];
	_ =	sdelay $0x4  }
0xf8: {  	v17 =	vshll.u32 v3, $0x1  }
0xf9: {  	v3 =	vand.u32 $0x7, v3;
	v4 =	vand.u32 $0xFFFFFFF0, v17  }
0xfa: {  	v3 =	vor.u32 v3, v4  }
0xfb: {  	v4 =	vperm.xlane v3, v0;
	_ =	sdelay $0x1  }
0xfc: {  	v3 =	vperm.xlane v3, v2;
	v4 =	vadd.s32 v1, v4;
	_ =	sdelay $0x1  }
0xfd: {  	v3 =	vadd.s32 v1, v3;
	_ =	sdelay $0x1  }
0xfe: {  	s17 =	simm.s32 $0x1100  }
0xff: {  	[tilespmem:s17], [sflag:$0x1] =	stream.indirect_vreg.gather [hbm4b:s3+s2], $0x80, v4, vm0, $0xb8;
	[tilespmem:$0x10980] =	vst v63  }
0x100: {  	s18 =	simm.s32 $0x1900  }
0x101: {  	[tilespmem:s18], [sflag:$0x1] =	stream.indirect_vreg.gather [hbm4b:s3+s2], $0x80, v3, vm0, $0xb8;
	[tilespmem:$0x10980] =	vst v63  }
0x102: {  	v3 =	vld [tilespmem:$0x20];
	_ =	sdelay $0x4  }
0x103: {  	v18 =	vshll.u32 v3, $0x1  }
0x104: {  	v3 =	vand.u32 $0x7, v3;
	v4 =	vand.u32 $0xFFFFFFF0, v18  }
0x105: {  	v3 =	vor.u32 v3, v4  }
0x106: {  	v4 =	vperm.xlane v3, v0;
	_ =	sdelay $0x1  }
0x107: {  	v3 =	vperm.xlane v3, v2;
	v4 =	vadd.s32 v1, v4;
	_ =	sdelay $0x1  }
0x108: {  	v3 =	vadd.s32 v1, v3;
	_ =	sdelay $0x1  }
0x109: {  	s7 =	simm.s32 $0x2100  }
0x10a: {  	[tilespmem:s7], [sflag:$0x1] =	stream.indirect_vreg.gather [hbm4b:s3+s2], $0x80, v4, vm0, $0xb8;
	[tilespmem:$0x10980] =	vst v63  }
0x10b: {  	s29 =	simm.s32 $0x2900  }
0x10c: {  	[tilespmem:s29], [sflag:$0x1] =	stream.indirect_vreg.gather [hbm4b:s3+s2], $0x80, v3, vm0, $0xb8;
	[tilespmem:$0x10980] =	vst v63  }
0x10d: {  	v3 =	vld [tilespmem:$0x30];
	_ =	sdelay $0x4  }
0x10e: {  	v19 =	vshll.u32 v3, $0x1  }
0x10f: {  	v3 =	vand.u32 $0x7, v3;
	v4 =	vand.u32 $0xFFFFFFF0, v19  }
0x110: {  	v3 =	vor.u32 v3, v4  }
0x111: {  	v4 =	vperm.xlane v3, v0;
	_ =	sdelay $0x1  }
0x112: {  	v3 =	vperm.xlane v3, v2;
	v4 =	vadd.s32 v1, v4;
	_ =	sdelay $0x1  }
0x113: {  	v3 =	vadd.s32 v1, v3;
	_ =	sdelay $0x1  }
0x114: {  	s6 =	simm.s32 $0x3100  }
0x115: {  	[tilespmem:s6], [sflag:$0x1] =	stream.indirect_vreg.gather [hbm4b:s3+s2], $0x80, v4, vm0, $0xb8;
	[tilespmem:$0x10980] =	vst v63  }
0x116: {  	s25 =	simm.s32 $0x3900  }
0x117: {  	[tilespmem:s25], [sflag:$0x1] =	stream.indirect_vreg.gather [hbm4b:s3+s2], $0x80, v3, vm0, $0xb8;
	[tilespmem:$0x10980] =	vst v63  }
0x118: {  	v3 =	vld [tilespmem:$0x40];
	_ =	sdelay $0x4  }
0x119: {  	v20 =	vshll.u32 v3, $0x1  }
0x11a: {  	v3 =	vand.u32 $0x7, v3;
	v4 =	vand.u32 $0xFFFFFFF0, v20  }
0x11b: {  	v3 =	vor.u32 v3, v4  }
0x11c: {  	v4 =	vperm.xlane v3, v0;
	_ =	sdelay $0x1  }
0x11d: {  	v3 =	vperm.xlane v3, v2;
	v4 =	vadd.s32 v1, v4;
	_ =	sdelay $0x1  }
0x11e: {  	v3 =	vadd.s32 v1, v3;
	_ =	sdelay $0x1  }
0x11f: {  	s5 =	simm.s32 $0x4100  }
0x120: {  	[tilespmem:s5], [sflag:$0x1] =	stream.indirect_vreg.gather [hbm4b:s3+s2], $0x80, v4, vm0, $0xb8;
	[tilespmem:$0x10980] =	vst v63  }
0x121: {  	s23 =	simm.s32 $0x4900  }
0x122: {  	[tilespmem:s23], [sflag:$0x1] =	stream.indirect_vreg.gather [hbm4b:s3+s2], $0x80, v3, vm0, $0xb8;
	[tilespmem:$0x10980] =	vst v63  }
0x123: {  	v3 =	vld [tilespmem:$0x50];
	_ =	sdelay $0x4  }
0x124: {  	v21 =	vshll.u32 v3, $0x1  }
0x125: {  	v3 =	vand.u32 $0x7, v3;
	v4 =	vand.u32 $0xFFFFFFF0, v21  }
0x126: {  	v3 =	vor.u32 v3, v4  }
0x127: {  	v4 =	vperm.xlane v3, v0;
	_ =	sdelay $0x1  }
0x128: {  	v3 =	vperm.xlane v3, v2;
	v4 =	vadd.s32 v1, v4;
	_ =	sdelay $0x1  }
0x129: {  	v3 =	vadd.s32 v1, v3;
	_ =	sdelay $0x1  }
0x12a: {  	s4 =	simm.s32 $0x5100  }
0x12b: {  	[tilespmem:s4], [sflag:$0x1] =	stream.indirect_vreg.gather [hbm4b:s3+s2], $0x80, v4, vm0, $0xb8;
	[tilespmem:$0x10980] =	vst v63  }
0x12c: {  	s10 =	simm.s32 $0x5900  }
0x12d: {  	[tilespmem:s10], [sflag:$0x1] =	stream.indirect_vreg.gather [hbm4b:s3+s2], $0x80, v3, vm0, $0xb8;
	[tilespmem:$0x10980] =	vst v63  }
0x12e: {  	v3 =	vld [tilespmem:$0x60];
	_ =	sdelay $0x4  }
0x12f: {  	v22 =	vshll.u32 v3, $0x1  }
0x130: {  	v3 =	vand.u32 $0x7, v3;
	v4 =	vand.u32 $0xFFFFFFF0, v22  }
0x131: {  	v3 =	vor.u32 v3, v4  }
0x132: {  	v4 =	vperm.xlane v3, v0;
	_ =	sdelay $0x1  }
0x133: {  	v3 =	vperm.xlane v3, v2;
	v4 =	vadd.s32 v1, v4;
	_ =	sdelay $0x1  }
0x134: {  	v3 =	vadd.s32 v1, v3;
	_ =	sdelay $0x1  }
0x135: {  	s1 =	simm.s32 $0x6100  }
0x136: {  	[tilespmem:s1], [sflag:$0x1] =	stream.indirect_vreg.gather [hbm4b:s3+s2], $0x80, v4, vm0, $0xb8;
	[tilespmem:$0x10980] =	vst v63  }
0x137: {  	s9 =	simm.s32 $0x6900  }
0x138: {  	[tilespmem:s9], [sflag:$0x1] =	stream.indirect_vreg.gather [hbm4b:s3+s2], $0x80, v3, vm0, $0xb8;
	[tilespmem:$0x10980] =	vst v63  }
0x139: {  	v3 =	vld [tilespmem:$0x70];
	_ =	sdelay $0x4  }
0x13a: {  	v23 =	vshll.u32 v3, $0x1  }
0x13b: {  	v3 =	vand.u32 $0x7, v3;
	v4 =	vand.u32 $0xFFFFFFF0, v23  }
0x13c: {  	v3 =	vor.u32 v3, v4  }
0x13d: {  	v4 =	vperm.xlane v3, v0;
	_ =	sdelay $0x1  }
0x13e: {  	v3 =	vperm.xlane v3, v2;
	v4 =	vadd.s32 v1, v4;
	_ =	sdelay $0x1  }
0x13f: {  	v3 =	vadd.s32 v1, v3;
	_ =	sdelay $0x1  }
0x140: {  	s8 =	simm.s32 $0x7100  }
0x141: {  	[tilespmem:s8], [sflag:$0x1] =	stream.indirect_vreg.gather [hbm4b:s3+s2], $0x80, v4, vm0, $0xb8;
	[tilespmem:$0x10980] =	vst v63  }
0x142: {  	s20 =	simm.s32 $0x7900;
	s14 =	simm.s32 $0x2  }
0x143: {  	[tilespmem:s20], [sflag:$0x1] =	stream.indirect_vreg.gather [hbm4b:s3+s2], $0x80, v3, vm0, $0xb8;
	[tilespmem:$0x10980] =	vst v63  }
0x144: {  	_ =	swait.ge [sflag:s14], $0x8000  }
0x145: {  	[sflag:s14] =	ssyncset.done $0x0  }
0x146: {  	s13 =	simm.s32 $0x8100;
	s11 =	sadd.s32 $0x1000, s31;
	[sflag:s14] =	ssyncadd.s32 $0xFFFF8000  }
0x147: {  	[hbm4b:s11+s2] =	stream.linear.scatter [tilespmem:s13], [sflag:$0x4], $0x8000, $0x38;
	[tilespmem:$0x10980] =	vst v63  }
0x148: {  	_ =	swait.ge [sflag:s22], $0x8000  }
0x149: {  	s17 =	rddreg [dreg:$0x9];
	[sflag:s22] =	ssyncset.done $0x0  }
0x14a: {  	s11 =	simm.s32 $0x80;
	[sflag:s22] =	ssyncadd.s32 $0xFFFF8000;
	s15 =	sadd.s32 s30, s17  }
0x14b: {  	[tilespmem:s11], [sflag:$0x4] =	stream.linear.gather [hbm4b:s15+s2], $0x80, $0x38;
	[tilespmem:$0x10980] =	vst v63  }
0x14c: {  	_ =	swait.ge [sflag:s22], $0x80  }
0x14d: {  	[sflag:s22] =	ssyncset.done $0x0  }
0x14e: {  	[sflag:s22] =	ssyncadd.s32 $0xFFFFFF80  }
0x14f: {  	v3 =	vld [tilespmem:$0x80];
	_ =	sdelay $0x4  }
0x150: {  	v24 =	vshll.u32 v3, $0x1  }
0x151: {  	v3 =	vand.u32 $0x7, v3;
	v4 =	vand.u32 $0xFFFFFFF0, v24  }
0x152: {  	v3 =	vor.u32 v3, v4  }
0x153: {  	v4 =	vperm.xlane v3, v0;
	_ =	sdelay $0x1  }
0x154: {  	v3 =	vperm.xlane v3, v2;
	v4 =	vadd.s32 v1, v4;
	_ =	sdelay $0x1  }
0x155: {  	v3 =	vadd.s32 v1, v3;
	_ =	sdelay $0x2  }
0x156: {  	[tilespmem:s13], [sflag:$0x2] =	stream.indirect_vreg.gather [hbm4b:s3+s2], $0x80, v4, vm0, $0xb8;
	[tilespmem:$0x10980] =	vst v63  }
0x157: {  	s10 =	simm.s32 $0x8900  }
0x158: {  	[tilespmem:s10], [sflag:$0x2] =	stream.indirect_vreg.gather [hbm4b:s3+s2], $0x80, v3, vm0, $0xb8;
	[tilespmem:$0x10980] =	vst v63  }
0x159: {  	v3 =	vld [tilespmem:$0x90];
	_ =	sdelay $0x4  }
0x15a: {  	v25 =	vshll.u32 v3, $0x1  }
0x15b: {  	v3 =	vand.u32 $0x7, v3;
	v4 =	vand.u32 $0xFFFFFFF0, v25  }
0x15c: {  	v3 =	vor.u32 v3, v4  }
0x15d: {  	v4 =	vperm.xlane v3, v0;
	_ =	sdelay $0x1  }
0x15e: {  	v3 =	vperm.xlane v3, v2;
	v4 =	vadd.s32 v1, v4;
	_ =	sdelay $0x1  }
0x15f: {  	v3 =	vadd.s32 v1, v3;
	_ =	sdelay $0x1  }
0x160: {  	s26 =	simm.s32 $0x9100  }
0x161: {  	[tilespmem:s26], [sflag:$0x2] =	stream.indirect_vreg.gather [hbm4b:s3+s2], $0x80, v4, vm0, $0xb8;
	[tilespmem:$0x10980] =	vst v63  }
0x162: {  	s9 =	simm.s32 $0x9900  }
0x163: {  	[tilespmem:s9], [sflag:$0x2] =	stream.indirect_vreg.gather [hbm4b:s3+s2], $0x80, v3, vm0, $0xb8;
	[tilespmem:$0x10980] =	vst v63  }
0x164: {  	v3 =	vld [tilespmem:$0xA0];
	_ =	sdelay $0x4  }
0x165: {  	v26 =	vshll.u32 v3, $0x1  }
0x166: {  	v3 =	vand.u32 $0x7, v3;
	v4 =	vand.u32 $0xFFFFFFF0, v26  }
0x167: {  	v3 =	vor.u32 v3, v4  }
0x168: {  	v4 =	vperm.xlane v3, v0;
	_ =	sdelay $0x1  }
0x169: {  	v3 =	vperm.xlane v3, v2;
	v4 =	vadd.s32 v1, v4;
	_ =	sdelay $0x1  }
0x16a: {  	v3 =	vadd.s32 v1, v3;
	_ =	sdelay $0x1  }
0x16b: {  	s25 =	simm.s32 $0xA100  }
0x16c: {  	[tilespmem:s25], [sflag:$0x2] =	stream.indirect_vreg.gather [hbm4b:s3+s2], $0x80, v4, vm0, $0xb8;
	[tilespmem:$0x10980] =	vst v63  }
0x16d: {  	s8 =	simm.s32 $0xA900  }
0x16e: {  	[tilespmem:s8], [sflag:$0x2] =	stream.indirect_vreg.gather [hbm4b:s3+s2], $0x80, v3, vm0, $0xb8;
	[tilespmem:$0x10980] =	vst v63  }
0x16f: {  	v3 =	vld [tilespmem:$0xB0];
	_ =	sdelay $0x4  }
0x170: {  	v27 =	vshll.u32 v3, $0x1  }
0x171: {  	v3 =	vand.u32 $0x7, v3;
	v4 =	vand.u32 $0xFFFFFFF0, v27  }
0x172: {  	v3 =	vor.u32 v3, v4  }
0x173: {  	v4 =	vperm.xlane v3, v0;
	_ =	sdelay $0x1  }
0x174: {  	v3 =	vperm.xlane v3, v2;
	v4 =	vadd.s32 v1, v4;
	_ =	sdelay $0x1  }
0x175: {  	v3 =	vadd.s32 v1, v3;
	_ =	sdelay $0x1  }
0x176: {  	s23 =	simm.s32 $0xB100  }
0x177: {  	[tilespmem:s23], [sflag:$0x2] =	stream.indirect_vreg.gather [hbm4b:s3+s2], $0x80, v4, vm0, $0xb8;
	[tilespmem:$0x10980] =	vst v63  }
0x178: {  	s7 =	simm.s32 $0xB900  }
0x179: {  	[tilespmem:s7], [sflag:$0x2] =	stream.indirect_vreg.gather [hbm4b:s3+s2], $0x80, v3, vm0, $0xb8;
	[tilespmem:$0x10980] =	vst v63  }
0x17a: {  	v3 =	vld [tilespmem:$0xC0];
	_ =	sdelay $0x4  }
0x17b: {  	v28 =	vshll.u32 v3, $0x1  }
0x17c: {  	v3 =	vand.u32 $0x7, v3;
	v4 =	vand.u32 $0xFFFFFFF0, v28  }
0x17d: {  	v3 =	vor.u32 v3, v4  }
0x17e: {  	v4 =	vperm.xlane v3, v0;
	_ =	sdelay $0x1  }
0x17f: {  	v3 =	vperm.xlane v3, v2;
	v4 =	vadd.s32 v1, v4;
	_ =	sdelay $0x1  }
0x180: {  	v3 =	vadd.s32 v1, v3;
	_ =	sdelay $0x1  }
0x181: {  	s29 =	simm.s32 $0xC100  }
0x182: {  	[tilespmem:s29], [sflag:$0x2] =	stream.indirect_vreg.gather [hbm4b:s3+s2], $0x80, v4, vm0, $0xb8;
	[tilespmem:$0x10980] =	vst v63  }
0x183: {  	s6 =	simm.s32 $0xC900  }
0x184: {  	[tilespmem:s6], [sflag:$0x2] =	stream.indirect_vreg.gather [hbm4b:s3+s2], $0x80, v3, vm0, $0xb8;
	[tilespmem:$0x10980] =	vst v63  }
0x185: {  	v3 =	vld [tilespmem:$0xD0];
	_ =	sdelay $0x4  }
0x186: {  	v29 =	vshll.u32 v3, $0x1  }
0x187: {  	v3 =	vand.u32 $0x7, v3;
	v4 =	vand.u32 $0xFFFFFFF0, v29  }
0x188: {  	v3 =	vor.u32 v3, v4  }
0x189: {  	v4 =	vperm.xlane v3, v0;
	_ =	sdelay $0x1  }
0x18a: {  	v3 =	vperm.xlane v3, v2;
	v4 =	vadd.s32 v1, v4;
	_ =	sdelay $0x1  }
0x18b: {  	v3 =	vadd.s32 v1, v3;
	_ =	sdelay $0x1  }
0x18c: {  	s1 =	simm.s32 $0xD100  }
0x18d: {  	[tilespmem:s1], [sflag:$0x2] =	stream.indirect_vreg.gather [hbm4b:s3+s2], $0x80, v4, vm0, $0xb8;
	[tilespmem:$0x10980] =	vst v63  }
0x18e: {  	s5 =	simm.s32 $0xD900  }
0x18f: {  	[tilespmem:s5], [sflag:$0x2] =	stream.indirect_vreg.gather [hbm4b:s3+s2], $0x80, v3, vm0, $0xb8;
	[tilespmem:$0x10980] =	vst v63  }
0x190: {  	v3 =	vld [tilespmem:$0xE0];
	_ =	sdelay $0x4  }
0x191: {  	v30 =	vshll.u32 v3, $0x1  }
0x192: {  	v3 =	vand.u32 $0x7, v3;
	v4 =	vand.u32 $0xFFFFFFF0, v30  }
0x193: {  	v3 =	vor.u32 v3, v4  }
0x194: {  	v4 =	vperm.xlane v3, v0;
	_ =	sdelay $0x1  }
0x195: {  	v3 =	vperm.xlane v3, v2;
	v4 =	vadd.s32 v1, v4;
	_ =	sdelay $0x1  }
0x196: {  	v3 =	vadd.s32 v1, v3;
	_ =	sdelay $0x1  }
0x197: {  	s4 =	simm.s32 $0xE100  }
0x198: {  	[tilespmem:s4], [sflag:$0x2] =	stream.indirect_vreg.gather [hbm4b:s3+s2], $0x80, v4, vm0, $0xb8;
	[tilespmem:$0x10980] =	vst v63  }
0x199: {  	s20 =	simm.s32 $0xE900  }
0x19a: {  	[tilespmem:s20], [sflag:$0x2] =	stream.indirect_vreg.gather [hbm4b:s3+s2], $0x80, v3, vm0, $0xb8;
	[tilespmem:$0x10980] =	vst v63  }
0x19b: {  	v3 =	vld [tilespmem:$0xF0];
	_ =	sdelay $0x4  }
0x19c: {  	v31 =	vshll.u32 v3, $0x1  }
0x19d: {  	v3 =	vand.u32 $0x7, v3;
	v4 =	vand.u32 $0xFFFFFFF0, v31  }
0x19e: {  	v3 =	vor.u32 v3, v4  }
0x19f: {  	v4 =	vperm.xlane v3, v0;
	_ =	sdelay $0x1  }
0x1a0: {  	v3 =	vperm.xlane v3, v2;
	v4 =	vadd.s32 v1, v4;
	_ =	sdelay $0x1  }
0x1a1: {  	v3 =	vadd.s32 v1, v3;
	_ =	sdelay $0x1  }
0x1a2: {  	s17 =	simm.s32 $0xF100  }
0x1a3: {  	[tilespmem:s17], [sflag:$0x2] =	stream.indirect_vreg.gather [hbm4b:s3+s2], $0x80, v4, vm0, $0xb8;
	[tilespmem:$0x10980] =	vst v63  }
0x1a4: {  	s0 =	simm.s32 $0x1;
	s17 =	simm.s32 $0xF900  }
0x1a5: {  	[tilespmem:s17], [sflag:$0x2] =	stream.indirect_vreg.gather [hbm4b:s3+s2], $0x80, v3, vm0, $0xb8;
	[tilespmem:$0x10980] =	vst v63  }
0x1a6: {  	_ =	swait.ge [sflag:s0], $0x8000  }
0x1a7: {  	[sflag:s0] =	ssyncset.done $0x0  }
0x1a8: {  	s15 =	sadd.s32 $0x2000, s31;
	[sflag:s0] =	ssyncadd.s32 $0xFFFF8000  }
0x1a9: {  	[hbm4b:s15+s2] =	stream.linear.scatter [tilespmem:s12], [sflag:$0x4], $0x8000, $0x38;
	[tilespmem:$0x10980] =	vst v63  }
0x1aa: {  	_ =	swait.ge [sflag:s22], $0x8000  }
0x1ab: {  	s15 =	rddreg [dreg:$0x8];
	[sflag:s22] =	ssyncset.done $0x0  }
0x1ac: {  	[sflag:s22] =	ssyncadd.s32 $0xFFFF8000;
	s15 =	sadd.s32 s30, s15  }
0x1ad: {  	[tilespmem:s2], [sflag:$0x4] =	stream.linear.gather [hbm4b:s15+s2], $0x80, $0x38;
	[tilespmem:$0x10980] =	vst v63  }
0x1ae: {  	_ =	swait.ge [sflag:s22], $0x80  }
0x1af: {  	[sflag:s22] =	ssyncset.done $0x0  }
0x1b0: {  	[sflag:s22] =	ssyncadd.s32 $0xFFFFFF80  }
0x1b1: {  	v3 =	vld [tilespmem:$0x0];
	_ =	sdelay $0x4  }
0x1b2: {  	v32 =	vshll.u32 v3, $0x1  }
0x1b3: {  	v3 =	vand.u32 $0x7, v3;
	v4 =	vand.u32 $0xFFFFFFF0, v32  }
0x1b4: {  	v3 =	vor.u32 v3, v4  }
0x1b5: {  	v4 =	vperm.xlane v3, v0;
	_ =	sdelay $0x1  }
0x1b6: {  	v3 =	vperm.xlane v3, v2;
	v4 =	vadd.s32 v1, v4;
	_ =	sdelay $0x1  }
0x1b7: {  	v3 =	vadd.s32 v1, v3;
	_ =	sdelay $0x2  }
0x1b8: {  	[tilespmem:s12], [sflag:$0x1] =	stream.indirect_vreg.gather [hbm4b:s3+s2], $0x80, v4, vm0, $0xb8;
	[tilespmem:$0x10980] =	vst v63  }
0x1b9: {  	s15 =	simm.s32 $0x900  }
0x1ba: {  	[tilespmem:s15], [sflag:$0x1] =	stream.indirect_vreg.gather [hbm4b:s3+s2], $0x80, v3, vm0, $0xb8;
	[tilespmem:$0x10980] =	vst v63  }
0x1bb: {  	v3 =	vld [tilespmem:$0x10];
	_ =	sdelay $0x4  }
0x1bc: {  	v33 =	vshll.u32 v3, $0x1  }
0x1bd: {  	v3 =	vand.u32 $0x7, v3;
	v4 =	vand.u32 $0xFFFFFFF0, v33  }
0x1be: {  	v3 =	vor.u32 v3, v4  }
0x1bf: {  	v4 =	vperm.xlane v3, v0;
	_ =	sdelay $0x1  }
0x1c0: {  	v3 =	vperm.xlane v3, v2;
	v4 =	vadd.s32 v1, v4;
	_ =	sdelay $0x1  }
0x1c1: {  	v3 =	vadd.s32 v1, v3;
	_ =	sdelay $0x1  }
0x1c2: {  	s15 =	simm.s32 $0x1100  }
0x1c3: {  	[tilespmem:s15], [sflag:$0x1] =	stream.indirect_vreg.gather [hbm4b:s3+s2], $0x80, v4, vm0, $0xb8;
	[tilespmem:$0x10980] =	vst v63  }
0x1c4: {  	s15 =	simm.s32 $0x1900  }
0x1c5: {  	[tilespmem:s15], [sflag:$0x1] =	stream.indirect_vreg.gather [hbm4b:s3+s2], $0x80, v3, vm0, $0xb8;
	[tilespmem:$0x10980] =	vst v63  }
0x1c6: {  	v3 =	vld [tilespmem:$0x20];
	_ =	sdelay $0x4  }
0x1c7: {  	v34 =	vshll.u32 v3, $0x1  }
0x1c8: {  	v3 =	vand.u32 $0x7, v3;
	v4 =	vand.u32 $0xFFFFFFF0, v34  }
0x1c9: {  	v3 =	vor.u32 v3, v4  }
0x1ca: {  	v4 =	vperm.xlane v3, v0;
	_ =	sdelay $0x1  }
0x1cb: {  	v3 =	vperm.xlane v3, v2;
	v4 =	vadd.s32 v1, v4;
	_ =	sdelay $0x1  }
0x1cc: {  	v3 =	vadd.s32 v1, v3;
	_ =	sdelay $0x1  }
0x1cd: {  	s28 =	simm.s32 $0x2100  }
0x1ce: {  	[tilespmem:s28], [sflag:$0x1] =	stream.indirect_vreg.gather [hbm4b:s3+s2], $0x80, v4, vm0, $0xb8;
	[tilespmem:$0x10980] =	vst v63  }
0x1cf: {  	s15 =	simm.s32 $0x2900  }
0x1d0: {  	[tilespmem:s15], [sflag:$0x1] =	stream.indirect_vreg.gather [hbm4b:s3+s2], $0x80, v3, vm0, $0xb8;
	[tilespmem:$0x10980] =	vst v63  }
0x1d1: {  	v3 =	vld [tilespmem:$0x30];
	_ =	sdelay $0x4  }
0x1d2: {  	v35 =	vshll.u32 v3, $0x1  }
0x1d3: {  	v3 =	vand.u32 $0x7, v3;
	v4 =	vand.u32 $0xFFFFFFF0, v35  }
0x1d4: {  	v3 =	vor.u32 v3, v4  }
0x1d5: {  	v4 =	vperm.xlane v3, v0;
	_ =	sdelay $0x1  }
0x1d6: {  	v3 =	vperm.xlane v3, v2;
	v4 =	vadd.s32 v1, v4;
	_ =	sdelay $0x1  }
0x1d7: {  	v3 =	vadd.s32 v1, v3;
	_ =	sdelay $0x1  }
0x1d8: {  	s21 =	simm.s32 $0x3100  }
0x1d9: {  	[tilespmem:s21], [sflag:$0x1] =	stream.indirect_vreg.gather [hbm4b:s3+s2], $0x80, v4, vm0, $0xb8;
	[tilespmem:$0x10980] =	vst v63  }
0x1da: {  	s21 =	simm.s32 $0x3900  }
0x1db: {  	[tilespmem:s21], [sflag:$0x1] =	stream.indirect_vreg.gather [hbm4b:s3+s2], $0x80, v3, vm0, $0xb8;
	[tilespmem:$0x10980] =	vst v63  }
0x1dc: {  	v3 =	vld [tilespmem:$0x40];
	_ =	sdelay $0x4  }
0x1dd: {  	v36 =	vshll.u32 v3, $0x1  }
0x1de: {  	v3 =	vand.u32 $0x7, v3;
	v4 =	vand.u32 $0xFFFFFFF0, v36  }
0x1df: {  	v3 =	vor.u32 v3, v4  }
0x1e0: {  	v4 =	vperm.xlane v3, v0;
	_ =	sdelay $0x1  }
0x1e1: {  	v3 =	vperm.xlane v3, v2;
	v4 =	vadd.s32 v1, v4;
	_ =	sdelay $0x1  }
0x1e2: {  	v3 =	vadd.s32 v1, v3;
	_ =	sdelay $0x1  }
0x1e3: {  	s19 =	simm.s32 $0x4100  }
0x1e4: {  	[tilespmem:s19], [sflag:$0x1] =	stream.indirect_vreg.gather [hbm4b:s3+s2], $0x80, v4, vm0, $0xb8;
	[tilespmem:$0x10980] =	vst v63  }
0x1e5: {  	s21 =	simm.s32 $0x4900  }
0x1e6: {  	[tilespmem:s21], [sflag:$0x1] =	stream.indirect_vreg.gather [hbm4b:s3+s2], $0x80, v3, vm0, $0xb8;
	[tilespmem:$0x10980] =	vst v63  }
0x1e7: {  	v3 =	vld [tilespmem:$0x50];
	_ =	sdelay $0x4  }
0x1e8: {  	v37 =	vshll.u32 v3, $0x1  }
0x1e9: {  	v3 =	vand.u32 $0x7, v3;
	v4 =	vand.u32 $0xFFFFFFF0, v37  }
0x1ea: {  	v3 =	vor.u32 v3, v4  }
0x1eb: {  	v4 =	vperm.xlane v3, v0;
	_ =	sdelay $0x1  }
0x1ec: {  	v3 =	vperm.xlane v3, v2;
	v4 =	vadd.s32 v1, v4;
	_ =	sdelay $0x1  }
0x1ed: {  	v3 =	vadd.s32 v1, v3;
	_ =	sdelay $0x1  }
0x1ee: {  	s24 =	simm.s32 $0x5100  }
0x1ef: {  	[tilespmem:s24], [sflag:$0x1] =	stream.indirect_vreg.gather [hbm4b:s3+s2], $0x80, v4, vm0, $0xb8;
	[tilespmem:$0x10980] =	vst v63  }
0x1f0: {  	s24 =	simm.s32 $0x5900  }
0x1f1: {  	[tilespmem:s24], [sflag:$0x1] =	stream.indirect_vreg.gather [hbm4b:s3+s2], $0x80, v3, vm0, $0xb8;
	[tilespmem:$0x10980] =	vst v63  }
0x1f2: {  	v3 =	vld [tilespmem:$0x60];
	_ =	sdelay $0x4  }
0x1f3: {  	v38 =	vshll.u32 v3, $0x1  }
0x1f4: {  	v3 =	vand.u32 $0x7, v3;
	v4 =	vand.u32 $0xFFFFFFF0, v38  }
0x1f5: {  	v3 =	vor.u32 v3, v4  }
0x1f6: {  	v4 =	vperm.xlane v3, v0;
	_ =	sdelay $0x1  }
0x1f7: {  	v3 =	vperm.xlane v3, v2;
	v4 =	vadd.s32 v1, v4;
	_ =	sdelay $0x1  }
0x1f8: {  	v3 =	vadd.s32 v1, v3;
	_ =	sdelay $0x1  }
0x1f9: {  	s18 =	simm.s32 $0x6100  }
0x1fa: {  	[tilespmem:s18], [sflag:$0x1] =	stream.indirect_vreg.gather [hbm4b:s3+s2], $0x80, v4, vm0, $0xb8;
	[tilespmem:$0x10980] =	vst v63  }
0x1fb: {  	s18 =	simm.s32 $0x6900  }
0x1fc: {  	[tilespmem:s18], [sflag:$0x1] =	stream.indirect_vreg.gather [hbm4b:s3+s2], $0x80, v3, vm0, $0xb8;
	[tilespmem:$0x10980] =	vst v63  }
0x1fd: {  	v3 =	vld [tilespmem:$0x70];
	_ =	sdelay $0x4  }
0x1fe: {  	v39 =	vshll.u32 v3, $0x1  }
0x1ff: {  	v3 =	vand.u32 $0x7, v3;
	v4 =	vand.u32 $0xFFFFFFF0, v39  }
0x200: {  	v3 =	vor.u32 v3, v4  }
0x201: {  	v4 =	vperm.xlane v3, v0;
	_ =	sdelay $0x1  }
0x202: {  	v3 =	vperm.xlane v3, v2;
	v4 =	vadd.s32 v1, v4;
	_ =	sdelay $0x1  }
0x203: {  	v3 =	vadd.s32 v1, v3;
	_ =	sdelay $0x1  }
0x204: {  	s21 =	simm.s32 $0x7100  }
0x205: {  	[tilespmem:s21], [sflag:$0x1] =	stream.indirect_vreg.gather [hbm4b:s3+s2], $0x80, v4, vm0, $0xb8;
	[tilespmem:$0x10980] =	vst v63  }
0x206: {  	s18 =	simm.s32 $0x7900  }
0x207: {  	[tilespmem:s18], [sflag:$0x1] =	stream.indirect_vreg.gather [hbm4b:s3+s2], $0x80, v3, vm0, $0xb8;
	[tilespmem:$0x10980] =	vst v63  }
0x208: {  	_ =	swait.ge [sflag:s14], $0x8000  }
0x209: {  	[sflag:s14] =	ssyncset.done $0x0  }
0x20a: {  	s21 =	sadd.s32 $0x3000, s31;
	[sflag:s14] =	ssyncadd.s32 $0xFFFF8000  }
0x20b: {  	[hbm4b:s21+s2] =	stream.linear.scatter [tilespmem:s13], [sflag:$0x4], $0x8000, $0x38;
	[tilespmem:$0x10980] =	vst v63  }
0x20c: {  	_ =	swait.ge [sflag:s22], $0x8000  }
0x20d: {  	s18 =	rddreg [dreg:$0x7];
	[sflag:s22] =	ssyncset.done $0x0  }
0x20e: {  	[sflag:s22] =	ssyncadd.s32 $0xFFFF8000;
	s15 =	sadd.s32 s30, s18  }
0x20f: {  	[tilespmem:s11], [sflag:$0x4] =	stream.linear.gather [hbm4b:s15+s2], $0x80, $0x38;
	[tilespmem:$0x10980] =	vst v63  }
0x210: {  	_ =	swait.ge [sflag:s22], $0x80  }
0x211: {  	[sflag:s22] =	ssyncset.done $0x0  }
0x212: {  	[sflag:s22] =	ssyncadd.s32 $0xFFFFFF80  }
0x213: {  	v3 =	vld [tilespmem:$0x80];
	_ =	sdelay $0x4  }
0x214: {  	v40 =	vshll.u32 v3, $0x1  }
0x215: {  	v3 =	vand.u32 $0x7, v3;
	v4 =	vand.u32 $0xFFFFFFF0, v40  }
0x216: {  	v3 =	vor.u32 v3, v4  }
0x217: {  	v4 =	vperm.xlane v3, v0;
	_ =	sdelay $0x1  }
0x218: {  	v3 =	vperm.xlane v3, v2;
	v4 =	vadd.s32 v1, v4;
	_ =	sdelay $0x1  }
0x219: {  	v3 =	vadd.s32 v1, v3;
	_ =	sdelay $0x2  }
0x21a: {  	[tilespmem:s13], [sflag:$0x2] =	stream.indirect_vreg.gather [hbm4b:s3+s2], $0x80, v4, vm0, $0xb8;
	[tilespmem:$0x10980] =	vst v63  }
0x21b: {  	_ = 	snop  }
0x21c: {  	[tilespmem:s10], [sflag:$0x2] =	stream.indirect_vreg.gather [hbm4b:s3+s2], $0x80, v3, vm0, $0xb8;
	[tilespmem:$0x10980] =	vst v63  }
0x21d: {  	v3 =	vld [tilespmem:$0x90];
	_ =	sdelay $0x4  }
0x21e: {  	v41 =	vshll.u32 v3, $0x1  }
0x21f: {  	v3 =	vand.u32 $0x7, v3;
	v4 =	vand.u32 $0xFFFFFFF0, v41  }
0x220: {  	v3 =	vor.u32 v3, v4  }
0x221: {  	v4 =	vperm.xlane v3, v0;
	_ =	sdelay $0x1  }
0x222: {  	v3 =	vperm.xlane v3, v2;
	v4 =	vadd.s32 v1, v4;
	_ =	sdelay $0x1  }
0x223: {  	v3 =	vadd.s32 v1, v3;
	_ =	sdelay $0x2  }
0x224: {  	[tilespmem:s26], [sflag:$0x2] =	stream.indirect_vreg.gather [hbm4b:s3+s2], $0x80, v4, vm0, $0xb8;
	[tilespmem:$0x10980] =	vst v63  }
0x225: {  	_ = 	snop  }
0x226: {  	[tilespmem:s9], [sflag:$0x2] =	stream.indirect_vreg.gather [hbm4b:s3+s2], $0x80, v3, vm0, $0xb8;
	[tilespmem:$0x10980] =	vst v63  }
0x227: {  	v3 =	vld [tilespmem:$0xA0];
	_ =	sdelay $0x4  }
0x228: {  	v42 =	vshll.u32 v3, $0x1  }
0x229: {  	v3 =	vand.u32 $0x7, v3;
	v4 =	vand.u32 $0xFFFFFFF0, v42  }
0x22a: {  	v3 =	vor.u32 v3, v4  }
0x22b: {  	v4 =	vperm.xlane v3, v0;
	_ =	sdelay $0x1  }
0x22c: {  	v3 =	vperm.xlane v3, v2;
	v4 =	vadd.s32 v1, v4;
	_ =	sdelay $0x1  }
0x22d: {  	v3 =	vadd.s32 v1, v3;
	_ =	sdelay $0x2  }
0x22e: {  	[tilespmem:s25], [sflag:$0x2] =	stream.indirect_vreg.gather [hbm4b:s3+s2], $0x80, v4, vm0, $0xb8;
	[tilespmem:$0x10980] =	vst v63  }
0x22f: {  	_ = 	snop  }
0x230: {  	[tilespmem:s8], [sflag:$0x2] =	stream.indirect_vreg.gather [hbm4b:s3+s2], $0x80, v3, vm0, $0xb8;
	[tilespmem:$0x10980] =	vst v63  }
0x231: {  	v3 =	vld [tilespmem:$0xB0];
	_ =	sdelay $0x4  }
0x232: {  	v43 =	vshll.u32 v3, $0x1  }
0x233: {  	v3 =	vand.u32 $0x7, v3;
	v4 =	vand.u32 $0xFFFFFFF0, v43  }
0x234: {  	v3 =	vor.u32 v3, v4  }
0x235: {  	v4 =	vperm.xlane v3, v0;
	_ =	sdelay $0x1  }
0x236: {  	v3 =	vperm.xlane v3, v2;
	v4 =	vadd.s32 v1, v4;
	_ =	sdelay $0x1  }
0x237: {  	v3 =	vadd.s32 v1, v3;
	_ =	sdelay $0x2  }
0x238: {  	[tilespmem:s23], [sflag:$0x2] =	stream.indirect_vreg.gather [hbm4b:s3+s2], $0x80, v4, vm0, $0xb8;
	[tilespmem:$0x10980] =	vst v63  }
0x239: {  	_ = 	snop  }
0x23a: {  	[tilespmem:s7], [sflag:$0x2] =	stream.indirect_vreg.gather [hbm4b:s3+s2], $0x80, v3, vm0, $0xb8;
	[tilespmem:$0x10980] =	vst v63  }
0x23b: {  	v3 =	vld [tilespmem:$0xC0];
	_ =	sdelay $0x4  }
0x23c: {  	v44 =	vshll.u32 v3, $0x1  }
0x23d: {  	v3 =	vand.u32 $0x7, v3;
	v4 =	vand.u32 $0xFFFFFFF0, v44  }
0x23e: {  	v3 =	vor.u32 v3, v4  }
0x23f: {  	v4 =	vperm.xlane v3, v0;
	_ =	sdelay $0x1  }
0x240: {  	v3 =	vperm.xlane v3, v2;
	v4 =	vadd.s32 v1, v4;
	_ =	sdelay $0x1  }
0x241: {  	v3 =	vadd.s32 v1, v3;
	_ =	sdelay $0x2  }
0x242: {  	[tilespmem:s29], [sflag:$0x2] =	stream.indirect_vreg.gather [hbm4b:s3+s2], $0x80, v4, vm0, $0xb8;
	[tilespmem:$0x10980] =	vst v63  }
0x243: {  	_ = 	snop  }
0x244: {  	[tilespmem:s6], [sflag:$0x2] =	stream.indirect_vreg.gather [hbm4b:s3+s2], $0x80, v3, vm0, $0xb8;
	[tilespmem:$0x10980] =	vst v63  }
0x245: {  	v3 =	vld [tilespmem:$0xD0];
	_ =	sdelay $0x4  }
0x246: {  	v45 =	vshll.u32 v3, $0x1  }
0x247: {  	v3 =	vand.u32 $0x7, v3;
	v4 =	vand.u32 $0xFFFFFFF0, v45  }
0x248: {  	v3 =	vor.u32 v3, v4  }
0x249: {  	v4 =	vperm.xlane v3, v0;
	_ =	sdelay $0x1  }
0x24a: {  	v3 =	vperm.xlane v3, v2;
	v4 =	vadd.s32 v1, v4;
	_ =	sdelay $0x1  }
0x24b: {  	v3 =	vadd.s32 v1, v3;
	_ =	sdelay $0x2  }
0x24c: {  	[tilespmem:s1], [sflag:$0x2] =	stream.indirect_vreg.gather [hbm4b:s3+s2], $0x80, v4, vm0, $0xb8;
	[tilespmem:$0x10980] =	vst v63  }
0x24d: {  	_ = 	snop  }
0x24e: {  	[tilespmem:s5], [sflag:$0x2] =	stream.indirect_vreg.gather [hbm4b:s3+s2], $0x80, v3, vm0, $0xb8;
	[tilespmem:$0x10980] =	vst v63  }
0x24f: {  	v3 =	vld [tilespmem:$0xE0];
	_ =	sdelay $0x4  }
0x250: {  	v46 =	vshll.u32 v3, $0x1  }
0x251: {  	v3 =	vand.u32 $0x7, v3;
	v4 =	vand.u32 $0xFFFFFFF0, v46  }
0x252: {  	v3 =	vor.u32 v3, v4  }
0x253: {  	v4 =	vperm.xlane v3, v0;
	_ =	sdelay $0x1  }
0x254: {  	v3 =	vperm.xlane v3, v2;
	v4 =	vadd.s32 v1, v4;
	_ =	sdelay $0x1  }
0x255: {  	v3 =	vadd.s32 v1, v3;
	_ =	sdelay $0x2  }
0x256: {  	[tilespmem:s4], [sflag:$0x2] =	stream.indirect_vreg.gather [hbm4b:s3+s2], $0x80, v4, vm0, $0xb8;
	[tilespmem:$0x10980] =	vst v63  }
0x257: {  	s20 =	simm.s32 $0xE900  }
0x258: {  	[tilespmem:s20], [sflag:$0x2] =	stream.indirect_vreg.gather [hbm4b:s3+s2], $0x80, v3, vm0, $0xb8;
	[tilespmem:$0x10980] =	vst v63  }
0x259: {  	v3 =	vld [tilespmem:$0xF0];
	_ =	sdelay $0x4  }
0x25a: {  	v47 =	vshll.u32 v3, $0x1  }
0x25b: {  	v3 =	vand.u32 $0x7, v3;
	v4 =	vand.u32 $0xFFFFFFF0, v47  }
0x25c: {  	v3 =	vor.u32 v3, v4  }
0x25d: {  	v4 =	vperm.xlane v3, v0;
	_ =	sdelay $0x1  }
0x25e: {  	v3 =	vperm.xlane v3, v2;
	v4 =	vadd.s32 v1, v4;
	_ =	sdelay $0x1  }
0x25f: {  	v3 =	vadd.s32 v1, v3;
	_ =	sdelay $0x1  }
0x260: {  	s20 =	simm.s32 $0xF100  }
0x261: {  	[tilespmem:s20], [sflag:$0x2] =	stream.indirect_vreg.gather [hbm4b:s3+s2], $0x80, v4, vm0, $0xb8;
	[tilespmem:$0x10980] =	vst v63  }
0x262: {  	s17 =	simm.s32 $0xF900  }
0x263: {  	[tilespmem:s17], [sflag:$0x2] =	stream.indirect_vreg.gather [hbm4b:s3+s2], $0x80, v3, vm0, $0xb8;
	[tilespmem:$0x10980] =	vst v63  }
0x264: {  	_ =	swait.ge [sflag:s0], $0x8000  }
0x265: {  	[sflag:s0] =	ssyncset.done $0x0  }
0x266: {  	s29 =	sadd.s32 $0x4000, s31;
	[sflag:s0] =	ssyncadd.s32 $0xFFFF8000  }
0x267: {  	[hbm4b:s29+s2] =	stream.linear.scatter [tilespmem:s12], [sflag:$0x4], $0x8000, $0x38;
	[tilespmem:$0x10980] =	vst v63  }
0x268: {  	_ =	swait.ge [sflag:s22], $0x8000  }
0x269: {  	s0 =	rddreg [dreg:$0x6];
	[sflag:s22] =	ssyncset.done $0x0  }
0x26a: {  	[sflag:s22] =	ssyncadd.s32 $0xFFFF8000;
	s15 =	sadd.s32 s30, s0  }
0x26b: {  	[tilespmem:s2], [sflag:$0x4] =	stream.linear.gather [hbm4b:s15+s2], $0x80, $0x38;
	[tilespmem:$0x10980] =	vst v63  }
0x26c: {  	_ =	swait.ge [sflag:s22], $0x80  }
0x26d: {  	[sflag:s22] =	ssyncset.done $0x0  }
0x26e: {  	[sflag:s22] =	ssyncadd.s32 $0xFFFFFF80  }
0x26f: {  	v3 =	vld [tilespmem:$0x0];
	_ =	sdelay $0x4  }
0x270: {  	v48 =	vshll.u32 v3, $0x1  }
0x271: {  	v3 =	vand.u32 $0x7, v3;
	v4 =	vand.u32 $0xFFFFFFF0, v48  }
0x272: {  	v3 =	vor.u32 v3, v4  }
0x273: {  	v4 =	vperm.xlane v3, v0;
	_ =	sdelay $0x1  }
0x274: {  	v3 =	vperm.xlane v3, v2;
	v4 =	vadd.s32 v1, v4;
	_ =	sdelay $0x1  }
0x275: {  	v3 =	vadd.s32 v1, v3;
	_ =	sdelay $0x2  }
0x276: {  	[tilespmem:s12], [sflag:$0x1] =	stream.indirect_vreg.gather [hbm4b:s3+s2], $0x80, v4, vm0, $0xb8;
	[tilespmem:$0x10980] =	vst v63  }
0x277: {  	s15 =	simm.s32 $0x900  }
0x278: {  	[tilespmem:s15], [sflag:$0x1] =	stream.indirect_vreg.gather [hbm4b:s3+s2], $0x80, v3, vm0, $0xb8;
	[tilespmem:$0x10980] =	vst v63  }
0x279: {  	v3 =	vld [tilespmem:$0x10];
	_ =	sdelay $0x4  }
0x27a: {  	v49 =	vshll.u32 v3, $0x1  }
0x27b: {  	v3 =	vand.u32 $0x7, v3;
	v4 =	vand.u32 $0xFFFFFFF0, v49  }
0x27c: {  	v3 =	vor.u32 v3, v4  }
0x27d: {  	v4 =	vperm.xlane v3, v0;
	_ =	sdelay $0x1  }
0x27e: {  	v3 =	vperm.xlane v3, v2;
	v4 =	vadd.s32 v1, v4;
	_ =	sdelay $0x1  }
0x27f: {  	v3 =	vadd.s32 v1, v3;
	_ =	sdelay $0x1  }
0x280: {  	s17 =	simm.s32 $0x1100  }
0x281: {  	[tilespmem:s17], [sflag:$0x1] =	stream.indirect_vreg.gather [hbm4b:s3+s2], $0x80, v4, vm0, $0xb8;
	[tilespmem:$0x10980] =	vst v63  }
0x282: {  	s29 =	simm.s32 $0x1900  }
0x283: {  	[tilespmem:s29], [sflag:$0x1] =	stream.indirect_vreg.gather [hbm4b:s3+s2], $0x80, v3, vm0, $0xb8;
	[tilespmem:$0x10980] =	vst v63  }
0x284: {  	v3 =	vld [tilespmem:$0x20];
	_ =	sdelay $0x4  }
0x285: {  	v50 =	vshll.u32 v3, $0x1  }
0x286: {  	v3 =	vand.u32 $0x7, v3;
	v4 =	vand.u32 $0xFFFFFFF0, v50  }
0x287: {  	v3 =	vor.u32 v3, v4  }
0x288: {  	v4 =	vperm.xlane v3, v0;
	_ =	sdelay $0x1  }
0x289: {  	v3 =	vperm.xlane v3, v2;
	v4 =	vadd.s32 v1, v4;
	_ =	sdelay $0x1  }
0x28a: {  	v3 =	vadd.s32 v1, v3;
	_ =	sdelay $0x1  }
0x28b: {  	s15 =	simm.s32 $0x2100  }
0x28c: {  	[tilespmem:s15], [sflag:$0x1] =	stream.indirect_vreg.gather [hbm4b:s3+s2], $0x80, v4, vm0, $0xb8;
	[tilespmem:$0x10980] =	vst v63  }
0x28d: {  	s17 =	simm.s32 $0x2900  }
0x28e: {  	[tilespmem:s17], [sflag:$0x1] =	stream.indirect_vreg.gather [hbm4b:s3+s2], $0x80, v3, vm0, $0xb8;
	[tilespmem:$0x10980] =	vst v63  }
0x28f: {  	v3 =	vld [tilespmem:$0x30];
	_ =	sdelay $0x4  }
0x290: {  	v51 =	vshll.u32 v3, $0x1  }
0x291: {  	v3 =	vand.u32 $0x7, v3;
	v4 =	vand.u32 $0xFFFFFFF0, v51  }
0x292: {  	v3 =	vor.u32 v3, v4  }
0x293: {  	v4 =	vperm.xlane v3, v0;
	_ =	sdelay $0x1  }
0x294: {  	v3 =	vperm.xlane v3, v2;
	v4 =	vadd.s32 v1, v4;
	_ =	sdelay $0x1  }
0x295: {  	v3 =	vadd.s32 v1, v3;
	_ =	sdelay $0x1  }
0x296: {  	s29 =	simm.s32 $0x3100  }
0x297: {  	[tilespmem:s29], [sflag:$0x1] =	stream.indirect_vreg.gather [hbm4b:s3+s2], $0x80, v4, vm0, $0xb8;
	[tilespmem:$0x10980] =	vst v63  }
0x298: {  	s15 =	simm.s32 $0x3900  }
0x299: {  	[tilespmem:s15], [sflag:$0x1] =	stream.indirect_vreg.gather [hbm4b:s3+s2], $0x80, v3, vm0, $0xb8;
	[tilespmem:$0x10980] =	vst v63  }
0x29a: {  	v3 =	vld [tilespmem:$0x40];
	_ =	sdelay $0x4  }
0x29b: {  	v52 =	vshll.u32 v3, $0x1  }
0x29c: {  	v3 =	vand.u32 $0x7, v3;
	v4 =	vand.u32 $0xFFFFFFF0, v52  }
0x29d: {  	v3 =	vor.u32 v3, v4  }
0x29e: {  	v4 =	vperm.xlane v3, v0;
	_ =	sdelay $0x1  }
0x29f: {  	v3 =	vperm.xlane v3, v2;
	v4 =	vadd.s32 v1, v4;
	_ =	sdelay $0x1  }
0x2a0: {  	v3 =	vadd.s32 v1, v3;
	_ =	sdelay $0x1  }
0x2a1: {  	s28 =	simm.s32 $0x4100  }
0x2a2: {  	[tilespmem:s28], [sflag:$0x1] =	stream.indirect_vreg.gather [hbm4b:s3+s2], $0x80, v4, vm0, $0xb8;
	[tilespmem:$0x10980] =	vst v63  }
0x2a3: {  	s17 =	simm.s32 $0x4900  }
0x2a4: {  	[tilespmem:s17], [sflag:$0x1] =	stream.indirect_vreg.gather [hbm4b:s3+s2], $0x80, v3, vm0, $0xb8;
	[tilespmem:$0x10980] =	vst v63  }
0x2a5: {  	v3 =	vld [tilespmem:$0x50];
	_ =	sdelay $0x4  }
0x2a6: {  	v53 =	vshll.u32 v3, $0x1  }
0x2a7: {  	v3 =	vand.u32 $0x7, v3;
	v4 =	vand.u32 $0xFFFFFFF0, v53  }
0x2a8: {  	v3 =	vor.u32 v3, v4  }
0x2a9: {  	v4 =	vperm.xlane v3, v0;
	_ =	sdelay $0x1  }
0x2aa: {  	v3 =	vperm.xlane v3, v2;
	v4 =	vadd.s32 v1, v4;
	_ =	sdelay $0x1  }
0x2ab: {  	v3 =	vadd.s32 v1, v3;
	_ =	sdelay $0x1  }
0x2ac: {  	s19 =	simm.s32 $0x5100  }
0x2ad: {  	[tilespmem:s19], [sflag:$0x1] =	stream.indirect_vreg.gather [hbm4b:s3+s2], $0x80, v4, vm0, $0xb8;
	[tilespmem:$0x10980] =	vst v63  }
0x2ae: {  	s19 =	simm.s32 $0x5900  }
0x2af: {  	[tilespmem:s19], [sflag:$0x1] =	stream.indirect_vreg.gather [hbm4b:s3+s2], $0x80, v3, vm0, $0xb8;
	[tilespmem:$0x10980] =	vst v63  }
0x2b0: {  	v3 =	vld [tilespmem:$0x60];
	_ =	sdelay $0x4  }
0x2b1: {  	v54 =	vshll.u32 v3, $0x1  }
0x2b2: {  	v3 =	vand.u32 $0x7, v3;
	v4 =	vand.u32 $0xFFFFFFF0, v54  }
0x2b3: {  	v3 =	vor.u32 v3, v4  }
0x2b4: {  	v4 =	vperm.xlane v3, v0;
	_ =	sdelay $0x1  }
0x2b5: {  	v3 =	vperm.xlane v3, v2;
	v4 =	vadd.s32 v1, v4;
	_ =	sdelay $0x1  }
0x2b6: {  	v3 =	vadd.s32 v1, v3;
	_ =	sdelay $0x1  }
0x2b7: {  	s24 =	simm.s32 $0x6100  }
0x2b8: {  	[tilespmem:s24], [sflag:$0x1] =	stream.indirect_vreg.gather [hbm4b:s3+s2], $0x80, v4, vm0, $0xb8;
	[tilespmem:$0x10980] =	vst v63  }
0x2b9: {  	s29 =	simm.s32 $0x6900  }
0x2ba: {  	[tilespmem:s29], [sflag:$0x1] =	stream.indirect_vreg.gather [hbm4b:s3+s2], $0x80, v3, vm0, $0xb8;
	[tilespmem:$0x10980] =	vst v63  }
0x2bb: {  	v3 =	vld [tilespmem:$0x70];
	_ =	sdelay $0x4  }
0x2bc: {  	v55 =	vshll.u32 v3, $0x1  }
0x2bd: {  	v3 =	vand.u32 $0x7, v3;
	v4 =	vand.u32 $0xFFFFFFF0, v55  }
0x2be: {  	v3 =	vor.u32 v3, v4  }
0x2bf: {  	v4 =	vperm.xlane v3, v0;
	_ =	sdelay $0x1  }
0x2c0: {  	v3 =	vperm.xlane v3, v2;
	v4 =	vadd.s32 v1, v4;
	_ =	sdelay $0x1  }
0x2c1: {  	v3 =	vadd.s32 v1, v3;
	_ =	sdelay $0x1  }
0x2c2: {  	s15 =	simm.s32 $0x7100  }
0x2c3: {  	[tilespmem:s15], [sflag:$0x1] =	stream.indirect_vreg.gather [hbm4b:s3+s2], $0x80, v4, vm0, $0xb8;
	[tilespmem:$0x10980] =	vst v63  }
0x2c4: {  	s17 =	simm.s32 $0x7900  }
0x2c5: {  	[tilespmem:s17], [sflag:$0x1] =	stream.indirect_vreg.gather [hbm4b:s3+s2], $0x80, v3, vm0, $0xb8;
	[tilespmem:$0x10980] =	vst v63  }
0x2c6: {  	_ =	swait.ge [sflag:s14], $0x8000  }
0x2c7: {  	[sflag:s14] =	ssyncset.done $0x0  }
0x2c8: {  	s12 =	simm.s32 $0x8100;
	s19 =	sadd.s32 $0x5000, s31;
	[sflag:s14] =	ssyncadd.s32 $0xFFFF8000  }
0x2c9: {  	[hbm4b:s19+s2] =	stream.linear.scatter [tilespmem:s12], [sflag:$0x4], $0x8000, $0x38;
	[tilespmem:$0x10980] =	vst v63  }
0x2ca: {  	_ =	swait.ge [sflag:s22], $0x8000  }
0x2cb: {  	s24 =	rddreg [dreg:$0x5];
	[sflag:s22] =	ssyncset.done $0x0  }
0x2cc: {  	s11 =	simm.s32 $0x80;
	[sflag:s22] =	ssyncadd.s32 $0xFFFF8000;
	s15 =	sadd.s32 s30, s24  }
0x2cd: {  	[tilespmem:s11], [sflag:$0x4] =	stream.linear.gather [hbm4b:s15+s2], $0x80, $0x38;
	[tilespmem:$0x10980] =	vst v63  }
0x2ce: {  	_ =	swait.ge [sflag:s22], $0x80  }
0x2cf: {  	[sflag:s22] =	ssyncset.done $0x0  }
0x2d0: {  	[sflag:s22] =	ssyncadd.s32 $0xFFFFFF80  }
0x2d1: {  	v3 =	vld [tilespmem:$0x80];
	_ =	sdelay $0x4  }
0x2d2: {  	v56 =	vshll.u32 v3, $0x1  }
0x2d3: {  	v3 =	vand.u32 $0x7, v3;
	v4 =	vand.u32 $0xFFFFFFF0, v56  }
0x2d4: {  	v3 =	vor.u32 v3, v4  }
0x2d5: {  	v4 =	vperm.xlane v3, v0;
	_ =	sdelay $0x1  }
0x2d6: {  	v3 =	vperm.xlane v3, v2;
	v4 =	vadd.s32 v1, v4;
	_ =	sdelay $0x1  }
0x2d7: {  	v3 =	vadd.s32 v1, v3;
	_ =	sdelay $0x2  }
0x2d8: {  	[tilespmem:s12], [sflag:$0x2] =	stream.indirect_vreg.gather [hbm4b:s3+s2], $0x80, v4, vm0, $0xb8;
	[tilespmem:$0x10980] =	vst v63  }
0x2d9: {  	s10 =	simm.s32 $0x8900  }
0x2da: {  	[tilespmem:s10], [sflag:$0x2] =	stream.indirect_vreg.gather [hbm4b:s3+s2], $0x80, v3, vm0, $0xb8;
	[tilespmem:$0x10980] =	vst v63  }
0x2db: {  	v3 =	vld [tilespmem:$0x90];
	_ =	sdelay $0x4  }
0x2dc: {  	v57 =	vshll.u32 v3, $0x1  }
0x2dd: {  	v3 =	vand.u32 $0x7, v3;
	v4 =	vand.u32 $0xFFFFFFF0, v57  }
0x2de: {  	v3 =	vor.u32 v3, v4  }
0x2df: {  	v4 =	vperm.xlane v3, v0;
	_ =	sdelay $0x1  }
0x2e0: {  	v3 =	vperm.xlane v3, v2;
	v4 =	vadd.s32 v1, v4;
	_ =	sdelay $0x1  }
0x2e1: {  	v3 =	vadd.s32 v1, v3;
	_ =	sdelay $0x1  }
0x2e2: {  	s26 =	simm.s32 $0x9100  }
0x2e3: {  	[tilespmem:s26], [sflag:$0x2] =	stream.indirect_vreg.gather [hbm4b:s3+s2], $0x80, v4, vm0, $0xb8;
	[tilespmem:$0x10980] =	vst v63  }
0x2e4: {  	s9 =	simm.s32 $0x9900  }
0x2e5: {  	[tilespmem:s9], [sflag:$0x2] =	stream.indirect_vreg.gather [hbm4b:s3+s2], $0x80, v3, vm0, $0xb8;
	[tilespmem:$0x10980] =	vst v63  }
0x2e6: {  	v3 =	vld [tilespmem:$0xA0];
	_ =	sdelay $0x4  }
0x2e7: {  	v58 =	vshll.u32 v3, $0x1  }
0x2e8: {  	v3 =	vand.u32 $0x7, v3;
	v4 =	vand.u32 $0xFFFFFFF0, v58  }
0x2e9: {  	v3 =	vor.u32 v3, v4  }
0x2ea: {  	v4 =	vperm.xlane v3, v0;
	_ =	sdelay $0x1  }
0x2eb: {  	v3 =	vperm.xlane v3, v2;
	v4 =	vadd.s32 v1, v4;
	_ =	sdelay $0x1  }
0x2ec: {  	v3 =	vadd.s32 v1, v3;
	_ =	sdelay $0x1  }
0x2ed: {  	s25 =	simm.s32 $0xA100  }
0x2ee: {  	[tilespmem:s25], [sflag:$0x2] =	stream.indirect_vreg.gather [hbm4b:s3+s2], $0x80, v4, vm0, $0xb8;
	[tilespmem:$0x10980] =	vst v63  }
0x2ef: {  	s8 =	simm.s32 $0xA900  }
0x2f0: {  	[tilespmem:s8], [sflag:$0x2] =	stream.indirect_vreg.gather [hbm4b:s3+s2], $0x80, v3, vm0, $0xb8;
	[tilespmem:$0x10980] =	vst v63  }
0x2f1: {  	v3 =	vld [tilespmem:$0xB0];
	_ =	sdelay $0x4  }
0x2f2: {  	v59 =	vshll.u32 v3, $0x1  }
0x2f3: {  	v3 =	vand.u32 $0x7, v3;
	v4 =	vand.u32 $0xFFFFFFF0, v59  }
0x2f4: {  	v3 =	vor.u32 v3, v4  }
0x2f5: {  	v4 =	vperm.xlane v3, v0;
	_ =	sdelay $0x1  }
0x2f6: {  	v3 =	vperm.xlane v3, v2;
	v4 =	vadd.s32 v1, v4;
	_ =	sdelay $0x1  }
0x2f7: {  	v3 =	vadd.s32 v1, v3;
	_ =	sdelay $0x1  }
0x2f8: {  	s23 =	simm.s32 $0xB100  }
0x2f9: {  	[tilespmem:s23], [sflag:$0x2] =	stream.indirect_vreg.gather [hbm4b:s3+s2], $0x80, v4, vm0, $0xb8;
	[tilespmem:$0x10980] =	vst v63  }
0x2fa: {  	s7 =	simm.s32 $0xB900  }
0x2fb: {  	[tilespmem:s7], [sflag:$0x2] =	stream.indirect_vreg.gather [hbm4b:s3+s2], $0x80, v3, vm0, $0xb8;
	[tilespmem:$0x10980] =	vst v63  }
0x2fc: {  	v3 =	vld [tilespmem:$0xC0];
	_ =	sdelay $0x4  }
0x2fd: {  	v60 =	vshll.u32 v3, $0x1  }
0x2fe: {  	v3 =	vand.u32 $0x7, v3;
	v4 =	vand.u32 $0xFFFFFFF0, v60  }
0x2ff: {  	v3 =	vor.u32 v3, v4  }
0x300: {  	v4 =	vperm.xlane v3, v0;
	_ =	sdelay $0x1  }
0x301: {  	v3 =	vperm.xlane v3, v2;
	v4 =	vadd.s32 v1, v4;
	_ =	sdelay $0x1  }
0x302: {  	v3 =	vadd.s32 v1, v3;
	_ =	sdelay $0x1  }
0x303: {  	s13 =	simm.s32 $0xC100  }
0x304: {  	[tilespmem:s13], [sflag:$0x2] =	stream.indirect_vreg.gather [hbm4b:s3+s2], $0x80, v4, vm0, $0xb8;
	[tilespmem:$0x10980] =	vst v63  }
0x305: {  	s6 =	simm.s32 $0xC900  }
0x306: {  	[tilespmem:s6], [sflag:$0x2] =	stream.indirect_vreg.gather [hbm4b:s3+s2], $0x80, v3, vm0, $0xb8;
	[tilespmem:$0x10980] =	vst v63  }
0x307: {  	v3 =	vld [tilespmem:$0xD0];
	_ =	sdelay $0x4  }
0x308: {  	v61 =	vshll.u32 v3, $0x1  }
0x309: {  	v3 =	vand.u32 $0x7, v3;
	v4 =	vand.u32 $0xFFFFFFF0, v61  }
0x30a: {  	v3 =	vor.u32 v3, v4  }
0x30b: {  	v4 =	vperm.xlane v3, v0;
	_ =	sdelay $0x1  }
0x30c: {  	v3 =	vperm.xlane v3, v2;
	v4 =	vadd.s32 v1, v4;
	_ =	sdelay $0x1  }
0x30d: {  	v3 =	vadd.s32 v1, v3;
	_ =	sdelay $0x1  }
0x30e: {  	s1 =	simm.s32 $0xD100  }
0x30f: {  	[tilespmem:s1], [sflag:$0x2] =	stream.indirect_vreg.gather [hbm4b:s3+s2], $0x80, v4, vm0, $0xb8;
	[tilespmem:$0x10980] =	vst v63  }
0x310: {  	s5 =	simm.s32 $0xD900  }
0x311: {  	[tilespmem:s5], [sflag:$0x2] =	stream.indirect_vreg.gather [hbm4b:s3+s2], $0x80, v3, vm0, $0xb8;
	[tilespmem:$0x10980] =	vst v63  }
0x312: {  	v3 =	vld [tilespmem:$0xE0];
	_ =	sdelay $0x4  }
0x313: {  	v62 =	vshll.u32 v3, $0x1  }
0x314: {  	v3 =	vand.u32 $0x7, v3;
	v4 =	vand.u32 $0xFFFFFFF0, v62  }
0x315: {  	v3 =	vor.u32 v3, v4  }
0x316: {  	v4 =	vperm.xlane v3, v0;
	_ =	sdelay $0x1  }
0x317: {  	v3 =	vperm.xlane v3, v2;
	v4 =	vadd.s32 v1, v4;
	_ =	sdelay $0x1  }
0x318: {  	v3 =	vadd.s32 v1, v3;
	_ =	sdelay $0x1  }
0x319: {  	s4 =	simm.s32 $0xE100  }
0x31a: {  	[tilespmem:s4], [sflag:$0x2] =	stream.indirect_vreg.gather [hbm4b:s3+s2], $0x80, v4, vm0, $0xb8;
	[tilespmem:$0x10980] =	vst v63  }
0x31b: {  	s21 =	simm.s32 $0xE900  }
0x31c: {  	[tilespmem:s21], [sflag:$0x2] =	stream.indirect_vreg.gather [hbm4b:s3+s2], $0x80, v3, vm0, $0xb8;
	[tilespmem:$0x10980] =	vst v63  }
0x31d: {  	v3 =	vld [tilespmem:$0xF0];
	_ =	sdelay $0x4  }
0x31e: {  	v63 =	vshll.u32 v3, $0x1  }
0x31f: {  	v3 =	vand.u32 $0x7, v3;
	v4 =	vand.u32 $0xFFFFFFF0, v63  }
0x320: {  	v3 =	vor.u32 v3, v4  }
0x321: {  	v4 =	vperm.xlane v3, v0;
	_ =	sdelay $0x1  }
0x322: {  	v3 =	vperm.xlane v3, v2;
	v4 =	vadd.s32 v1, v4;
	_ =	sdelay $0x1  }
0x323: {  	v3 =	vadd.s32 v1, v3;
	_ =	sdelay $0x1  }
0x324: {  	s20 =	simm.s32 $0xF100  }
0x325: {  	[tilespmem:s20], [sflag:$0x2] =	stream.indirect_vreg.gather [hbm4b:s3+s2], $0x80, v4, vm0, $0xb8;
	[tilespmem:$0x10980] =	vst v63  }
0x326: {  	s18 =	simm.s32 $0xF900;
	s26 =	simm.s32 $0x1  }
0x327: {  	[tilespmem:s18], [sflag:$0x2] =	stream.indirect_vreg.gather [hbm4b:s3+s2], $0x80, v3, vm0, $0xb8;
	[tilespmem:$0x10980] =	vst v63  }
0x328: {  	_ =	swait.ge [sflag:s26], $0x8000  }
0x329: {  	[sflag:s26] =	ssyncset.done $0x0  }
0x32a: {  	s28 =	simm.s32 $0x100;
	s29 =	sadd.s32 $0x6000, s31;
	[sflag:s26] =	ssyncadd.s32 $0xFFFF8000  }
0x32b: {  	[hbm4b:s29+s2] =	stream.linear.scatter [tilespmem:s28], [sflag:$0x4], $0x8000, $0x38;
	[tilespmem:$0x10980] =	vst v63  }
0x32c: {  	_ =	swait.ge [sflag:s22], $0x8000  }
0x32d: {  	[sflag:s22] =	ssyncset.done $0x0  }
0x32e: {  	[sflag:s22] =	ssyncadd.s32 $0xFFFF8000  }
0x32f: {  	_ =	swait.ge [sflag:s14], $0x8000  }
0x330: {  	p0 =	sne.s32 s16, $0x18000;
	[sflag:s14] =	ssyncset.done $0x0  }
.Ltmp0:
0x331: {  	s31 =	sadd.s32 $0x7000, s31;
	[sflag:s14] =	ssyncadd.s32 $0xFFFF8000;
	(pc) =	sbr.rel @p0 .LBB2_2-.Ltmp0, $4  }
0x332: {  	[hbm4b:s31+s2] =	stream.linear.scatter [tilespmem:s12], [sflag:$0x4], $0x8000, $0x38;
	[tilespmem:$0x10980] =	vst v63  }
0x333: {  	_ =	swait.ge [sflag:s22], $0x8000  }
0x334: {  	[sflag:s22] =	ssyncset.done $0x0  }
0x335: {  	s16 =	sadd.s32 $0x8000, s16;
	s30 =	sadd.s32 $0x80, s30;
	[sflag:s22] =	ssyncadd.s32 $0xFFFF8000  }
0x336: {  	s14 =	rddreg [dreg:$0xd]  }
0x337: {  	[tilespmem:s2], [sflag:$0x4] =	stream.linear.gather [hbm4b:s14+s2], $0x80, $0x38;
	[tilespmem:$0x10980] =	vst v63  }
0x338: {  	_ =	swait.ge [sflag:s22], $0x80  }
0x339: {  	[sflag:s22] =	ssyncset.done $0x0  }
0x33a: {  	[sflag:s22] =	ssyncadd.s32 $0xFFFFFF80  }
0x33b: {  	v3 =	vld [tilespmem:$0x0];
	_ =	sdelay $0x4  }
0x33c: {  	v4 =	vshll.u32 v3, $0x1  }
0x33d: {  	v3 =	vand.u32 $0x7, v3;
	v4 =	vand.u32 $0xFFFFFFF0, v4  }
0x33e: {  	v3 =	vor.u32 v3, v4  }
0x33f: {  	v4 =	vperm.xlane v3, v0;
	_ =	sdelay $0x1  }
0x340: {  	v3 =	vperm.xlane v3, v2;
	v4 =	vadd.s32 v1, v4;
	_ =	sdelay $0x1  }
0x341: {  	v3 =	vadd.s32 v1, v3;
	_ =	sdelay $0x2  }
0x342: {  	[tilespmem:s28], [sflag:$0x1] =	stream.indirect_vreg.gather [hbm4b:s3+s2], $0x80, v4, vm0, $0xb8;
	[tilespmem:$0x10980] =	vst v63  }
0x343: {  	s0 =	simm.s32 $0x900  }
0x344: {  	[tilespmem:s0], [sflag:$0x1] =	stream.indirect_vreg.gather [hbm4b:s3+s2], $0x80, v3, vm0, $0xb8;
	[tilespmem:$0x10980] =	vst v63  }
0x345: {  	v3 =	vld [tilespmem:$0x10];
	_ =	sdelay $0x4  }
0x346: {  	v8 =	vshll.u32 v3, $0x1  }
0x347: {  	v3 =	vand.u32 $0x7, v3;
	v4 =	vand.u32 $0xFFFFFFF0, v8  }
0x348: {  	v3 =	vor.u32 v3, v4  }
0x349: {  	v4 =	vperm.xlane v3, v0;
	_ =	sdelay $0x1  }
0x34a: {  	v3 =	vperm.xlane v3, v2;
	v4 =	vadd.s32 v1, v4;
	_ =	sdelay $0x1  }
0x34b: {  	v3 =	vadd.s32 v1, v3;
	_ =	sdelay $0x1  }
0x34c: {  	s11 =	simm.s32 $0x1100  }
0x34d: {  	[tilespmem:s11], [sflag:$0x1] =	stream.indirect_vreg.gather [hbm4b:s3+s2], $0x80, v4, vm0, $0xb8;
	[tilespmem:$0x10980] =	vst v63  }
0x34e: {  	s13 =	simm.s32 $0x1900  }
0x34f: {  	[tilespmem:s13], [sflag:$0x1] =	stream.indirect_vreg.gather [hbm4b:s3+s2], $0x80, v3, vm0, $0xb8;
	[tilespmem:$0x10980] =	vst v63  }
0x350: {  	v3 =	vld [tilespmem:$0x20];
	_ =	sdelay $0x4  }
0x351: {  	v9 =	vshll.u32 v3, $0x1  }
0x352: {  	v3 =	vand.u32 $0x7, v3;
	v4 =	vand.u32 $0xFFFFFFF0, v9  }
0x353: {  	v3 =	vor.u32 v3, v4  }
0x354: {  	v4 =	vperm.xlane v3, v0;
	_ =	sdelay $0x1  }
0x355: {  	v3 =	vperm.xlane v3, v2;
	v4 =	vadd.s32 v1, v4;
	_ =	sdelay $0x1  }
0x356: {  	v3 =	vadd.s32 v1, v3;
	_ =	sdelay $0x1  }
0x357: {  	s14 =	simm.s32 $0x2100  }
0x358: {  	[tilespmem:s14], [sflag:$0x1] =	stream.indirect_vreg.gather [hbm4b:s3+s2], $0x80, v4, vm0, $0xb8;
	[tilespmem:$0x10980] =	vst v63  }
0x359: {  	s15 =	simm.s32 $0x2900  }
0x35a: {  	[tilespmem:s15], [sflag:$0x1] =	stream.indirect_vreg.gather [hbm4b:s3+s2], $0x80, v3, vm0, $0xb8;
	[tilespmem:$0x10980] =	vst v63  }
0x35b: {  	v3 =	vld [tilespmem:$0x30];
	_ =	sdelay $0x4  }
0x35c: {  	v10 =	vshll.u32 v3, $0x1  }
0x35d: {  	v3 =	vand.u32 $0x7, v3;
	v4 =	vand.u32 $0xFFFFFFF0, v10  }
0x35e: {  	v3 =	vor.u32 v3, v4  }
0x35f: {  	v4 =	vperm.xlane v3, v0;
	_ =	sdelay $0x1  }
0x360: {  	v3 =	vperm.xlane v3, v2;
	v4 =	vadd.s32 v1, v4;
	_ =	sdelay $0x1  }
0x361: {  	v3 =	vadd.s32 v1, v3;
	_ =	sdelay $0x1  }
0x362: {  	s16 =	simm.s32 $0x3100  }
0x363: {  	[tilespmem:s16], [sflag:$0x1] =	stream.indirect_vreg.gather [hbm4b:s3+s2], $0x80, v4, vm0, $0xb8;
	[tilespmem:$0x10980] =	vst v63  }
0x364: {  	s17 =	simm.s32 $0x3900  }
0x365: {  	[tilespmem:s17], [sflag:$0x1] =	stream.indirect_vreg.gather [hbm4b:s3+s2], $0x80, v3, vm0, $0xb8;
	[tilespmem:$0x10980] =	vst v63  }
0x366: {  	v3 =	vld [tilespmem:$0x40];
	_ =	sdelay $0x4  }
0x367: {  	v11 =	vshll.u32 v3, $0x1  }
0x368: {  	v3 =	vand.u32 $0x7, v3;
	v4 =	vand.u32 $0xFFFFFFF0, v11  }
0x369: {  	v3 =	vor.u32 v3, v4  }
0x36a: {  	v4 =	vperm.xlane v3, v0;
	_ =	sdelay $0x1  }
0x36b: {  	v3 =	vperm.xlane v3, v2;
	v4 =	vadd.s32 v1, v4;
	_ =	sdelay $0x1  }
0x36c: {  	v3 =	vadd.s32 v1, v3;
	_ =	sdelay $0x1  }
0x36d: {  	s18 =	simm.s32 $0x4100  }
0x36e: {  	[tilespmem:s18], [sflag:$0x1] =	stream.indirect_vreg.gather [hbm4b:s3+s2], $0x80, v4, vm0, $0xb8;
	[tilespmem:$0x10980] =	vst v63  }
0x36f: {  	s19 =	simm.s32 $0x4900  }
0x370: {  	[tilespmem:s19], [sflag:$0x1] =	stream.indirect_vreg.gather [hbm4b:s3+s2], $0x80, v3, vm0, $0xb8;
	[tilespmem:$0x10980] =	vst v63  }
0x371: {  	v3 =	vld [tilespmem:$0x50];
	_ =	sdelay $0x4  }
0x372: {  	v12 =	vshll.u32 v3, $0x1  }
0x373: {  	v3 =	vand.u32 $0x7, v3;
	v4 =	vand.u32 $0xFFFFFFF0, v12  }
0x374: {  	v3 =	vor.u32 v3, v4  }
0x375: {  	v4 =	vperm.xlane v3, v0;
	_ =	sdelay $0x1  }
0x376: {  	v3 =	vperm.xlane v3, v2;
	v4 =	vadd.s32 v1, v4;
	_ =	sdelay $0x1  }
0x377: {  	v3 =	vadd.s32 v1, v3;
	_ =	sdelay $0x1  }
0x378: {  	s20 =	simm.s32 $0x5100  }
0x379: {  	[tilespmem:s20], [sflag:$0x1] =	stream.indirect_vreg.gather [hbm4b:s3+s2], $0x80, v4, vm0, $0xb8;
	[tilespmem:$0x10980] =	vst v63  }
0x37a: {  	s21 =	simm.s32 $0x5900  }
0x37b: {  	[tilespmem:s21], [sflag:$0x1] =	stream.indirect_vreg.gather [hbm4b:s3+s2], $0x80, v3, vm0, $0xb8;
	[tilespmem:$0x10980] =	vst v63  }
0x37c: {  	v3 =	vld [tilespmem:$0x60];
	_ =	sdelay $0x4  }
0x37d: {  	v13 =	vshll.u32 v3, $0x1  }
0x37e: {  	v3 =	vand.u32 $0x7, v3;
	v4 =	vand.u32 $0xFFFFFFF0, v13  }
0x37f: {  	v3 =	vor.u32 v3, v4  }
0x380: {  	v4 =	vperm.xlane v3, v0;
	_ =	sdelay $0x1  }
0x381: {  	v3 =	vperm.xlane v3, v2;
	v4 =	vadd.s32 v1, v4;
	_ =	sdelay $0x1  }
0x382: {  	v3 =	vadd.s32 v1, v3;
	_ =	sdelay $0x1  }
0x383: {  	s23 =	simm.s32 $0x6100  }
0x384: {  	[tilespmem:s23], [sflag:$0x1] =	stream.indirect_vreg.gather [hbm4b:s3+s2], $0x80, v4, vm0, $0xb8;
	[tilespmem:$0x10980] =	vst v63  }
0x385: {  	s24 =	simm.s32 $0x6900  }
0x386: {  	[tilespmem:s24], [sflag:$0x1] =	stream.indirect_vreg.gather [hbm4b:s3+s2], $0x80, v3, vm0, $0xb8;
	[tilespmem:$0x10980] =	vst v63  }
0x387: {  	v3 =	vld [tilespmem:$0x70];
	_ =	sdelay $0x4  }
0x388: {  	v14 =	vshll.u32 v3, $0x1  }
0x389: {  	v3 =	vand.u32 $0x7, v3;
	v4 =	vand.u32 $0xFFFFFFF0, v14  }
0x38a: {  	v3 =	vor.u32 v3, v4  }
0x38b: {  	v4 =	vperm.xlane v3, v0;
	_ =	sdelay $0x1  }
0x38c: {  	v3 =	vperm.xlane v3, v2;
	v4 =	vadd.s32 v1, v4;
	_ =	sdelay $0x1  }
0x38d: {  	v3 =	vadd.s32 v1, v3;
	_ =	sdelay $0x1  }
0x38e: {  	s25 =	simm.s32 $0x7100  }
0x38f: {  	[tilespmem:s25], [sflag:$0x1] =	stream.indirect_vreg.gather [hbm4b:s3+s2], $0x80, v4, vm0, $0xb8;
	[tilespmem:$0x10980] =	vst v63  }
0x390: {  	s29 =	simm.s32 $0x7900  }
0x391: {  	[tilespmem:s29], [sflag:$0x1] =	stream.indirect_vreg.gather [hbm4b:s3+s2], $0x80, v3, vm0, $0xb8;
	[tilespmem:$0x10980] =	vst v63  }
0x392: {  	s10 =	simm.s32 $0x80;
	s30 =	rddreg [dreg:$0xe]  }
0x393: {  	[tilespmem:s10], [sflag:$0x4] =	stream.linear.gather [hbm4b:s30+s2], $0x80, $0x38;
	[tilespmem:$0x10980] =	vst v63  }
0x394: {  	_ =	swait.ge [sflag:s22], $0x80  }
0x395: {  	[sflag:s22] =	ssyncset.done $0x0  }
0x396: {  	[sflag:s22] =	ssyncadd.s32 $0xFFFFFF80  }
0x397: {  	v3 =	vld [tilespmem:$0x80];
	_ =	sdelay $0x4  }
0x398: {  	v15 =	vshll.u32 v3, $0x1  }
0x399: {  	v3 =	vand.u32 $0x7, v3;
	v4 =	vand.u32 $0xFFFFFFF0, v15  }
0x39a: {  	v3 =	vor.u32 v3, v4  }
0x39b: {  	v4 =	vperm.xlane v3, v0;
	_ =	sdelay $0x1  }
0x39c: {  	v3 =	vperm.xlane v3, v2;
	v4 =	vadd.s32 v1, v4;
	_ =	sdelay $0x1  }
0x39d: {  	v3 =	vadd.s32 v1, v3;
	_ =	sdelay $0x2  }
0x39e: {  	[tilespmem:s12], [sflag:$0x2] =	stream.indirect_vreg.gather [hbm4b:s3+s2], $0x80, v4, vm0, $0xb8;
	[tilespmem:$0x10980] =	vst v63  }
0x39f: {  	s19 =	simm.s32 $0x8900  }
0x3a0: {  	[tilespmem:s19], [sflag:$0x2] =	stream.indirect_vreg.gather [hbm4b:s3+s2], $0x80, v3, vm0, $0xb8;
	[tilespmem:$0x10980] =	vst v63  }
0x3a1: {  	v3 =	vld [tilespmem:$0x90];
	_ =	sdelay $0x4  }
0x3a2: {  	v16 =	vshll.u32 v3, $0x1  }
0x3a3: {  	v3 =	vand.u32 $0x7, v3;
	v4 =	vand.u32 $0xFFFFFFF0, v16  }
0x3a4: {  	v3 =	vor.u32 v3, v4  }
0x3a5: {  	v4 =	vperm.xlane v3, v0;
	_ =	sdelay $0x1  }
0x3a6: {  	v3 =	vperm.xlane v3, v2;
	v4 =	vadd.s32 v1, v4;
	_ =	sdelay $0x1  }
0x3a7: {  	v3 =	vadd.s32 v1, v3;
	_ =	sdelay $0x1  }
0x3a8: {  	s20 =	simm.s32 $0x9100  }
0x3a9: {  	[tilespmem:s20], [sflag:$0x2] =	stream.indirect_vreg.gather [hbm4b:s3+s2], $0x80, v4, vm0, $0xb8;
	[tilespmem:$0x10980] =	vst v63  }
0x3aa: {  	s18 =	simm.s32 $0x9900  }
0x3ab: {  	[tilespmem:s18], [sflag:$0x2] =	stream.indirect_vreg.gather [hbm4b:s3+s2], $0x80, v3, vm0, $0xb8;
	[tilespmem:$0x10980] =	vst v63  }
0x3ac: {  	v3 =	vld [tilespmem:$0xA0];
	_ =	sdelay $0x4  }
0x3ad: {  	v17 =	vshll.u32 v3, $0x1  }
0x3ae: {  	v3 =	vand.u32 $0x7, v3;
	v4 =	vand.u32 $0xFFFFFFF0, v17  }
0x3af: {  	v3 =	vor.u32 v3, v4  }
0x3b0: {  	v4 =	vperm.xlane v3, v0;
	_ =	sdelay $0x1  }
0x3b1: {  	v3 =	vperm.xlane v3, v2;
	v4 =	vadd.s32 v1, v4;
	_ =	sdelay $0x1  }
0x3b2: {  	v3 =	vadd.s32 v1, v3;
	_ =	sdelay $0x1  }
0x3b3: {  	s16 =	simm.s32 $0xA100  }
0x3b4: {  	[tilespmem:s16], [sflag:$0x2] =	stream.indirect_vreg.gather [hbm4b:s3+s2], $0x80, v4, vm0, $0xb8;
	[tilespmem:$0x10980] =	vst v63  }
0x3b5: {  	s15 =	simm.s32 $0xA900  }
0x3b6: {  	[tilespmem:s15], [sflag:$0x2] =	stream.indirect_vreg.gather [hbm4b:s3+s2], $0x80, v3, vm0, $0xb8;
	[tilespmem:$0x10980] =	vst v63  }
0x3b7: {  	v3 =	vld [tilespmem:$0xB0];
	_ =	sdelay $0x4  }
0x3b8: {  	v18 =	vshll.u32 v3, $0x1  }
0x3b9: {  	v3 =	vand.u32 $0x7, v3;
	v4 =	vand.u32 $0xFFFFFFF0, v18  }
0x3ba: {  	v3 =	vor.u32 v3, v4  }
0x3bb: {  	v4 =	vperm.xlane v3, v0;
	_ =	sdelay $0x1  }
0x3bc: {  	v3 =	vperm.xlane v3, v2;
	v4 =	vadd.s32 v1, v4;
	_ =	sdelay $0x1  }
0x3bd: {  	v3 =	vadd.s32 v1, v3;
	_ =	sdelay $0x1  }
0x3be: {  	s31 =	simm.s32 $0xB100  }
0x3bf: {  	[tilespmem:s31], [sflag:$0x2] =	stream.indirect_vreg.gather [hbm4b:s3+s2], $0x80, v4, vm0, $0xb8;
	[tilespmem:$0x10980] =	vst v63  }
0x3c0: {  	s21 =	simm.s32 $0xB900  }
0x3c1: {  	[tilespmem:s21], [sflag:$0x2] =	stream.indirect_vreg.gather [hbm4b:s3+s2], $0x80, v3, vm0, $0xb8;
	[tilespmem:$0x10980] =	vst v63  }
0x3c2: {  	v3 =	vld [tilespmem:$0xC0];
	_ =	sdelay $0x4  }
0x3c3: {  	v19 =	vshll.u32 v3, $0x1  }
0x3c4: {  	v3 =	vand.u32 $0x7, v3;
	v4 =	vand.u32 $0xFFFFFFF0, v19  }
0x3c5: {  	v3 =	vor.u32 v3, v4  }
0x3c6: {  	v4 =	vperm.xlane v3, v0;
	_ =	sdelay $0x1  }
0x3c7: {  	v3 =	vperm.xlane v3, v2;
	v4 =	vadd.s32 v1, v4;
	_ =	sdelay $0x1  }
0x3c8: {  	v3 =	vadd.s32 v1, v3;
	_ =	sdelay $0x1  }
0x3c9: {  	s31 =	simm.s32 $0xC100  }
0x3ca: {  	[tilespmem:s31], [sflag:$0x2] =	stream.indirect_vreg.gather [hbm4b:s3+s2], $0x80, v4, vm0, $0xb8;
	[tilespmem:$0x10980] =	vst v63  }
0x3cb: {  	s30 =	simm.s32 $0xC900  }
0x3cc: {  	[tilespmem:s30], [sflag:$0x2] =	stream.indirect_vreg.gather [hbm4b:s3+s2], $0x80, v3, vm0, $0xb8;
	[tilespmem:$0x10980] =	vst v63  }
0x3cd: {  	v3 =	vld [tilespmem:$0xD0];
	_ =	sdelay $0x4  }
0x3ce: {  	v20 =	vshll.u32 v3, $0x1  }
0x3cf: {  	v3 =	vand.u32 $0x7, v3;
	v4 =	vand.u32 $0xFFFFFFF0, v20  }
0x3d0: {  	v3 =	vor.u32 v3, v4  }
0x3d1: {  	v4 =	vperm.xlane v3, v0;
	_ =	sdelay $0x1  }
0x3d2: {  	v3 =	vperm.xlane v3, v2;
	v4 =	vadd.s32 v1, v4;
	_ =	sdelay $0x1  }
0x3d3: {  	v3 =	vadd.s32 v1, v3;
	_ =	sdelay $0x1  }
0x3d4: {  	s29 =	simm.s32 $0xD100  }
0x3d5: {  	[tilespmem:s29], [sflag:$0x2] =	stream.indirect_vreg.gather [hbm4b:s3+s2], $0x80, v4, vm0, $0xb8;
	[tilespmem:$0x10980] =	vst v63  }
0x3d6: {  	s13 =	simm.s32 $0xD900  }
0x3d7: {  	[tilespmem:s13], [sflag:$0x2] =	stream.indirect_vreg.gather [hbm4b:s3+s2], $0x80, v3, vm0, $0xb8;
	[tilespmem:$0x10980] =	vst v63  }
0x3d8: {  	v3 =	vld [tilespmem:$0xE0];
	_ =	sdelay $0x4  }
0x3d9: {  	v21 =	vshll.u32 v3, $0x1  }
0x3da: {  	v3 =	vand.u32 $0x7, v3;
	v4 =	vand.u32 $0xFFFFFFF0, v21  }
0x3db: {  	v3 =	vor.u32 v3, v4  }
0x3dc: {  	v4 =	vperm.xlane v3, v0;
	_ =	sdelay $0x1  }
0x3dd: {  	v3 =	vperm.xlane v3, v2;
	v4 =	vadd.s32 v1, v4;
	_ =	sdelay $0x1  }
0x3de: {  	v3 =	vadd.s32 v1, v3;
	_ =	sdelay $0x1  }
0x3df: {  	s23 =	simm.s32 $0xE100  }
0x3e0: {  	[tilespmem:s23], [sflag:$0x2] =	stream.indirect_vreg.gather [hbm4b:s3+s2], $0x80, v4, vm0, $0xb8;
	[tilespmem:$0x10980] =	vst v63  }
0x3e1: {  	s25 =	simm.s32 $0xE900  }
0x3e2: {  	[tilespmem:s25], [sflag:$0x2] =	stream.indirect_vreg.gather [hbm4b:s3+s2], $0x80, v3, vm0, $0xb8;
	[tilespmem:$0x10980] =	vst v63  }
0x3e3: {  	v3 =	vld [tilespmem:$0xF0];
	_ =	sdelay $0x4  }
0x3e4: {  	v22 =	vshll.u32 v3, $0x1  }
0x3e5: {  	v3 =	vand.u32 $0x7, v3;
	v4 =	vand.u32 $0xFFFFFFF0, v22  }
0x3e6: {  	v3 =	vor.u32 v3, v4  }
0x3e7: {  	v4 =	vperm.xlane v3, v0;
	_ =	sdelay $0x1  }
0x3e8: {  	v3 =	vperm.xlane v3, v2;
	v4 =	vadd.s32 v1, v4;
	_ =	sdelay $0x1  }
0x3e9: {  	v3 =	vadd.s32 v1, v3;
	_ =	sdelay $0x1  }
0x3ea: {  	s11 =	simm.s32 $0xF100  }
0x3eb: {  	[tilespmem:s11], [sflag:$0x2] =	stream.indirect_vreg.gather [hbm4b:s3+s2], $0x80, v4, vm0, $0xb8;
	[tilespmem:$0x10980] =	vst v63  }
0x3ec: {  	s17 =	simm.s32 $0xF900  }
0x3ed: {  	[tilespmem:s17], [sflag:$0x2] =	stream.indirect_vreg.gather [hbm4b:s3+s2], $0x80, v3, vm0, $0xb8;
	[tilespmem:$0x10980] =	vst v63  }
0x3ee: {  	_ =	swait.ge [sflag:s26], $0x8000  }
0x3ef: {  	[sflag:s26] =	ssyncset.done $0x0  }
0x3f0: {  	s8 =	rddreg [dreg:$0xf];
	[sflag:s26] =	ssyncadd.s32 $0xFFFF8000  }
0x3f1: {  	[hbm4b:s8+s2] =	stream.linear.scatter [tilespmem:s28], [sflag:$0x4], $0x8000, $0x38;
	[tilespmem:$0x10980] =	vst v63  }
0x3f2: {  	_ =	swait.ge [sflag:s22], $0x8000  }
0x3f3: {  	[sflag:s22] =	ssyncset.done $0x0  }
0x3f4: {  	s9 =	rddreg [dreg:$0x10];
	[sflag:s22] =	ssyncadd.s32 $0xFFFF8000  }
0x3f5: {  	[tilespmem:s2], [sflag:$0x4] =	stream.linear.gather [hbm4b:s9+s2], $0x80, $0x38;
	[tilespmem:$0x10980] =	vst v63  }
0x3f6: {  	_ =	swait.ge [sflag:s22], $0x80  }
0x3f7: {  	[sflag:s22] =	ssyncset.done $0x0  }
0x3f8: {  	[sflag:s22] =	ssyncadd.s32 $0xFFFFFF80  }
0x3f9: {  	v3 =	vld [tilespmem:$0x0];
	_ =	sdelay $0x4  }
0x3fa: {  	v23 =	vshll.u32 v3, $0x1  }
0x3fb: {  	v3 =	vand.u32 $0x7, v3;
	v4 =	vand.u32 $0xFFFFFFF0, v23  }
0x3fc: {  	v3 =	vor.u32 v3, v4  }
0x3fd: {  	v4 =	vperm.xlane v3, v0;
	_ =	sdelay $0x1  }
0x3fe: {  	v3 =	vperm.xlane v3, v2;
	v4 =	vadd.s32 v1, v4;
	_ =	sdelay $0x1  }
0x3ff: {  	v3 =	vadd.s32 v1, v3;
	_ =	sdelay $0x2  }
0x400: {  	[tilespmem:s28], [sflag:$0x1] =	stream.indirect_vreg.gather [hbm4b:s3+s2], $0x80, v4, vm0, $0xb8;
	[tilespmem:$0x10980] =	vst v63  }
0x401: {  	s1 =	simm.s32 $0x900  }
0x402: {  	[tilespmem:s1], [sflag:$0x1] =	stream.indirect_vreg.gather [hbm4b:s3+s2], $0x80, v3, vm0, $0xb8;
	[tilespmem:$0x10980] =	vst v63  }
0x403: {  	v3 =	vld [tilespmem:$0x10];
	_ =	sdelay $0x4  }
0x404: {  	v24 =	vshll.u32 v3, $0x1  }
0x405: {  	v3 =	vand.u32 $0x7, v3;
	v4 =	vand.u32 $0xFFFFFFF0, v24  }
0x406: {  	v3 =	vor.u32 v3, v4  }
0x407: {  	v4 =	vperm.xlane v3, v0;
	_ =	sdelay $0x1  }
0x408: {  	v3 =	vperm.xlane v3, v2;
	v4 =	vadd.s32 v1, v4;
	_ =	sdelay $0x1  }
0x409: {  	v3 =	vadd.s32 v1, v3;
	_ =	sdelay $0x1  }
0x40a: {  	s1 =	simm.s32 $0x1100  }
0x40b: {  	[tilespmem:s1], [sflag:$0x1] =	stream.indirect_vreg.gather [hbm4b:s3+s2], $0x80, v4, vm0, $0xb8;
	[tilespmem:$0x10980] =	vst v63  }
0x40c: {  	s8 =	simm.s32 $0x1900  }
0x40d: {  	[tilespmem:s8], [sflag:$0x1] =	stream.indirect_vreg.gather [hbm4b:s3+s2], $0x80, v3, vm0, $0xb8;
	[tilespmem:$0x10980] =	vst v63  }
0x40e: {  	v3 =	vld [tilespmem:$0x20];
	_ =	sdelay $0x4  }
0x40f: {  	v25 =	vshll.u32 v3, $0x1  }
0x410: {  	v3 =	vand.u32 $0x7, v3;
	v4 =	vand.u32 $0xFFFFFFF0, v25  }
0x411: {  	v3 =	vor.u32 v3, v4  }
0x412: {  	v4 =	vperm.xlane v3, v0;
	_ =	sdelay $0x1  }
0x413: {  	v3 =	vperm.xlane v3, v2;
	v4 =	vadd.s32 v1, v4;
	_ =	sdelay $0x1  }
0x414: {  	v3 =	vadd.s32 v1, v3;
	_ =	sdelay $0x1  }
0x415: {  	s4 =	simm.s32 $0x2100  }
0x416: {  	[tilespmem:s4], [sflag:$0x1] =	stream.indirect_vreg.gather [hbm4b:s3+s2], $0x80, v4, vm0, $0xb8;
	[tilespmem:$0x10980] =	vst v63  }
0x417: {  	s7 =	simm.s32 $0x2900  }
0x418: {  	[tilespmem:s7], [sflag:$0x1] =	stream.indirect_vreg.gather [hbm4b:s3+s2], $0x80, v3, vm0, $0xb8;
	[tilespmem:$0x10980] =	vst v63  }
0x419: {  	v3 =	vld [tilespmem:$0x30];
	_ =	sdelay $0x4  }
0x41a: {  	v26 =	vshll.u32 v3, $0x1  }
0x41b: {  	v3 =	vand.u32 $0x7, v3;
	v4 =	vand.u32 $0xFFFFFFF0, v26  }
0x41c: {  	v3 =	vor.u32 v3, v4  }
0x41d: {  	v4 =	vperm.xlane v3, v0;
	_ =	sdelay $0x1  }
0x41e: {  	v3 =	vperm.xlane v3, v2;
	v4 =	vadd.s32 v1, v4;
	_ =	sdelay $0x1  }
0x41f: {  	v3 =	vadd.s32 v1, v3;
	_ =	sdelay $0x1  }
0x420: {  	s4 =	simm.s32 $0x3100  }
0x421: {  	[tilespmem:s4], [sflag:$0x1] =	stream.indirect_vreg.gather [hbm4b:s3+s2], $0x80, v4, vm0, $0xb8;
	[tilespmem:$0x10980] =	vst v63  }
0x422: {  	s7 =	simm.s32 $0x3900  }
0x423: {  	[tilespmem:s7], [sflag:$0x1] =	stream.indirect_vreg.gather [hbm4b:s3+s2], $0x80, v3, vm0, $0xb8;
	[tilespmem:$0x10980] =	vst v63  }
0x424: {  	v3 =	vld [tilespmem:$0x40];
	_ =	sdelay $0x4  }
0x425: {  	v27 =	vshll.u32 v3, $0x1  }
0x426: {  	v3 =	vand.u32 $0x7, v3;
	v4 =	vand.u32 $0xFFFFFFF0, v27  }
0x427: {  	v3 =	vor.u32 v3, v4  }
0x428: {  	v4 =	vperm.xlane v3, v0;
	_ =	sdelay $0x1  }
0x429: {  	v3 =	vperm.xlane v3, v2;
	v4 =	vadd.s32 v1, v4;
	_ =	sdelay $0x1  }
0x42a: {  	v3 =	vadd.s32 v1, v3;
	_ =	sdelay $0x1  }
0x42b: {  	s5 =	simm.s32 $0x4100  }
0x42c: {  	[tilespmem:s5], [sflag:$0x1] =	stream.indirect_vreg.gather [hbm4b:s3+s2], $0x80, v4, vm0, $0xb8;
	[tilespmem:$0x10980] =	vst v63  }
0x42d: {  	s6 =	simm.s32 $0x4900  }
0x42e: {  	[tilespmem:s6], [sflag:$0x1] =	stream.indirect_vreg.gather [hbm4b:s3+s2], $0x80, v3, vm0, $0xb8;
	[tilespmem:$0x10980] =	vst v63  }
0x42f: {  	v3 =	vld [tilespmem:$0x50];
	_ =	sdelay $0x4  }
0x430: {  	v28 =	vshll.u32 v3, $0x1  }
0x431: {  	v3 =	vand.u32 $0x7, v3;
	v4 =	vand.u32 $0xFFFFFFF0, v28  }
0x432: {  	v3 =	vor.u32 v3, v4  }
0x433: {  	v4 =	vperm.xlane v3, v0;
	_ =	sdelay $0x1  }
0x434: {  	v3 =	vperm.xlane v3, v2;
	v4 =	vadd.s32 v1, v4;
	_ =	sdelay $0x1  }
0x435: {  	v3 =	vadd.s32 v1, v3;
	_ =	sdelay $0x1  }
0x436: {  	s5 =	simm.s32 $0x5100  }
0x437: {  	[tilespmem:s5], [sflag:$0x1] =	stream.indirect_vreg.gather [hbm4b:s3+s2], $0x80, v4, vm0, $0xb8;
	[tilespmem:$0x10980] =	vst v63  }
0x438: {  	s6 =	simm.s32 $0x5900  }
0x439: {  	[tilespmem:s6], [sflag:$0x1] =	stream.indirect_vreg.gather [hbm4b:s3+s2], $0x80, v3, vm0, $0xb8;
	[tilespmem:$0x10980] =	vst v63  }
0x43a: {  	v3 =	vld [tilespmem:$0x60];
	_ =	sdelay $0x4  }
0x43b: {  	v29 =	vshll.u32 v3, $0x1  }
0x43c: {  	v3 =	vand.u32 $0x7, v3;
	v4 =	vand.u32 $0xFFFFFFF0, v29  }
0x43d: {  	v3 =	vor.u32 v3, v4  }
0x43e: {  	v4 =	vperm.xlane v3, v0;
	_ =	sdelay $0x1  }
0x43f: {  	v3 =	vperm.xlane v3, v2;
	v4 =	vadd.s32 v1, v4;
	_ =	sdelay $0x1  }
0x440: {  	v3 =	vadd.s32 v1, v3;
	_ =	sdelay $0x1  }
0x441: {  	s0 =	simm.s32 $0x6100  }
0x442: {  	[tilespmem:s0], [sflag:$0x1] =	stream.indirect_vreg.gather [hbm4b:s3+s2], $0x80, v4, vm0, $0xb8;
	[tilespmem:$0x10980] =	vst v63  }
0x443: {  	s9 =	simm.s32 $0x6900  }
0x444: {  	[tilespmem:s9], [sflag:$0x1] =	stream.indirect_vreg.gather [hbm4b:s3+s2], $0x80, v3, vm0, $0xb8;
	[tilespmem:$0x10980] =	vst v63  }
0x445: {  	v3 =	vld [tilespmem:$0x70];
	_ =	sdelay $0x4  }
0x446: {  	v30 =	vshll.u32 v3, $0x1  }
0x447: {  	v3 =	vand.u32 $0x7, v3;
	v4 =	vand.u32 $0xFFFFFFF0, v30  }
0x448: {  	v3 =	vor.u32 v3, v4  }
0x449: {  	v4 =	vperm.xlane v3, v0;
	_ =	sdelay $0x1  }
0x44a: {  	v3 =	vperm.xlane v3, v2;
	v4 =	vadd.s32 v1, v4;
	_ =	sdelay $0x1  }
0x44b: {  	v3 =	vadd.s32 v1, v3;
	_ =	sdelay $0x1  }
0x44c: {  	s24 =	simm.s32 $0x7100  }
0x44d: {  	[tilespmem:s24], [sflag:$0x1] =	stream.indirect_vreg.gather [hbm4b:s3+s2], $0x80, v4, vm0, $0xb8;
	[tilespmem:$0x10980] =	vst v63  }
0x44e: {  	s24 =	simm.s32 $0x7900  }
0x44f: {  	[tilespmem:s24], [sflag:$0x1] =	stream.indirect_vreg.gather [hbm4b:s3+s2], $0x80, v3, vm0, $0xb8;
	[tilespmem:$0x10980] =	vst v63  }
0x450: {  	s24 =	simm.s32 $0x2  }
0x451: {  	_ =	swait.ge [sflag:s24], $0x8000  }
0x452: {  	[sflag:s24] =	ssyncset.done $0x0  }
0x453: {  	s14 =	rddreg [dreg:$0x11];
	[sflag:s24] =	ssyncadd.s32 $0xFFFF8000  }
0x454: {  	[hbm4b:s14+s2] =	stream.linear.scatter [tilespmem:s12], [sflag:$0x4], $0x8000, $0x38;
	[tilespmem:$0x10980] =	vst v63  }
0x455: {  	_ =	swait.ge [sflag:s22], $0x8000  }
0x456: {  	[sflag:s22] =	ssyncset.done $0x0  }
0x457: {  	s14 =	rddreg [dreg:$0x12];
	[sflag:s22] =	ssyncadd.s32 $0xFFFF8000  }
0x458: {  	[tilespmem:s10], [sflag:$0x4] =	stream.linear.gather [hbm4b:s14+s2], $0x80, $0x38;
	[tilespmem:$0x10980] =	vst v63  }
0x459: {  	_ =	swait.ge [sflag:s22], $0x80  }
0x45a: {  	[sflag:s22] =	ssyncset.done $0x0  }
0x45b: {  	[sflag:s22] =	ssyncadd.s32 $0xFFFFFF80  }
0x45c: {  	v3 =	vld [tilespmem:$0x80];
	_ =	sdelay $0x4  }
0x45d: {  	v31 =	vshll.u32 v3, $0x1  }
0x45e: {  	v3 =	vand.u32 $0x7, v3;
	v4 =	vand.u32 $0xFFFFFFF0, v31  }
0x45f: {  	v3 =	vor.u32 v3, v4  }
0x460: {  	v4 =	vperm.xlane v3, v0;
	_ =	sdelay $0x1  }
0x461: {  	v3 =	vperm.xlane v3, v2;
	v4 =	vadd.s32 v1, v4;
	_ =	sdelay $0x1  }
0x462: {  	v3 =	vadd.s32 v1, v3;
	_ =	sdelay $0x2  }
0x463: {  	[tilespmem:s12], [sflag:$0x2] =	stream.indirect_vreg.gather [hbm4b:s3+s2], $0x80, v4, vm0, $0xb8;
	[tilespmem:$0x10980] =	vst v63  }
0x464: {  	_ = 	snop  }
0x465: {  	[tilespmem:s19], [sflag:$0x2] =	stream.indirect_vreg.gather [hbm4b:s3+s2], $0x80, v3, vm0, $0xb8;
	[tilespmem:$0x10980] =	vst v63  }
0x466: {  	v3 =	vld [tilespmem:$0x90];
	_ =	sdelay $0x4  }
0x467: {  	v32 =	vshll.u32 v3, $0x1  }
0x468: {  	v3 =	vand.u32 $0x7, v3;
	v4 =	vand.u32 $0xFFFFFFF0, v32  }
0x469: {  	v3 =	vor.u32 v3, v4  }
0x46a: {  	v4 =	vperm.xlane v3, v0;
	_ =	sdelay $0x1  }
0x46b: {  	v3 =	vperm.xlane v3, v2;
	v4 =	vadd.s32 v1, v4;
	_ =	sdelay $0x1  }
0x46c: {  	v3 =	vadd.s32 v1, v3;
	_ =	sdelay $0x2  }
0x46d: {  	[tilespmem:s20], [sflag:$0x2] =	stream.indirect_vreg.gather [hbm4b:s3+s2], $0x80, v4, vm0, $0xb8;
	[tilespmem:$0x10980] =	vst v63  }
0x46e: {  	_ = 	snop  }
0x46f: {  	[tilespmem:s18], [sflag:$0x2] =	stream.indirect_vreg.gather [hbm4b:s3+s2], $0x80, v3, vm0, $0xb8;
	[tilespmem:$0x10980] =	vst v63  }
0x470: {  	v3 =	vld [tilespmem:$0xA0];
	_ =	sdelay $0x4  }
0x471: {  	v33 =	vshll.u32 v3, $0x1  }
0x472: {  	v3 =	vand.u32 $0x7, v3;
	v4 =	vand.u32 $0xFFFFFFF0, v33  }
0x473: {  	v3 =	vor.u32 v3, v4  }
0x474: {  	v4 =	vperm.xlane v3, v0;
	_ =	sdelay $0x1  }
0x475: {  	v3 =	vperm.xlane v3, v2;
	v4 =	vadd.s32 v1, v4;
	_ =	sdelay $0x1  }
0x476: {  	v3 =	vadd.s32 v1, v3;
	_ =	sdelay $0x2  }
0x477: {  	[tilespmem:s16], [sflag:$0x2] =	stream.indirect_vreg.gather [hbm4b:s3+s2], $0x80, v4, vm0, $0xb8;
	[tilespmem:$0x10980] =	vst v63  }
0x478: {  	_ = 	snop  }
0x479: {  	[tilespmem:s15], [sflag:$0x2] =	stream.indirect_vreg.gather [hbm4b:s3+s2], $0x80, v3, vm0, $0xb8;
	[tilespmem:$0x10980] =	vst v63  }
0x47a: {  	v3 =	vld [tilespmem:$0xB0];
	_ =	sdelay $0x4  }
0x47b: {  	v34 =	vshll.u32 v3, $0x1  }
0x47c: {  	v3 =	vand.u32 $0x7, v3;
	v4 =	vand.u32 $0xFFFFFFF0, v34  }
0x47d: {  	v3 =	vor.u32 v3, v4  }
0x47e: {  	v4 =	vperm.xlane v3, v0;
	_ =	sdelay $0x1  }
0x47f: {  	v3 =	vperm.xlane v3, v2;
	v4 =	vadd.s32 v1, v4;
	_ =	sdelay $0x1  }
0x480: {  	v3 =	vadd.s32 v1, v3;
	_ =	sdelay $0x1  }
0x481: {  	s14 =	simm.s32 $0xB100  }
0x482: {  	[tilespmem:s14], [sflag:$0x2] =	stream.indirect_vreg.gather [hbm4b:s3+s2], $0x80, v4, vm0, $0xb8;
	[tilespmem:$0x10980] =	vst v63  }
0x483: {  	_ = 	snop  }
0x484: {  	[tilespmem:s21], [sflag:$0x2] =	stream.indirect_vreg.gather [hbm4b:s3+s2], $0x80, v3, vm0, $0xb8;
	[tilespmem:$0x10980] =	vst v63  }
0x485: {  	v3 =	vld [tilespmem:$0xC0];
	_ =	sdelay $0x4  }
0x486: {  	v35 =	vshll.u32 v3, $0x1  }
0x487: {  	v3 =	vand.u32 $0x7, v3;
	v4 =	vand.u32 $0xFFFFFFF0, v35  }
0x488: {  	v3 =	vor.u32 v3, v4  }
0x489: {  	v4 =	vperm.xlane v3, v0;
	_ =	sdelay $0x1  }
0x48a: {  	v3 =	vperm.xlane v3, v2;
	v4 =	vadd.s32 v1, v4;
	_ =	sdelay $0x1  }
0x48b: {  	v3 =	vadd.s32 v1, v3;
	_ =	sdelay $0x2  }
0x48c: {  	[tilespmem:s31], [sflag:$0x2] =	stream.indirect_vreg.gather [hbm4b:s3+s2], $0x80, v4, vm0, $0xb8;
	[tilespmem:$0x10980] =	vst v63  }
0x48d: {  	_ = 	snop  }
0x48e: {  	[tilespmem:s30], [sflag:$0x2] =	stream.indirect_vreg.gather [hbm4b:s3+s2], $0x80, v3, vm0, $0xb8;
	[tilespmem:$0x10980] =	vst v63  }
0x48f: {  	v3 =	vld [tilespmem:$0xD0];
	_ =	sdelay $0x4  }
0x490: {  	v36 =	vshll.u32 v3, $0x1  }
0x491: {  	v3 =	vand.u32 $0x7, v3;
	v4 =	vand.u32 $0xFFFFFFF0, v36  }
0x492: {  	v3 =	vor.u32 v3, v4  }
0x493: {  	v4 =	vperm.xlane v3, v0;
	_ =	sdelay $0x1  }
0x494: {  	v3 =	vperm.xlane v3, v2;
	v4 =	vadd.s32 v1, v4;
	_ =	sdelay $0x1  }
0x495: {  	v3 =	vadd.s32 v1, v3;
	_ =	sdelay $0x2  }
0x496: {  	[tilespmem:s29], [sflag:$0x2] =	stream.indirect_vreg.gather [hbm4b:s3+s2], $0x80, v4, vm0, $0xb8;
	[tilespmem:$0x10980] =	vst v63  }
0x497: {  	_ = 	snop  }
0x498: {  	[tilespmem:s13], [sflag:$0x2] =	stream.indirect_vreg.gather [hbm4b:s3+s2], $0x80, v3, vm0, $0xb8;
	[tilespmem:$0x10980] =	vst v63  }
0x499: {  	v3 =	vld [tilespmem:$0xE0];
	_ =	sdelay $0x4  }
0x49a: {  	v37 =	vshll.u32 v3, $0x1  }
0x49b: {  	v3 =	vand.u32 $0x7, v3;
	v4 =	vand.u32 $0xFFFFFFF0, v37  }
0x49c: {  	v3 =	vor.u32 v3, v4  }
0x49d: {  	v4 =	vperm.xlane v3, v0;
	_ =	sdelay $0x1  }
0x49e: {  	v3 =	vperm.xlane v3, v2;
	v4 =	vadd.s32 v1, v4;
	_ =	sdelay $0x1  }
0x49f: {  	v3 =	vadd.s32 v1, v3;
	_ =	sdelay $0x2  }
0x4a0: {  	[tilespmem:s23], [sflag:$0x2] =	stream.indirect_vreg.gather [hbm4b:s3+s2], $0x80, v4, vm0, $0xb8;
	[tilespmem:$0x10980] =	vst v63  }
0x4a1: {  	_ = 	snop  }
0x4a2: {  	[tilespmem:s25], [sflag:$0x2] =	stream.indirect_vreg.gather [hbm4b:s3+s2], $0x80, v3, vm0, $0xb8;
	[tilespmem:$0x10980] =	vst v63  }
0x4a3: {  	v3 =	vld [tilespmem:$0xF0];
	_ =	sdelay $0x4  }
0x4a4: {  	v38 =	vshll.u32 v3, $0x1  }
0x4a5: {  	v3 =	vand.u32 $0x7, v3;
	v4 =	vand.u32 $0xFFFFFFF0, v38  }
0x4a6: {  	v3 =	vor.u32 v3, v4  }
0x4a7: {  	v4 =	vperm.xlane v3, v0;
	_ =	sdelay $0x1  }
0x4a8: {  	v3 =	vperm.xlane v3, v2;
	v4 =	vadd.s32 v1, v4;
	_ =	sdelay $0x1  }
0x4a9: {  	v3 =	vadd.s32 v1, v3;
	_ =	sdelay $0x2  }
0x4aa: {  	[tilespmem:s11], [sflag:$0x2] =	stream.indirect_vreg.gather [hbm4b:s3+s2], $0x80, v4, vm0, $0xb8;
	[tilespmem:$0x10980] =	vst v63  }
0x4ab: {  	_ = 	snop  }
0x4ac: {  	[tilespmem:s17], [sflag:$0x2] =	stream.indirect_vreg.gather [hbm4b:s3+s2], $0x80, v3, vm0, $0xb8;
	[tilespmem:$0x10980] =	vst v63  }
0x4ad: {  	_ =	swait.ge [sflag:s26], $0x8000  }
0x4ae: {  	[sflag:s26] =	ssyncset.done $0x0  }
0x4af: {  	s14 =	rddreg [dreg:$0x13];
	[sflag:s26] =	ssyncadd.s32 $0xFFFF8000  }
0x4b0: {  	[hbm4b:s14+s2] =	stream.linear.scatter [tilespmem:s28], [sflag:$0x4], $0x8000, $0x38;
	[tilespmem:$0x10980] =	vst v63  }
0x4b1: {  	_ =	swait.ge [sflag:s22], $0x8000  }
0x4b2: {  	[sflag:s22] =	ssyncset.done $0x0  }
0x4b3: {  	s14 =	rddreg [dreg:$0x14];
	[sflag:s22] =	ssyncadd.s32 $0xFFFF8000  }
0x4b4: {  	[tilespmem:s2], [sflag:$0x4] =	stream.linear.gather [hbm4b:s14+s2], $0x80, $0x38;
	[tilespmem:$0x10980] =	vst v63  }
0x4b5: {  	_ =	swait.ge [sflag:s22], $0x80  }
0x4b6: {  	[sflag:s22] =	ssyncset.done $0x0  }
0x4b7: {  	[sflag:s22] =	ssyncadd.s32 $0xFFFFFF80  }
0x4b8: {  	v3 =	vld [tilespmem:$0x0];
	_ =	sdelay $0x4  }
0x4b9: {  	v39 =	vshll.u32 v3, $0x1  }
0x4ba: {  	v3 =	vand.u32 $0x7, v3;
	v4 =	vand.u32 $0xFFFFFFF0, v39  }
0x4bb: {  	v3 =	vor.u32 v3, v4  }
0x4bc: {  	v4 =	vperm.xlane v3, v0;
	_ =	sdelay $0x1  }
0x4bd: {  	v3 =	vperm.xlane v3, v2;
	v4 =	vadd.s32 v1, v4;
	_ =	sdelay $0x1  }
0x4be: {  	v3 =	vadd.s32 v1, v3;
	_ =	sdelay $0x2  }
0x4bf: {  	[tilespmem:s28], [sflag:$0x1] =	stream.indirect_vreg.gather [hbm4b:s3+s2], $0x80, v4, vm0, $0xb8;
	[tilespmem:$0x10980] =	vst v63  }
0x4c0: {  	s14 =	simm.s32 $0x900  }
0x4c1: {  	[tilespmem:s14], [sflag:$0x1] =	stream.indirect_vreg.gather [hbm4b:s3+s2], $0x80, v3, vm0, $0xb8;
	[tilespmem:$0x10980] =	vst v63  }
0x4c2: {  	v3 =	vld [tilespmem:$0x10];
	_ =	sdelay $0x4  }
0x4c3: {  	v40 =	vshll.u32 v3, $0x1  }
0x4c4: {  	v3 =	vand.u32 $0x7, v3;
	v4 =	vand.u32 $0xFFFFFFF0, v40  }
0x4c5: {  	v3 =	vor.u32 v3, v4  }
0x4c6: {  	v4 =	vperm.xlane v3, v0;
	_ =	sdelay $0x1  }
0x4c7: {  	v3 =	vperm.xlane v3, v2;
	v4 =	vadd.s32 v1, v4;
	_ =	sdelay $0x1  }
0x4c8: {  	v3 =	vadd.s32 v1, v3;
	_ =	sdelay $0x2  }
0x4c9: {  	[tilespmem:s1], [sflag:$0x1] =	stream.indirect_vreg.gather [hbm4b:s3+s2], $0x80, v4, vm0, $0xb8;
	[tilespmem:$0x10980] =	vst v63  }
0x4ca: {  	_ = 	snop  }
0x4cb: {  	[tilespmem:s8], [sflag:$0x1] =	stream.indirect_vreg.gather [hbm4b:s3+s2], $0x80, v3, vm0, $0xb8;
	[tilespmem:$0x10980] =	vst v63  }
0x4cc: {  	v3 =	vld [tilespmem:$0x20];
	_ =	sdelay $0x4  }
0x4cd: {  	v41 =	vshll.u32 v3, $0x1  }
0x4ce: {  	v3 =	vand.u32 $0x7, v3;
	v4 =	vand.u32 $0xFFFFFFF0, v41  }
0x4cf: {  	v3 =	vor.u32 v3, v4  }
0x4d0: {  	v4 =	vperm.xlane v3, v0;
	_ =	sdelay $0x1  }
0x4d1: {  	v3 =	vperm.xlane v3, v2;
	v4 =	vadd.s32 v1, v4;
	_ =	sdelay $0x1  }
0x4d2: {  	v3 =	vadd.s32 v1, v3;
	_ =	sdelay $0x1  }
0x4d3: {  	s14 =	simm.s32 $0x2100  }
0x4d4: {  	[tilespmem:s14], [sflag:$0x1] =	stream.indirect_vreg.gather [hbm4b:s3+s2], $0x80, v4, vm0, $0xb8;
	[tilespmem:$0x10980] =	vst v63  }
0x4d5: {  	s14 =	simm.s32 $0x2900  }
0x4d6: {  	[tilespmem:s14], [sflag:$0x1] =	stream.indirect_vreg.gather [hbm4b:s3+s2], $0x80, v3, vm0, $0xb8;
	[tilespmem:$0x10980] =	vst v63  }
0x4d7: {  	v3 =	vld [tilespmem:$0x30];
	_ =	sdelay $0x4  }
0x4d8: {  	v42 =	vshll.u32 v3, $0x1  }
0x4d9: {  	v3 =	vand.u32 $0x7, v3;
	v4 =	vand.u32 $0xFFFFFFF0, v42  }
0x4da: {  	v3 =	vor.u32 v3, v4  }
0x4db: {  	v4 =	vperm.xlane v3, v0;
	_ =	sdelay $0x1  }
0x4dc: {  	v3 =	vperm.xlane v3, v2;
	v4 =	vadd.s32 v1, v4;
	_ =	sdelay $0x1  }
0x4dd: {  	v3 =	vadd.s32 v1, v3;
	_ =	sdelay $0x2  }
0x4de: {  	[tilespmem:s4], [sflag:$0x1] =	stream.indirect_vreg.gather [hbm4b:s3+s2], $0x80, v4, vm0, $0xb8;
	[tilespmem:$0x10980] =	vst v63  }
0x4df: {  	_ = 	snop  }
0x4e0: {  	[tilespmem:s7], [sflag:$0x1] =	stream.indirect_vreg.gather [hbm4b:s3+s2], $0x80, v3, vm0, $0xb8;
	[tilespmem:$0x10980] =	vst v63  }
0x4e1: {  	v3 =	vld [tilespmem:$0x40];
	_ =	sdelay $0x4  }
0x4e2: {  	v43 =	vshll.u32 v3, $0x1  }
0x4e3: {  	v3 =	vand.u32 $0x7, v3;
	v4 =	vand.u32 $0xFFFFFFF0, v43  }
0x4e4: {  	v3 =	vor.u32 v3, v4  }
0x4e5: {  	v4 =	vperm.xlane v3, v0;
	_ =	sdelay $0x1  }
0x4e6: {  	v3 =	vperm.xlane v3, v2;
	v4 =	vadd.s32 v1, v4;
	_ =	sdelay $0x1  }
0x4e7: {  	v3 =	vadd.s32 v1, v3;
	_ =	sdelay $0x1  }
0x4e8: {  	s14 =	simm.s32 $0x4100  }
0x4e9: {  	[tilespmem:s14], [sflag:$0x1] =	stream.indirect_vreg.gather [hbm4b:s3+s2], $0x80, v4, vm0, $0xb8;
	[tilespmem:$0x10980] =	vst v63  }
0x4ea: {  	s14 =	simm.s32 $0x4900  }
0x4eb: {  	[tilespmem:s14], [sflag:$0x1] =	stream.indirect_vreg.gather [hbm4b:s3+s2], $0x80, v3, vm0, $0xb8;
	[tilespmem:$0x10980] =	vst v63  }
0x4ec: {  	v3 =	vld [tilespmem:$0x50];
	_ =	sdelay $0x4  }
0x4ed: {  	v44 =	vshll.u32 v3, $0x1  }
0x4ee: {  	v3 =	vand.u32 $0x7, v3;
	v4 =	vand.u32 $0xFFFFFFF0, v44  }
0x4ef: {  	v3 =	vor.u32 v3, v4  }
0x4f0: {  	v4 =	vperm.xlane v3, v0;
	_ =	sdelay $0x1  }
0x4f1: {  	v3 =	vperm.xlane v3, v2;
	v4 =	vadd.s32 v1, v4;
	_ =	sdelay $0x1  }
0x4f2: {  	v3 =	vadd.s32 v1, v3;
	_ =	sdelay $0x2  }
0x4f3: {  	[tilespmem:s5], [sflag:$0x1] =	stream.indirect_vreg.gather [hbm4b:s3+s2], $0x80, v4, vm0, $0xb8;
	[tilespmem:$0x10980] =	vst v63  }
0x4f4: {  	_ = 	snop  }
0x4f5: {  	[tilespmem:s6], [sflag:$0x1] =	stream.indirect_vreg.gather [hbm4b:s3+s2], $0x80, v3, vm0, $0xb8;
	[tilespmem:$0x10980] =	vst v63  }
0x4f6: {  	v3 =	vld [tilespmem:$0x60];
	_ =	sdelay $0x4  }
0x4f7: {  	v45 =	vshll.u32 v3, $0x1  }
0x4f8: {  	v3 =	vand.u32 $0x7, v3;
	v4 =	vand.u32 $0xFFFFFFF0, v45  }
0x4f9: {  	v3 =	vor.u32 v3, v4  }
0x4fa: {  	v4 =	vperm.xlane v3, v0;
	_ =	sdelay $0x1  }
0x4fb: {  	v3 =	vperm.xlane v3, v2;
	v4 =	vadd.s32 v1, v4;
	_ =	sdelay $0x1  }
0x4fc: {  	v3 =	vadd.s32 v1, v3;
	_ =	sdelay $0x2  }
0x4fd: {  	[tilespmem:s0], [sflag:$0x1] =	stream.indirect_vreg.gather [hbm4b:s3+s2], $0x80, v4, vm0, $0xb8;
	[tilespmem:$0x10980] =	vst v63  }
0x4fe: {  	_ = 	snop  }
0x4ff: {  	[tilespmem:s9], [sflag:$0x1] =	stream.indirect_vreg.gather [hbm4b:s3+s2], $0x80, v3, vm0, $0xb8;
	[tilespmem:$0x10980] =	vst v63  }
0x500: {  	v3 =	vld [tilespmem:$0x70];
	_ =	sdelay $0x4  }
0x501: {  	v46 =	vshll.u32 v3, $0x1  }
0x502: {  	v3 =	vand.u32 $0x7, v3;
	v4 =	vand.u32 $0xFFFFFFF0, v46  }
0x503: {  	v3 =	vor.u32 v3, v4  }
0x504: {  	v4 =	vperm.xlane v3, v0;
	_ =	sdelay $0x1  }
0x505: {  	v3 =	vperm.xlane v3, v2;
	v4 =	vadd.s32 v1, v4;
	_ =	sdelay $0x1  }
0x506: {  	v3 =	vadd.s32 v1, v3;
	_ =	sdelay $0x1  }
0x507: {  	s14 =	simm.s32 $0x7100  }
0x508: {  	[tilespmem:s14], [sflag:$0x1] =	stream.indirect_vreg.gather [hbm4b:s3+s2], $0x80, v4, vm0, $0xb8;
	[tilespmem:$0x10980] =	vst v63  }
0x509: {  	s14 =	simm.s32 $0x7900  }
0x50a: {  	[tilespmem:s14], [sflag:$0x1] =	stream.indirect_vreg.gather [hbm4b:s3+s2], $0x80, v3, vm0, $0xb8;
	[tilespmem:$0x10980] =	vst v63  }
0x50b: {  	_ =	swait.ge [sflag:s24], $0x8000  }
0x50c: {  	[sflag:s24] =	ssyncset.done $0x0  }
0x50d: {  	s14 =	rddreg [dreg:$0x15];
	[sflag:s24] =	ssyncadd.s32 $0xFFFF8000  }
0x50e: {  	[hbm4b:s14+s2] =	stream.linear.scatter [tilespmem:s12], [sflag:$0x4], $0x8000, $0x38;
	[tilespmem:$0x10980] =	vst v63  }
0x50f: {  	_ =	swait.ge [sflag:s22], $0x8000  }
0x510: {  	[sflag:s22] =	ssyncset.done $0x0  }
0x511: {  	s14 =	rddreg [dreg:$0x16];
	[sflag:s22] =	ssyncadd.s32 $0xFFFF8000  }
0x512: {  	[tilespmem:s10], [sflag:$0x4] =	stream.linear.gather [hbm4b:s14+s2], $0x80, $0x38;
	[tilespmem:$0x10980] =	vst v63  }
0x513: {  	_ =	swait.ge [sflag:s22], $0x80  }
0x514: {  	[sflag:s22] =	ssyncset.done $0x0  }
0x515: {  	[sflag:s22] =	ssyncadd.s32 $0xFFFFFF80  }
0x516: {  	v3 =	vld [tilespmem:$0x80];
	_ =	sdelay $0x4  }
0x517: {  	v47 =	vshll.u32 v3, $0x1  }
0x518: {  	v3 =	vand.u32 $0x7, v3;
	v4 =	vand.u32 $0xFFFFFFF0, v47  }
0x519: {  	v3 =	vor.u32 v3, v4  }
0x51a: {  	v4 =	vperm.xlane v3, v0;
	_ =	sdelay $0x1  }
0x51b: {  	v3 =	vperm.xlane v3, v2;
	v4 =	vadd.s32 v1, v4;
	_ =	sdelay $0x1  }
0x51c: {  	v3 =	vadd.s32 v1, v3;
	_ =	sdelay $0x2  }
0x51d: {  	[tilespmem:s12], [sflag:$0x2] =	stream.indirect_vreg.gather [hbm4b:s3+s2], $0x80, v4, vm0, $0xb8;
	[tilespmem:$0x10980] =	vst v63  }
0x51e: {  	_ = 	snop  }
0x51f: {  	[tilespmem:s19], [sflag:$0x2] =	stream.indirect_vreg.gather [hbm4b:s3+s2], $0x80, v3, vm0, $0xb8;
	[tilespmem:$0x10980] =	vst v63  }
0x520: {  	v3 =	vld [tilespmem:$0x90];
	_ =	sdelay $0x4  }
0x521: {  	v48 =	vshll.u32 v3, $0x1  }
0x522: {  	v3 =	vand.u32 $0x7, v3;
	v4 =	vand.u32 $0xFFFFFFF0, v48  }
0x523: {  	v3 =	vor.u32 v3, v4  }
0x524: {  	v4 =	vperm.xlane v3, v0;
	_ =	sdelay $0x1  }
0x525: {  	v3 =	vperm.xlane v3, v2;
	v4 =	vadd.s32 v1, v4;
	_ =	sdelay $0x1  }
0x526: {  	v3 =	vadd.s32 v1, v3;
	_ =	sdelay $0x2  }
0x527: {  	[tilespmem:s20], [sflag:$0x2] =	stream.indirect_vreg.gather [hbm4b:s3+s2], $0x80, v4, vm0, $0xb8;
	[tilespmem:$0x10980] =	vst v63  }
0x528: {  	_ = 	snop  }
0x529: {  	[tilespmem:s18], [sflag:$0x2] =	stream.indirect_vreg.gather [hbm4b:s3+s2], $0x80, v3, vm0, $0xb8;
	[tilespmem:$0x10980] =	vst v63  }
0x52a: {  	v3 =	vld [tilespmem:$0xA0];
	_ =	sdelay $0x4  }
0x52b: {  	v49 =	vshll.u32 v3, $0x1  }
0x52c: {  	v3 =	vand.u32 $0x7, v3;
	v4 =	vand.u32 $0xFFFFFFF0, v49  }
0x52d: {  	v3 =	vor.u32 v3, v4  }
0x52e: {  	v4 =	vperm.xlane v3, v0;
	_ =	sdelay $0x1  }
0x52f: {  	v3 =	vperm.xlane v3, v2;
	v4 =	vadd.s32 v1, v4;
	_ =	sdelay $0x1  }
0x530: {  	v3 =	vadd.s32 v1, v3;
	_ =	sdelay $0x2  }
0x531: {  	[tilespmem:s16], [sflag:$0x2] =	stream.indirect_vreg.gather [hbm4b:s3+s2], $0x80, v4, vm0, $0xb8;
	[tilespmem:$0x10980] =	vst v63  }
0x532: {  	_ = 	snop  }
0x533: {  	[tilespmem:s15], [sflag:$0x2] =	stream.indirect_vreg.gather [hbm4b:s3+s2], $0x80, v3, vm0, $0xb8;
	[tilespmem:$0x10980] =	vst v63  }
0x534: {  	v3 =	vld [tilespmem:$0xB0];
	_ =	sdelay $0x4  }
0x535: {  	v50 =	vshll.u32 v3, $0x1  }
0x536: {  	v3 =	vand.u32 $0x7, v3;
	v4 =	vand.u32 $0xFFFFFFF0, v50  }
0x537: {  	v3 =	vor.u32 v3, v4  }
0x538: {  	v4 =	vperm.xlane v3, v0;
	_ =	sdelay $0x1  }
0x539: {  	v3 =	vperm.xlane v3, v2;
	v4 =	vadd.s32 v1, v4;
	_ =	sdelay $0x1  }
0x53a: {  	v3 =	vadd.s32 v1, v3;
	_ =	sdelay $0x1  }
0x53b: {  	s20 =	simm.s32 $0xB100  }
0x53c: {  	[tilespmem:s20], [sflag:$0x2] =	stream.indirect_vreg.gather [hbm4b:s3+s2], $0x80, v4, vm0, $0xb8;
	[tilespmem:$0x10980] =	vst v63  }
0x53d: {  	_ = 	snop  }
0x53e: {  	[tilespmem:s21], [sflag:$0x2] =	stream.indirect_vreg.gather [hbm4b:s3+s2], $0x80, v3, vm0, $0xb8;
	[tilespmem:$0x10980] =	vst v63  }
0x53f: {  	v3 =	vld [tilespmem:$0xC0];
	_ =	sdelay $0x4  }
0x540: {  	v51 =	vshll.u32 v3, $0x1  }
0x541: {  	v3 =	vand.u32 $0x7, v3;
	v4 =	vand.u32 $0xFFFFFFF0, v51  }
0x542: {  	v3 =	vor.u32 v3, v4  }
0x543: {  	v4 =	vperm.xlane v3, v0;
	_ =	sdelay $0x1  }
0x544: {  	v3 =	vperm.xlane v3, v2;
	v4 =	vadd.s32 v1, v4;
	_ =	sdelay $0x1  }
0x545: {  	v3 =	vadd.s32 v1, v3;
	_ =	sdelay $0x2  }
0x546: {  	[tilespmem:s31], [sflag:$0x2] =	stream.indirect_vreg.gather [hbm4b:s3+s2], $0x80, v4, vm0, $0xb8;
	[tilespmem:$0x10980] =	vst v63  }
0x547: {  	_ = 	snop  }
0x548: {  	[tilespmem:s30], [sflag:$0x2] =	stream.indirect_vreg.gather [hbm4b:s3+s2], $0x80, v3, vm0, $0xb8;
	[tilespmem:$0x10980] =	vst v63  }
0x549: {  	v3 =	vld [tilespmem:$0xD0];
	_ =	sdelay $0x4  }
0x54a: {  	v52 =	vshll.u32 v3, $0x1  }
0x54b: {  	v3 =	vand.u32 $0x7, v3;
	v4 =	vand.u32 $0xFFFFFFF0, v52  }
0x54c: {  	v3 =	vor.u32 v3, v4  }
0x54d: {  	v4 =	vperm.xlane v3, v0;
	_ =	sdelay $0x1  }
0x54e: {  	v3 =	vperm.xlane v3, v2;
	v4 =	vadd.s32 v1, v4;
	_ =	sdelay $0x1  }
0x54f: {  	v3 =	vadd.s32 v1, v3;
	_ =	sdelay $0x2  }
0x550: {  	[tilespmem:s29], [sflag:$0x2] =	stream.indirect_vreg.gather [hbm4b:s3+s2], $0x80, v4, vm0, $0xb8;
	[tilespmem:$0x10980] =	vst v63  }
0x551: {  	_ = 	snop  }
0x552: {  	[tilespmem:s13], [sflag:$0x2] =	stream.indirect_vreg.gather [hbm4b:s3+s2], $0x80, v3, vm0, $0xb8;
	[tilespmem:$0x10980] =	vst v63  }
0x553: {  	v3 =	vld [tilespmem:$0xE0];
	_ =	sdelay $0x4  }
0x554: {  	v53 =	vshll.u32 v3, $0x1  }
0x555: {  	v3 =	vand.u32 $0x7, v3;
	v4 =	vand.u32 $0xFFFFFFF0, v53  }
0x556: {  	v3 =	vor.u32 v3, v4  }
0x557: {  	v4 =	vperm.xlane v3, v0;
	_ =	sdelay $0x1  }
0x558: {  	v3 =	vperm.xlane v3, v2;
	v4 =	vadd.s32 v1, v4;
	_ =	sdelay $0x1  }
0x559: {  	v3 =	vadd.s32 v1, v3;
	_ =	sdelay $0x2  }
0x55a: {  	[tilespmem:s23], [sflag:$0x2] =	stream.indirect_vreg.gather [hbm4b:s3+s2], $0x80, v4, vm0, $0xb8;
	[tilespmem:$0x10980] =	vst v63  }
0x55b: {  	_ = 	snop  }
0x55c: {  	[tilespmem:s25], [sflag:$0x2] =	stream.indirect_vreg.gather [hbm4b:s3+s2], $0x80, v3, vm0, $0xb8;
	[tilespmem:$0x10980] =	vst v63  }
0x55d: {  	v3 =	vld [tilespmem:$0xF0];
	_ =	sdelay $0x4  }
0x55e: {  	v54 =	vshll.u32 v3, $0x1  }
0x55f: {  	v3 =	vand.u32 $0x7, v3;
	v4 =	vand.u32 $0xFFFFFFF0, v54  }
0x560: {  	v3 =	vor.u32 v3, v4  }
0x561: {  	v4 =	vperm.xlane v3, v0;
	_ =	sdelay $0x1  }
0x562: {  	v3 =	vperm.xlane v3, v2;
	v4 =	vadd.s32 v1, v4;
	_ =	sdelay $0x1  }
0x563: {  	v3 =	vadd.s32 v1, v3;
	_ =	sdelay $0x2  }
0x564: {  	[tilespmem:s11], [sflag:$0x2] =	stream.indirect_vreg.gather [hbm4b:s3+s2], $0x80, v4, vm0, $0xb8;
	[tilespmem:$0x10980] =	vst v63  }
0x565: {  	_ = 	snop  }
0x566: {  	[tilespmem:s17], [sflag:$0x2] =	stream.indirect_vreg.gather [hbm4b:s3+s2], $0x80, v3, vm0, $0xb8;
	[tilespmem:$0x10980] =	vst v63  }
0x567: {  	_ =	swait.ge [sflag:s26], $0x8000  }
0x568: {  	[sflag:s26] =	ssyncset.done $0x0  }
0x569: {  	s31 =	rddreg [dreg:$0x17];
	[sflag:s26] =	ssyncadd.s32 $0xFFFF8000  }
0x56a: {  	[hbm4b:s31+s2] =	stream.linear.scatter [tilespmem:s28], [sflag:$0x4], $0x8000, $0x38;
	[tilespmem:$0x10980] =	vst v63  }
0x56b: {  	_ =	swait.ge [sflag:s22], $0x8000  }
0x56c: {  	[sflag:s22] =	ssyncset.done $0x0  }
0x56d: {  	s10 =	rddreg [dreg:$0x18];
	[sflag:s22] =	ssyncadd.s32 $0xFFFF8000  }
0x56e: {  	[tilespmem:s2], [sflag:$0x4] =	stream.linear.gather [hbm4b:s10+s2], $0x80, $0x38;
	[tilespmem:$0x10980] =	vst v63  }
0x56f: {  	_ =	swait.ge [sflag:s22], $0x80  }
0x570: {  	[sflag:s22] =	ssyncset.done $0x0  }
0x571: {  	[sflag:s22] =	ssyncadd.s32 $0xFFFFFF80  }
0x572: {  	v3 =	vld [tilespmem:$0x0];
	_ =	sdelay $0x4  }
0x573: {  	v55 =	vshll.u32 v3, $0x1  }
0x574: {  	v3 =	vand.u32 $0x7, v3;
	v4 =	vand.u32 $0xFFFFFFF0, v55  }
0x575: {  	v3 =	vor.u32 v3, v4  }
0x576: {  	v4 =	vperm.xlane v3, v0;
	_ =	sdelay $0x1  }
0x577: {  	v3 =	vperm.xlane v3, v2;
	v4 =	vadd.s32 v1, v4;
	_ =	sdelay $0x1  }
0x578: {  	v3 =	vadd.s32 v1, v3;
	_ =	sdelay $0x2  }
0x579: {  	[tilespmem:s28], [sflag:$0x1] =	stream.indirect_vreg.gather [hbm4b:s3+s2], $0x80, v4, vm0, $0xb8;
	[tilespmem:$0x10980] =	vst v63  }
0x57a: {  	s11 =	simm.s32 $0x900  }
0x57b: {  	[tilespmem:s11], [sflag:$0x1] =	stream.indirect_vreg.gather [hbm4b:s3+s2], $0x80, v3, vm0, $0xb8;
	[tilespmem:$0x10980] =	vst v63  }
0x57c: {  	v3 =	vld [tilespmem:$0x10];
	_ =	sdelay $0x4  }
0x57d: {  	v56 =	vshll.u32 v3, $0x1  }
0x57e: {  	v3 =	vand.u32 $0x7, v3;
	v4 =	vand.u32 $0xFFFFFFF0, v56  }
0x57f: {  	v3 =	vor.u32 v3, v4  }
0x580: {  	v4 =	vperm.xlane v3, v0;
	_ =	sdelay $0x1  }
0x581: {  	v3 =	vperm.xlane v3, v2;
	v4 =	vadd.s32 v1, v4;
	_ =	sdelay $0x1  }
0x582: {  	v3 =	vadd.s32 v1, v3;
	_ =	sdelay $0x1  }
0x583: {  	s1 =	simm.s32 $0x1100  }
0x584: {  	[tilespmem:s1], [sflag:$0x1] =	stream.indirect_vreg.gather [hbm4b:s3+s2], $0x80, v4, vm0, $0xb8;
	[tilespmem:$0x10980] =	vst v63  }
0x585: {  	s8 =	simm.s32 $0x1900  }
0x586: {  	[tilespmem:s8], [sflag:$0x1] =	stream.indirect_vreg.gather [hbm4b:s3+s2], $0x80, v3, vm0, $0xb8;
	[tilespmem:$0x10980] =	vst v63  }
0x587: {  	v3 =	vld [tilespmem:$0x20];
	_ =	sdelay $0x4  }
0x588: {  	v57 =	vshll.u32 v3, $0x1  }
0x589: {  	v3 =	vand.u32 $0x7, v3;
	v4 =	vand.u32 $0xFFFFFFF0, v57  }
0x58a: {  	v3 =	vor.u32 v3, v4  }
0x58b: {  	v4 =	vperm.xlane v3, v0;
	_ =	sdelay $0x1  }
0x58c: {  	v3 =	vperm.xlane v3, v2;
	v4 =	vadd.s32 v1, v4;
	_ =	sdelay $0x1  }
0x58d: {  	v3 =	vadd.s32 v1, v3;
	_ =	sdelay $0x1  }
0x58e: {  	s13 =	simm.s32 $0x2100  }
0x58f: {  	[tilespmem:s13], [sflag:$0x1] =	stream.indirect_vreg.gather [hbm4b:s3+s2], $0x80, v4, vm0, $0xb8;
	[tilespmem:$0x10980] =	vst v63  }
0x590: {  	s14 =	simm.s32 $0x2900  }
0x591: {  	[tilespmem:s14], [sflag:$0x1] =	stream.indirect_vreg.gather [hbm4b:s3+s2], $0x80, v3, vm0, $0xb8;
	[tilespmem:$0x10980] =	vst v63  }
0x592: {  	v3 =	vld [tilespmem:$0x30];
	_ =	sdelay $0x4  }
0x593: {  	v58 =	vshll.u32 v3, $0x1  }
0x594: {  	v3 =	vand.u32 $0x7, v3;
	v4 =	vand.u32 $0xFFFFFFF0, v58  }
0x595: {  	v3 =	vor.u32 v3, v4  }
0x596: {  	v4 =	vperm.xlane v3, v0;
	_ =	sdelay $0x1  }
0x597: {  	v3 =	vperm.xlane v3, v2;
	v4 =	vadd.s32 v1, v4;
	_ =	sdelay $0x1  }
0x598: {  	v3 =	vadd.s32 v1, v3;
	_ =	sdelay $0x1  }
0x599: {  	s4 =	simm.s32 $0x3100  }
0x59a: {  	[tilespmem:s4], [sflag:$0x1] =	stream.indirect_vreg.gather [hbm4b:s3+s2], $0x80, v4, vm0, $0xb8;
	[tilespmem:$0x10980] =	vst v63  }
0x59b: {  	s7 =	simm.s32 $0x3900  }
0x59c: {  	[tilespmem:s7], [sflag:$0x1] =	stream.indirect_vreg.gather [hbm4b:s3+s2], $0x80, v3, vm0, $0xb8;
	[tilespmem:$0x10980] =	vst v63  }
0x59d: {  	v3 =	vld [tilespmem:$0x40];
	_ =	sdelay $0x4  }
0x59e: {  	v59 =	vshll.u32 v3, $0x1  }
0x59f: {  	v3 =	vand.u32 $0x7, v3;
	v4 =	vand.u32 $0xFFFFFFF0, v59  }
0x5a0: {  	v3 =	vor.u32 v3, v4  }
0x5a1: {  	v4 =	vperm.xlane v3, v0;
	_ =	sdelay $0x1  }
0x5a2: {  	v3 =	vperm.xlane v3, v2;
	v4 =	vadd.s32 v1, v4;
	_ =	sdelay $0x1  }
0x5a3: {  	v3 =	vadd.s32 v1, v3;
	_ =	sdelay $0x1  }
0x5a4: {  	s15 =	simm.s32 $0x4100  }
0x5a5: {  	[tilespmem:s15], [sflag:$0x1] =	stream.indirect_vreg.gather [hbm4b:s3+s2], $0x80, v4, vm0, $0xb8;
	[tilespmem:$0x10980] =	vst v63  }
0x5a6: {  	s16 =	simm.s32 $0x4900  }
0x5a7: {  	[tilespmem:s16], [sflag:$0x1] =	stream.indirect_vreg.gather [hbm4b:s3+s2], $0x80, v3, vm0, $0xb8;
	[tilespmem:$0x10980] =	vst v63  }
0x5a8: {  	v3 =	vld [tilespmem:$0x50];
	_ =	sdelay $0x4  }
0x5a9: {  	v60 =	vshll.u32 v3, $0x1  }
0x5aa: {  	v3 =	vand.u32 $0x7, v3;
	v4 =	vand.u32 $0xFFFFFFF0, v60  }
0x5ab: {  	v3 =	vor.u32 v3, v4  }
0x5ac: {  	v4 =	vperm.xlane v3, v0;
	_ =	sdelay $0x1  }
0x5ad: {  	v3 =	vperm.xlane v3, v2;
	v4 =	vadd.s32 v1, v4;
	_ =	sdelay $0x1  }
0x5ae: {  	v3 =	vadd.s32 v1, v3;
	_ =	sdelay $0x1  }
0x5af: {  	s5 =	simm.s32 $0x5100  }
0x5b0: {  	[tilespmem:s5], [sflag:$0x1] =	stream.indirect_vreg.gather [hbm4b:s3+s2], $0x80, v4, vm0, $0xb8;
	[tilespmem:$0x10980] =	vst v63  }
0x5b1: {  	s6 =	simm.s32 $0x5900  }
0x5b2: {  	[tilespmem:s6], [sflag:$0x1] =	stream.indirect_vreg.gather [hbm4b:s3+s2], $0x80, v3, vm0, $0xb8;
	[tilespmem:$0x10980] =	vst v63  }
0x5b3: {  	v3 =	vld [tilespmem:$0x60];
	_ =	sdelay $0x4  }
0x5b4: {  	v61 =	vshll.u32 v3, $0x1  }
0x5b5: {  	v3 =	vand.u32 $0x7, v3;
	v4 =	vand.u32 $0xFFFFFFF0, v61  }
0x5b6: {  	v3 =	vor.u32 v3, v4  }
0x5b7: {  	v4 =	vperm.xlane v3, v0;
	_ =	sdelay $0x1  }
0x5b8: {  	v3 =	vperm.xlane v3, v2;
	v4 =	vadd.s32 v1, v4;
	_ =	sdelay $0x1  }
0x5b9: {  	v3 =	vadd.s32 v1, v3;
	_ =	sdelay $0x1  }
0x5ba: {  	s0 =	simm.s32 $0x6100  }
0x5bb: {  	[tilespmem:s0], [sflag:$0x1] =	stream.indirect_vreg.gather [hbm4b:s3+s2], $0x80, v4, vm0, $0xb8;
	[tilespmem:$0x10980] =	vst v63  }
0x5bc: {  	s9 =	simm.s32 $0x6900  }
0x5bd: {  	[tilespmem:s9], [sflag:$0x1] =	stream.indirect_vreg.gather [hbm4b:s3+s2], $0x80, v3, vm0, $0xb8;
	[tilespmem:$0x10980] =	vst v63  }
0x5be: {  	v3 =	vld [tilespmem:$0x70];
	_ =	sdelay $0x4  }
0x5bf: {  	v62 =	vshll.u32 v3, $0x1  }
0x5c0: {  	v3 =	vand.u32 $0x7, v3;
	v4 =	vand.u32 $0xFFFFFFF0, v62  }
0x5c1: {  	v3 =	vor.u32 v3, v4  }
0x5c2: {  	v4 =	vperm.xlane v3, v0;
	_ =	sdelay $0x1  }
0x5c3: {  	v3 =	vperm.xlane v3, v2;
	v4 =	vadd.s32 v1, v4;
	_ =	sdelay $0x1  }
0x5c4: {  	v3 =	vadd.s32 v1, v3;
	_ =	sdelay $0x1  }
0x5c5: {  	s17 =	simm.s32 $0x7100  }
0x5c6: {  	[tilespmem:s17], [sflag:$0x1] =	stream.indirect_vreg.gather [hbm4b:s3+s2], $0x80, v4, vm0, $0xb8;
	[tilespmem:$0x10980] =	vst v63  }
0x5c7: {  	s18 =	simm.s32 $0x7900  }
0x5c8: {  	[tilespmem:s18], [sflag:$0x1] =	stream.indirect_vreg.gather [hbm4b:s3+s2], $0x80, v3, vm0, $0xb8;
	[tilespmem:$0x10980] =	vst v63  }
0x5c9: {  	_ =	swait.ge [sflag:s24], $0x8000  }
0x5ca: {  	[sflag:s24] =	ssyncset.done $0x0  }
0x5cb: {  	s19 =	rddreg [dreg:$0x19];
	[sflag:s24] =	ssyncadd.s32 $0xFFFF8000  }
0x5cc: {  	[hbm4b:s19+s2] =	stream.linear.scatter [tilespmem:s12], [sflag:$0x4], $0x8000, $0x38;
	[tilespmem:$0x10980] =	vst v63  }
0x5cd: {  	_ =	swait.ge [sflag:s22], $0x8000  }
0x5ce: {  	[sflag:s22] =	ssyncset.done $0x0  }
0x5cf: {  	[sflag:s22] =	ssyncadd.s32 $0xFFFF8000  }
0x5d0: {  	_ =	swait.ge [sflag:s26], $0x8000  }
0x5d1: {  	[sflag:s26] =	ssyncset.done $0x0  }
0x5d2: {  	s20 =	rddreg [dreg:$0x1a];
	[sflag:s26] =	ssyncadd.s32 $0xFFFF8000  }
0x5d3: {  	[hbm4b:s20+s2] =	stream.linear.scatter [tilespmem:s28], [sflag:$0x4], $0x8000, $0x38;
	[tilespmem:$0x10980] =	vst v63  }
0x5d4: {  	_ =	swait.ge [sflag:s22], $0x8000  }
0x5d5: {  	[sflag:s22] =	ssyncset.done $0x0  }
0x5d6: {  	s23 =	simm.s32 $0x10100;
	s21 =	rddreg [dreg:$0x1b];
	[sflag:s22] =	ssyncadd.s32 $0xFFFF8000  }
0x5d7: {  	[tilespmem:s23], [sflag:$0x4] =	stream.linear.gather [hbm4b:s21+s2], $0x8, $0x38;
	[tilespmem:$0x10980] =	vst v63  }
0x5d8: {  	_ =	swait.ge [sflag:s22], $0x8  }
0x5d9: {  	[sflag:s22] =	ssyncset.done $0x0  }
0x5da: {  	[sflag:s22] =	ssyncadd.s32 $0xFFFFFFF8  }
0x5db: {  	v3 =	vld.msk [tilespmem:$0x10100], $0xff;
	_ =	sdelay $0x4  }
0x5dc: {  	v63 =	vshll.u32 v3, $0x1  }
0x5dd: {  	v3 =	vand.u32 $0x7, v3;
	v4 =	vand.u32 $0xFFFFFFF0, v63  }
0x5de: {  	v3 =	vor.u32 v3, v4  }
0x5df: {  	v3 =	vperm.xlane v3, v0;
	_ =	sdelay $0x1  }
0x5e0: {  	v3 =	vadd.s32 v1, v3;
	_ =	sdelay $0x3  }
0x5e1: {  	s25 =	simm.s32 $0x3;
	s24 =	simm.s32 $0x10180  }
0x5e2: {  	[tilespmem:s24], [sflag:$0x3] =	stream.indirect_vreg.gather [hbm4b:s3+s2], $0x80, v3, vm0, $0xb8;
	[tilespmem:$0x10980] =	vst v63  }
0x5e3: {  	_ =	swait.ge [sflag:s25], $0x800  }
0x5e4: {  	[sflag:s25] =	ssyncset.done $0x0  }
0x5e5: {  	s29 =	rddreg [dreg:$0x1c];
	[sflag:s25] =	ssyncadd.s32 $0xFFFFF800  }
0x5e6: {  	[hbm4b:s29+s2] =	stream.linear.scatter [tilespmem:s24], [sflag:$0x4], $0x800, $0x38;
	[tilespmem:$0x10980] =	vst v63  }
0x5e7: {  	_ =	swait.ge [sflag:s22], $0x800  }
0x5e8: {  	s30 =	rddreg [dreg:$0x1e]  }
0x5e9: {  	s31 =	rddreg [dreg:$0x1d];
	s0 =	sadd.s32 $0x1, s30  }
0x5ea: {  	p0 =	sne.s32 s0, s31  }
.Ltmp1:
0x5eb: {  	_ = 	snop;
	(pc) =	sbr.rel @p0 .LBB2_1-.Ltmp1, $3  }
0x5ec: {  	_ =	sdelay $0x1  }
0x5ed: {  	[sflag:s22] =	ssyncset.done $0x0  }
0x5ee: {  	[sflag:s22] =	ssyncadd.s32 $0xFFFFF800  }
0x5ef: {  	_ =	sfence.sel $0x180000  }
0x5f0: {  	[bflag:$0x0] =	sbarrier.arrive $0xFFFF  }
0x5f1: {  	_ =	strace $0x90000047  }
0x5f2: {  	s0 =	stileid.u32;
	[bflag:$0x2] =	sbarrier.arrive $0xFFFF  }
0x5f3: {  	p0 =	sne.s32 s0, $0x0;
	s0 =	rddreg [dreg:$0x2]  }
0x5f4: {  	s0 =	sadd.s32 @!p0 $0x100000, s0  }
0x5f5: {  	[sflag:s0] =	ssyncadd.tile.s32 @!p0 $0x1;
	_ =	shalt  }
.Lfunc_end2:
_tile_overlayer_lowered:
.L_overlay_start_2:
0x5f6: {  	(tag) =	ssettag $0x2  }
0x5f7: {  	s0 =	rddreg [dreg:$0x0];
	s2 =	stileid.u32  }
0x5f8: {  	s1 =	rddreg [dreg:$0x1];
	p0 =	sne.s32 s2, $0x0  }
0x5f9: {  	s3 =	rddreg [dreg:$0x2];
	[bflag:$0x3] =	sbarrier.arrive $0xFFFF;
	s2 =	simm.s32 @!p0 $0x1C04  }
0x5fa: {  	[timem:s3], [sflag:s2] =	dma.local @!p0 [hbm:s0], s1  }
0x5fb: {  	s0 =	simm.s32 @!p0 $0x4  }
0x5fc: {  	_ =	swait.ge @!p0 [sflag:s0], s1  }
0x5fd: {  	s1 =	ssub.s32 @!p0 $0x0, s1;
	[sflag:s0] =	ssyncset.done @!p0 $0x0  }
0x5fe: {  	[sflag:s0] =	ssyncadd.s32 @!p0 s1  }
0x5ff: {  	[bflag:$0x3] =	sbarrier.arrive $0xFFFF  }
0x600: {  	_ =	shalt  }

</sc_bundles>
